<compile_context>
chip_gen: v7x
topology: tpu7x:2x2x1
jax: 0.10.2.dev20260603
libtpu: 0.0.44.dev20260713+nightly
codegen_flags: <defaults>
</compile_context>

<pallas_src>
import jax
import jax.numpy as jnp
from jax import lax
from jax.experimental import pallas as pl
from jax.experimental.pallas import tpu as pltpu
from jax.experimental.pallas import tpu_sc as plsc

N = 10000
D = 128
E = 320000

NC = 2
NS = 16
NW = NC * NS
EPW = E // NW
CH = 80
NCH = EPW // CH
NP = 10240
RPT = NP // NS
ZR = 32

BR = 640
GN = NP // BR

_mesh = plsc.VectorSubcoreMesh(core_axis_name="c", subcore_axis_name="s")


def _zero_fill(zb, nrows, width):

    def row(i, _):
        def col(j, _):
            zb[i, pl.ds(j * 16, 16)] = jnp.zeros((16,), jnp.float32)
            return 0

        return lax.fori_loop(0, width // 16, col, 0)

    lax.fori_loop(0, nrows, row, 0)


_DEG_KW = dict(
    out_type=jax.ShapeDtypeStruct((NC, NS, RPT), jnp.float32),
    mesh=_mesh,
    scratch_types=[
        pltpu.VMEM((NCH, CH), jnp.int32),
        pltpu.VMEM((CH,), jnp.int32),
        pltpu.VMEM((CH,), jnp.int32),
        pltpu.VMEM((CH,), jnp.float32),
        pltpu.VMEM((RPT,), jnp.float32),
        pltpu.VMEM_SHARED((NP,), jnp.float32),
        pltpu.SemaphoreType.DMA,
        pltpu.SemaphoreType.DMA,
    ],
)


def _deg_body(dst_hbm, out_hbm, idx_v, db0, db1, ones_v, zb_v, acc_sh,
              dsem0, dsem1):
    cid = lax.axis_index("c")
    sid = lax.axis_index("s")
    wid = sid * NC + cid
    r0 = sid * RPT

    def fill16(i, _):
        ones_v[pl.ds(i * 16, 16)] = jnp.ones((16,), jnp.float32)
        return 0

    lax.fori_loop(0, CH // 16, fill16, 0)

    def zfill(i, _):
        zb_v[pl.ds(i * 16, 16)] = jnp.zeros((16,), jnp.float32)
        return 0

    lax.fori_loop(0, RPT // 16, zfill, 0)
    pltpu.sync_copy(zb_v, acc_sh.at[pl.ds(r0, RPT)])
    pltpu.sync_copy(dst_hbm.at[wid], idx_v)
    plsc.subcore_barrier()

    def decode(j, db):
        for v in range(CH // 16):
            sl = pl.ds(v * 16, 16)
            db[sl] = idx_v[j, sl]

    decode(0, db0)
    pltpu.async_copy(ones_v, acc_sh.at[db0], dsem0, add=True)

    def pair(jj, _):
        i0 = 2 * jj
        decode(i0 + 1, db1)
        pltpu.async_copy(ones_v, acc_sh.at[db1], dsem1, add=True)
        pltpu.make_async_copy(ones_v, acc_sh.at[db0], dsem0).wait()
        decode(i0 + 2, db0)
        pltpu.async_copy(ones_v, acc_sh.at[db0], dsem0, add=True)
        pltpu.make_async_copy(ones_v, acc_sh.at[db1], dsem1).wait()
        return 0

    lax.fori_loop(0, NCH // 2, pair, 0)
    pltpu.make_async_copy(ones_v, acc_sh.at[db0], dsem0).wait()
    plsc.subcore_barrier()
    pltpu.sync_copy(acc_sh.at[pl.ds(r0, RPT)], zb_v)
    pltpu.sync_copy(zb_v, out_hbm.at[cid, sid])


_deg_kernel = pl.kernel(_deg_body, **_DEG_KW)


_AGG_KW = dict(
    out_type=jax.ShapeDtypeStruct((NC, NP, D), jnp.float32),
    mesh=_mesh,
    scratch_types=[
        pltpu.VMEM((NCH, CH), jnp.int32),
        pltpu.VMEM((CH,), jnp.int32),
        pltpu.VMEM((CH,), jnp.int32),
        pltpu.VMEM((CH,), jnp.int32),
        pltpu.VMEM((CH,), jnp.int32),
        pltpu.VMEM((CH, D), jnp.float32),
        pltpu.VMEM((CH, D), jnp.float32),
        pltpu.VMEM((ZR, D), jnp.float32),
        pltpu.VMEM_SHARED((NP, D), jnp.float32),
        pltpu.SemaphoreType.DMA,
        pltpu.SemaphoreType.DMA,
        pltpu.SemaphoreType.DMA,
    ],
)


def _agg_body(zs_hbm, pk_hbm, out_hbm, pk, sb0, db0, sb1, db1,
              rows0, rows1, zb, acc, sem0, sem1, sem2):
    cid = lax.axis_index("c")
    sid = lax.axis_index("s")
    wid = sid * NC + cid
    r0 = sid * RPT

    _zero_fill(zb, ZR, D)

    def zcopy(t, _):
        pltpu.sync_copy(zb, acc.at[pl.ds(r0 + t * ZR, ZR)])
        return 0

    lax.fori_loop(0, RPT // ZR, zcopy, 0)
    pltpu.sync_copy(pk_hbm.at[wid], pk)
    plsc.subcore_barrier()

    def decode(j, sb, db):
        for v in range(CH // 16):
            sl = pl.ds(v * 16, 16)
            code = pk[j, sl]
            sb[sl] = lax.shift_right_logical(code, 14)
            db[sl] = lax.bitwise_and(code, 16383)

    decode(0, sb0, db0)
    pltpu.async_copy(zs_hbm.at[sb0], rows0, sem0)

    def pair(jj, _):
        i0 = 2 * jj
        decode(i0 + 1, sb1, db1)
        pltpu.async_copy(zs_hbm.at[sb1], rows1, sem1)
        pltpu.make_async_copy(zs_hbm.at[sb0], rows0, sem0).wait()
        pltpu.async_copy(rows0, acc.at[db0], sem2, add=True).wait()
        decode(i0 + 2, sb0, db0)
        pltpu.async_copy(zs_hbm.at[sb0], rows0, sem0)
        pltpu.make_async_copy(zs_hbm.at[sb1], rows1, sem1).wait()
        pltpu.async_copy(rows1, acc.at[db1], sem2, add=True).wait()
        return 0

    lax.fori_loop(0, NCH // 2, pair, 0)
    pltpu.make_async_copy(zs_hbm.at[sb0], rows0, sem0).wait()
    pltpu.async_copy(rows0, acc.at[db0], sem2, add=True).wait()
    plsc.subcore_barrier()

    def rcopy(t, _):
        pltpu.sync_copy(acc.at[pl.ds(r0 + t * ZR, ZR)], zb)
        pltpu.sync_copy(zb, out_hbm.at[cid, pl.ds(r0 + t * ZR, ZR)])
        return 0

    lax.fori_loop(0, RPT // ZR, rcopy, 0)


_agg_kernel = pl.kernel(_agg_body, **_AGG_KW)


def _dinv_block(degp):
    deg = degp[0, :] + degp[1, :] + 1.0
    return lax.rsqrt(deg).reshape(deg.shape[0], 1)


def _lrelu(x):
    return jnp.where(x >= 0, x, 0.01 * x)


def _pre_body(degp_ref, x_ref, w_ref, zs_ref):
    dinv = _dinv_block(degp_ref[...])
    xw = jnp.dot(x_ref[...], w_ref[...], preferred_element_type=jnp.float32)
    zs_ref[...] = xw * dinv


_pre = pl.pallas_call(
    _pre_body,
    grid=(GN,),
    in_specs=[
        pl.BlockSpec((NC, BR), lambda i: (0, i)),
        pl.BlockSpec((BR, D), lambda i: (i, 0)),
        pl.BlockSpec((D, D), lambda i: (0, 0)),
    ],
    out_specs=pl.BlockSpec((BR, D), lambda i: (i, 0)),
    out_shape=jax.ShapeDtypeStruct((NP, D), jnp.float32),
)


def _mid_body(degp_ref, agg_ref, zs_ref, b_ref, w_ref, out_ref):
    dinv = _dinv_block(degp_ref[...])
    h = _lrelu(dinv * (agg_ref[0] + agg_ref[1] + zs_ref[...]) + b_ref[...])
    out_ref[...] = jnp.dot(
        h, w_ref[...], preferred_element_type=jnp.float32) * dinv


_mid = pl.pallas_call(
    _mid_body,
    grid=(GN,),
    in_specs=[
        pl.BlockSpec((NC, BR), lambda i: (0, i)),
        pl.BlockSpec((NC, BR, D), lambda i: (0, i, 0)),
        pl.BlockSpec((BR, D), lambda i: (i, 0)),
        pl.BlockSpec((1, D), lambda i: (0, 0)),
        pl.BlockSpec((D, D), lambda i: (0, 0)),
    ],
    out_specs=pl.BlockSpec((BR, D), lambda i: (i, 0)),
    out_shape=jax.ShapeDtypeStruct((NP, D), jnp.float32),
)


def _post_body(degp_ref, agg_ref, zs_ref, b_ref, wf1_ref, bf1_ref,
               wf2_ref, bf2_ref, wo_ref, bo_ref, out_ref, accs):
    i = pl.program_id(0)
    dinv = _dinv_block(degp_ref[...])
    h = _lrelu(dinv * (agg_ref[0] + agg_ref[1] + zs_ref[...]) + b_ref[...])
    rowid = lax.broadcasted_iota(jnp.int32, (BR, 1), 0) + i * BR
    h = jnp.where(rowid < N, h, 0.0)
    psum = jnp.sum(h, axis=0, keepdims=True)

    @pl.when(i == 0)
    def _():
        accs[...] = psum

    @pl.when(i > 0)
    def _():
        accs[...] = accs[...] + psum

    @pl.when(i == GN - 1)
    def _():
        pooled = accs[...] / float(N)
        f = jnp.dot(pooled, wf1_ref[...],
                    preferred_element_type=jnp.float32) + bf1_ref[...]
        f = _lrelu(f)
        f = jnp.dot(f, wf2_ref[...],
                    preferred_element_type=jnp.float32) + bf2_ref[...]
        f = _lrelu(f)
        out_ref[...] = jnp.dot(
            f, wo_ref[...], preferred_element_type=jnp.float32) + bo_ref[...]


_post = pl.pallas_call(
    _post_body,
    grid=(GN,),
    in_specs=[
        pl.BlockSpec((NC, BR), lambda i: (0, i)),
        pl.BlockSpec((NC, BR, D), lambda i: (0, i, 0)),
        pl.BlockSpec((BR, D), lambda i: (i, 0)),
        pl.BlockSpec((1, D), lambda i: (0, 0)),
        pl.BlockSpec((D, D), lambda i: (0, 0)),
        pl.BlockSpec((1, D), lambda i: (0, 0)),
        pl.BlockSpec((D, D), lambda i: (0, 0)),
        pl.BlockSpec((1, D), lambda i: (0, 0)),
        pl.BlockSpec((D, 1), lambda i: (0, 0)),
        pl.BlockSpec((1, 1), lambda i: (0, 0)),
    ],
    out_specs=pl.BlockSpec((1, 1), lambda i: (0, 0)),
    out_shape=jax.ShapeDtypeStruct((1, 1), jnp.float32),
    scratch_shapes=[pltpu.VMEM((1, D), jnp.float32)],
)


def kernel(x, edge_index, batch, W1, b1, W2, b2, Wf1, bf1, Wf2, bf2, Wout, bout):
    src = edge_index[0]
    dst = edge_index[1]
    pk = jnp.bitwise_or(jnp.left_shift(src, 14), dst).reshape(NW, NCH, CH)
    dst3 = dst.reshape(NW, NCH, CH)
    xpad = jnp.concatenate(
        [x, jnp.zeros((NP - N, D), jnp.float32)], axis=0)
    degp = _deg_kernel(dst3).reshape(NC, NP)
    zs1 = _pre(degp, xpad, W1)
    agg1 = _agg_kernel(zs1, pk)
    zs2 = _mid(degp, agg1, zs1, b1.reshape(1, D), W2)
    agg2 = _agg_kernel(zs2, pk)
    return _post(degp, agg2, zs2, b2.reshape(1, D),
                 Wf1, bf1.reshape(1, D), Wf2, bf2.reshape(1, D),
                 Wout, bout.reshape(1, 1))

# --- scband reference (transcript-rebuilt; emitter-appended) ---
"""Pipeline reference for scband-multi-gcn-47047071761042 (READ-ONLY COPY).

The authoritative reference and input builder live on the scoring server;
editing this copy changes nothing except your own understanding.
"""

import jax, jax.numpy as jnp
import numpy as np

N = 10000
E = 320000
D = 128

def _glorot(key, shape):
    fan = shape[0]
    return jax.random.normal(key, shape, dtype=jnp.float32) / np.sqrt(fan)

def setup_inputs(seed: int = 0) -> dict:
    key = jax.random.key(seed)
    ks = jax.random.split(key, 12)
    inp = {}
    inp['x'] = jax.random.normal(ks[0], (N, D), dtype=jnp.float32)
    inp['edge_index'] = jax.random.randint(ks[1], (2, E), 0, N, dtype=jnp.int32)
    inp['batch'] = jnp.zeros((N,), dtype=jnp.int32)
    inp['W1'] = _glorot(ks[2], (D, D)); inp['b1'] = jnp.zeros((D,), dtype=jnp.float32)
    inp['W2'] = _glorot(ks[3], (D, D)); inp['b2'] = jnp.zeros((D,), dtype=jnp.float32)
    inp['Wf1'] = _glorot(ks[4], (D, 128)); inp['bf1'] = jnp.zeros((128,), dtype=jnp.float32)
    inp['Wf2'] = _glorot(ks[5], (128, 128)); inp['bf2'] = jnp.zeros((128,), dtype=jnp.float32)
    inp['Wout'] = _glorot(ks[6], (128, 1)); inp['bout'] = jnp.zeros((1,), dtype=jnp.float32)
    return inp

def _leaky_relu(x):
    return jnp.where(x >= 0, x, 0.01 * x)

def _gcn_layer(x, W, b, src, dst, n):
    # GCNConv with add_self_loops=True, symmetric normalization, bias
    xw = x @ W
    loop = jnp.arange(n, dtype=src.dtype)
    src_f = jnp.concatenate([src, loop])
    dst_f = jnp.concatenate([dst, loop])
    deg = jnp.zeros((n,), dtype=xw.dtype).at[dst_f].add(1.0)
    dinv = jax.lax.rsqrt(jnp.maximum(deg, 1e-12))
    norm = dinv[src_f] * dinv[dst_f]
    msgs = jnp.take(xw, src_f, axis=0) * norm[:, None]
    out = jnp.zeros_like(xw).at[dst_f].add(msgs)
    return out + b

def reference(x, edge_index, batch, W1, b1, W2, b2, Wf1, bf1, Wf2, bf2, Wout, bout):
    src = edge_index[0]
    dst = edge_index[1]
    n = x.shape[0]
    h = _leaky_relu(_gcn_layer(x, W1, b1, src, dst, n))
    h = _leaky_relu(_gcn_layer(h, W2, b2, src, dst, n))
    num_graphs = 1
    sums = jax.ops.segment_sum(h, batch, num_segments=num_graphs)
    counts = jax.ops.segment_sum(jnp.ones((n, 1), dtype=h.dtype), batch, num_segments=num_graphs)
    pooled = sums / jnp.maximum(counts, 1.0)
    f = _leaky_relu(pooled @ Wf1 + bf1)
    f = _leaky_relu(f @ Wf2 + bf2)
    return f @ Wout + bout

if __name__ == "__main__":
    import jax
    _d = setup_inputs()
    print(jax.jit(kernel)(*tuple(_d.values())))

</pallas_src>

<mosaic_0001>
#map = affine_map<(d0, d1) -> (0, 0, 0)>
module attributes {stable_mosaic.version = 14 : i64} {
  func.func @_deg_body(%arg0: i32, %arg1: i32, %arg2: memref<32x125x80xi32, #tpu.memory_space<hbm>>, %arg3: memref<2x16x640xf32, #tpu.memory_space<hbm>>, %arg4: memref<125x80xi32, #tpu.memory_space<vmem>>, %arg5: memref<80xi32, #tpu.memory_space<vmem>>, %arg6: memref<80xi32, #tpu.memory_space<vmem>>, %arg7: memref<80xf32, #tpu.memory_space<vmem>>, %arg8: memref<640xf32, #tpu.memory_space<vmem>>, %arg9: memref<10240xf32, #tpu.memory_space<vmem_shared>>, %arg10: memref<!tpu.dma_semaphore, #tpu.memory_space<semaphore_mem>>, %arg11: memref<!tpu.dma_semaphore, #tpu.memory_space<semaphore_mem>>) attributes {dimension_semantics = [#tpu.dimension_semantics<core_parallel>, #tpu.dimension_semantics<subcore_parallel>], iteration_bounds = array<i64: 2, 16>, scalar_prefetch = 0 : i64, scratch_operands = 8 : i64, tpu.core_type = #tpu.core_type<sc_vector_subcore>, window_params = [{transform_indices = #map}, {transform_indices = #map}]} {
    %mul3A = arith.constant 2 : i32
    %mul3A_0 = arith.muli %arg1, %mul3A : i32
    %add3A = arith.addi %mul3A_0, %arg0 : i32
    %mul3A_1 = arith.constant 640 : i32
    %mul3A_2 = arith.muli %arg1, %mul3A_1 : i32
    %scan3A = arith.constant 0 : i32
    %scan3A_3 = arith.constant 0 : i32
    %scan3A_4 = arith.constant 5 : i32
    %scan3A_5 = arith.addi %scan3A_3, %scan3A_4 : i32
    %scan3A_6 = arith.constant 1 : i32
    %scan3A_7 = scf.for %scan3A_69 = %scan3A_3 to %scan3A_5 step %scan3A_6 iter_args(%scan3A_70 = %scan3A) -> (i32)  : i32 {
      %broadcast_in_dim3A = arith.constant 1.000000e+00 : f32
      %broadcast_in_dim3A_71 = vector.broadcast %broadcast_in_dim3A : f32 to vector<16xf32>
      %mul3A_72 = arith.constant 16 : i32
      %mul3A_73 = arith.muli %scan3A_69, %mul3A_72 : i32
      %swap3A_74 = arith.index_cast %mul3A_73 : i32 to index
      %swap3A_75 = tpu.vector_load %arg7[%swap3A_74] {strides = array<i32>} : memref<80xf32, #tpu.memory_space<vmem>>, vector<16xf32>,
      %swap3A_76 = vector.shape_cast %swap3A_75 : vector<16xf32> to vector<16xf32>
      %swap3A_77 = vector.shape_cast %broadcast_in_dim3A_71 : vector<16xf32> to vector<16xf32>
      tpu.vector_store %arg7[%swap3A_74], %swap3A_77 {strides = array<i32>} : memref<80xf32, #tpu.memory_space<vmem>>, vector<16xf32>,
      %scan3A_78 = arith.constant 0 : i32
      scf.yield %scan3A_78 : i32
    }
    %scan3A_8 = arith.constant 5 : i32
    %scan3A_9 = arith.constant 0 : i32
    %scan3A_10 = arith.constant 0 : i32
    %scan3A_11 = arith.constant 40 : i32
    %scan3A_12 = arith.addi %scan3A_10, %scan3A_11 : i32
    %scan3A_13 = arith.constant 1 : i32
    %scan3A_14 = scf.for %scan3A_69 = %scan3A_10 to %scan3A_12 step %scan3A_13 iter_args(%scan3A_70 = %scan3A_9) -> (i32)  : i32 {
      %broadcast_in_dim3A = arith.constant 0.000000e+00 : f32
      %broadcast_in_dim3A_71 = vector.broadcast %broadcast_in_dim3A : f32 to vector<16xf32>
      %mul3A_72 = arith.constant 16 : i32
      %mul3A_73 = arith.muli %scan3A_69, %mul3A_72 : i32
      %swap3A_74 = arith.index_cast %mul3A_73 : i32 to index
      %swap3A_75 = tpu.vector_load %arg8[%swap3A_74] {strides = array<i32>} : memref<640xf32, #tpu.memory_space<vmem>>, vector<16xf32>,
      %swap3A_76 = vector.shape_cast %swap3A_75 : vector<16xf32> to vector<16xf32>
      %swap3A_77 = vector.shape_cast %broadcast_in_dim3A_71 : vector<16xf32> to vector<16xf32>
      tpu.vector_store %arg8[%swap3A_74], %swap3A_77 {strides = array<i32>} : memref<640xf32, #tpu.memory_space<vmem>>, vector<16xf32>,
      %scan3A_78 = arith.constant 0 : i32
      scf.yield %scan3A_78 : i32
    }
    %scan3A_15 = arith.constant 40 : i32
    "tpu.region"() ({
      %run_scoped3A = tpu.sem_alloc : memref<!tpu.dma_semaphore, #tpu.memory_space<semaphore_mem>>
      %dma_start3A_69 = tpu.memref_slice %arg9[%mul3A_2] : memref<10240xf32, #tpu.memory_space<vmem_shared>> -> memref<640xf32, #tpu.memory_space<vmem_shared>>
      %dma_start3A_70 = tpu.memref_slice %arg9[%mul3A_2] : memref<10240xf32, #tpu.memory_space<vmem_shared>> -> memref<640xf32, #tpu.memory_space<vmem_shared>>
      tpu.enqueue_dma source(%arg8 : memref<640xf32, #tpu.memory_space<vmem>>) target(%dma_start3A_70 : memref<640xf32, #tpu.memory_space<vmem_shared>>) target_semaphore(%run_scoped3A : memref<!tpu.dma_semaphore, #tpu.memory_space<semaphore_mem>>)
      %dma_wait3A_71 = tpu.memref_slice %arg9[%mul3A_2] : memref<10240xf32, #tpu.memory_space<vmem_shared>> -> memref<640xf32, #tpu.memory_space<vmem_shared>>
      %dma_wait3A_72 = tpu.memref_slice %arg9[%mul3A_2] : memref<10240xf32, #tpu.memory_space<vmem_shared>> -> memref<640xf32, #tpu.memory_space<vmem_shared>>
      tpu.wait_dma2 semaphore(%run_scoped3A : memref<!tpu.dma_semaphore, #tpu.memory_space<semaphore_mem>>) src(%arg8 : memref<640xf32, #tpu.memory_space<vmem>>) dst(%dma_wait3A_72 : memref<640xf32, #tpu.memory_space<vmem_shared>>)
      tpu.yield
    }) : () -> ()
    "tpu.region"() ({
      %run_scoped3A = tpu.sem_alloc : memref<!tpu.dma_semaphore, #tpu.memory_space<semaphore_mem>>
      %dma_start3A_69 = arith.constant 0 : i32
      %dma_start3A_70 = arith.constant 0 : i32
      %dma_start3A_71 = tpu.memref_slice %arg2[%add3A, %dma_start3A_69, %dma_start3A_70] : memref<32x125x80xi32, #tpu.memory_space<hbm>> -> memref<1x125x80xi32, #tpu.memory_space<hbm>>
      %dma_start3A_72 = tpu.memref_squeeze %dma_start3A_71 : memref<1x125x80xi32, #tpu.memory_space<hbm>> -> memref<125x80xi32, #tpu.memory_space<hbm>>
      %dma_start3A_73 = arith.constant 0 : i32
      %dma_start3A_74 = arith.constant 0 : i32
      %dma_start3A_75 = tpu.memref_slice %arg2[%add3A, %dma_start3A_73, %dma_start3A_74] : memref<32x125x80xi32, #tpu.memory_space<hbm>> -> memref<1x125x80xi32, #tpu.memory_space<hbm>>
      %dma_start3A_76 = tpu.memref_squeeze %dma_start3A_75 : memref<1x125x80xi32, #tpu.memory_space<hbm>> -> memref<125x80xi32, #tpu.memory_space<hbm>>
      tpu.enqueue_dma source(%dma_start3A_76 : memref<125x80xi32, #tpu.memory_space<hbm>>) target(%arg4 : memref<125x80xi32, #tpu.memory_space<vmem>>) target_semaphore(%run_scoped3A : memref<!tpu.dma_semaphore, #tpu.memory_space<semaphore_mem>>)
      %dma_wait3A_77 = arith.constant 0 : i32
      %dma_wait3A_78 = arith.constant 0 : i32
      %dma_wait3A_79 = tpu.memref_slice %arg2[%add3A, %dma_wait3A_77, %dma_wait3A_78] : memref<32x125x80xi32, #tpu.memory_space<hbm>> -> memref<1x125x80xi32, #tpu.memory_space<hbm>>
      %dma_wait3A_80 = tpu.memref_squeeze %dma_wait3A_79 : memref<1x125x80xi32, #tpu.memory_space<hbm>> -> memref<125x80xi32, #tpu.memory_space<hbm>>
      %dma_wait3A_81 = arith.constant 0 : i32
      %dma_wait3A_82 = arith.constant 0 : i32
      %dma_wait3A_83 = tpu.memref_slice %arg2[%add3A, %dma_wait3A_81, %dma_wait3A_82] : memref<32x125x80xi32, #tpu.memory_space<hbm>> -> memref<1x125x80xi32, #tpu.memory_space<hbm>>
      %dma_wait3A_84 = tpu.memref_squeeze %dma_wait3A_83 : memref<1x125x80xi32, #tpu.memory_space<hbm>> -> memref<125x80xi32, #tpu.memory_space<hbm>>
      tpu.wait_dma2 semaphore(%run_scoped3A : memref<!tpu.dma_semaphore, #tpu.memory_space<semaphore_mem>>) src(%dma_wait3A_84 : memref<125x80xi32, #tpu.memory_space<hbm>>) dst(%arg4 : memref<125x80xi32, #tpu.memory_space<vmem>>)
      tpu.yield
    }) : () -> ()
    %barrier3A = arith.constant 0 : index
    tpu.barrier barrier_id(%barrier3A)
    %get3A = arith.constant 0 : i32
    %get3A_16 = arith.index_cast %get3A : i32 to index
    %get3A_17 = arith.constant 0 : index
    %get3A_18 = tpu.vector_load %arg4[%get3A_16, %get3A_17] {strides = array<i32>} : memref<125x80xi32, #tpu.memory_space<vmem>>, vector<1x16xi32>,
    %get3A_19 = vector.shape_cast %get3A_18 : vector<1x16xi32> to vector<16xi32>
    %swap3A = arith.constant 0 : index
    %swap3A_20 = tpu.vector_load %arg5[%swap3A] {strides = array<i32>} : memref<80xi32, #tpu.memory_space<vmem>>, vector<16xi32>,
    %swap3A_21 = vector.shape_cast %swap3A_20 : vector<16xi32> to vector<16xi32>
    %swap3A_22 = vector.shape_cast %get3A_19 : vector<16xi32> to vector<16xi32>
    tpu.vector_store %arg5[%swap3A], %swap3A_22 {strides = array<i32>} : memref<80xi32, #tpu.memory_space<vmem>>, vector<16xi32>,
    %get3A_23 = arith.constant 0 : i32
    %get3A_24 = arith.index_cast %get3A_23 : i32 to index
    %get3A_25 = arith.constant 16 : index
    %get3A_26 = tpu.vector_load %arg4[%get3A_24, %get3A_25] {strides = array<i32>} : memref<125x80xi32, #tpu.memory_space<vmem>>, vector<1x16xi32>,
    %get3A_27 = vector.shape_cast %get3A_26 : vector<1x16xi32> to vector<16xi32>
    %swap3A_28 = arith.constant 16 : index
    %swap3A_29 = tpu.vector_load %arg5[%swap3A_28] {strides = array<i32>} : memref<80xi32, #tpu.memory_space<vmem>>, vector<16xi32>,
    %swap3A_30 = vector.shape_cast %swap3A_29 : vector<16xi32> to vector<16xi32>
    %swap3A_31 = vector.shape_cast %get3A_27 : vector<16xi32> to vector<16xi32>
    tpu.vector_store %arg5[%swap3A_28], %swap3A_31 {strides = array<i32>} : memref<80xi32, #tpu.memory_space<vmem>>, vector<16xi32>,
    %get3A_32 = arith.constant 0 : i32
    %get3A_33 = arith.index_cast %get3A_32 : i32 to index
    %get3A_34 = arith.constant 32 : index
    %get3A_35 = tpu.vector_load %arg4[%get3A_33, %get3A_34] {strides = array<i32>} : memref<125x80xi32, #tpu.memory_space<vmem>>, vector<1x16xi32>,
    %get3A_36 = vector.shape_cast %get3A_35 : vector<1x16xi32> to vector<16xi32>
    %swap3A_37 = arith.constant 32 : index
    %swap3A_38 = tpu.vector_load %arg5[%swap3A_37] {strides = array<i32>} : memref<80xi32, #tpu.memory_space<vmem>>, vector<16xi32>,
    %swap3A_39 = vector.shape_cast %swap3A_38 : vector<16xi32> to vector<16xi32>
    %swap3A_40 = vector.shape_cast %get3A_36 : vector<16xi32> to vector<16xi32>
    tpu.vector_store %arg5[%swap3A_37], %swap3A_40 {strides = array<i32>} : memref<80xi32, #tpu.memory_space<vmem>>, vector<16xi32>,
    %get3A_41 = arith.constant 0 : i32
    %get3A_42 = arith.index_cast %get3A_41 : i32 to index
    %get3A_43 = arith.constant 48 : index
    %get3A_44 = tpu.vector_load %arg4[%get3A_42, %get3A_43] {strides = array<i32>} : memref<125x80xi32, #tpu.memory_space<vmem>>, vector<1x16xi32>,
    %get3A_45 = vector.shape_cast %get3A_44 : vector<1x16xi32> to vector<16xi32>
    %swap3A_46 = arith.constant 48 : index
    %swap3A_47 = tpu.vector_load %arg5[%swap3A_46] {strides = array<i32>} : memref<80xi32, #tpu.memory_space<vmem>>, vector<16xi32>,
    %swap3A_48 = vector.shape_cast %swap3A_47 : vector<16xi32> to vector<16xi32>
    %swap3A_49 = vector.shape_cast %get3A_45 : vector<16xi32> to vector<16xi32>
    tpu.vector_store %arg5[%swap3A_46], %swap3A_49 {strides = array<i32>} : memref<80xi32, #tpu.memory_space<vmem>>, vector<16xi32>,
    %get3A_50 = arith.constant 0 : i32
    %get3A_51 = arith.index_cast %get3A_50 : i32 to index
    %get3A_52 = arith.constant 64 : index
    %get3A_53 = tpu.vector_load %arg4[%get3A_51, %get3A_52] {strides = array<i32>} : memref<125x80xi32, #tpu.memory_space<vmem>>, vector<1x16xi32>,
    %get3A_54 = vector.shape_cast %get3A_53 : vector<1x16xi32> to vector<16xi32>
    %swap3A_55 = arith.constant 64 : index
    %swap3A_56 = tpu.vector_load %arg5[%swap3A_55] {strides = array<i32>} : memref<80xi32, #tpu.memory_space<vmem>>, vector<16xi32>,
    %swap3A_57 = vector.shape_cast %swap3A_56 : vector<16xi32> to vector<16xi32>
    %swap3A_58 = vector.shape_cast %get3A_54 : vector<16xi32> to vector<16xi32>
    tpu.vector_store %arg5[%swap3A_55], %swap3A_58 {strides = array<i32>} : memref<80xi32, #tpu.memory_space<vmem>>, vector<16xi32>,
    %dma_start3A = arith.constant 0 : i32
    %dma_start3A_59 = tpu.memref_slice %arg9[%dma_start3A] : memref<10240xf32, #tpu.memory_space<vmem_shared>> -> memref<10240xf32, #tpu.memory_space<vmem_shared>>
    tpu.enqueue_indirect_dma source(%arg7 : memref<80xf32, #tpu.memory_space<vmem>>) target(%dma_start3A_59 : memref<10240xf32, #tpu.memory_space<vmem_shared>>) offsets(%arg5 : memref<80xi32, #tpu.memory_space<vmem>>) semaphore(%arg10 : memref<!tpu.dma_semaphore, #tpu.memory_space<semaphore_mem>>) {add = true}
    %scan3A_60 = arith.constant 0 : i32
    %scan3A_61 = arith.constant 0 : i32
    %scan3A_62 = arith.constant 62 : i32
    %scan3A_63 = arith.addi %scan3A_61, %scan3A_62 : i32
    %scan3A_64 = arith.constant 1 : i32
    %scan3A_65 = scf.for %scan3A_69 = %scan3A_61 to %scan3A_63 step %scan3A_64 iter_args(%scan3A_70 = %scan3A_60) -> (i32)  : i32 {
      %mul3A_71 = arith.constant 2 : i32
      %mul3A_72 = arith.muli %mul3A_71, %scan3A_69 : i32
      %add3A_73 = arith.constant 1 : i32
      %add3A_74 = arith.addi %mul3A_72, %add3A_73 : i32
      %get3A_75 = arith.index_cast %add3A_74 : i32 to index
      %get3A_76 = arith.constant 0 : index
      %get3A_77 = tpu.vector_load %arg4[%get3A_75, %get3A_76] {strides = array<i32>} : memref<125x80xi32, #tpu.memory_space<vmem>>, vector<1x16xi32>,
      %get3A_78 = vector.shape_cast %get3A_77 : vector<1x16xi32> to vector<16xi32>
      %swap3A_79 = arith.constant 0 : index
      %swap3A_80 = tpu.vector_load %arg6[%swap3A_79] {strides = array<i32>} : memref<80xi32, #tpu.memory_space<vmem>>, vector<16xi32>,
      %swap3A_81 = vector.shape_cast %swap3A_80 : vector<16xi32> to vector<16xi32>
      %swap3A_82 = vector.shape_cast %get3A_78 : vector<16xi32> to vector<16xi32>
      tpu.vector_store %arg6[%swap3A_79], %swap3A_82 {strides = array<i32>} : memref<80xi32, #tpu.memory_space<vmem>>, vector<16xi32>,
      %get3A_83 = arith.index_cast %add3A_74 : i32 to index
      %get3A_84 = arith.constant 16 : index
      %get3A_85 = tpu.vector_load %arg4[%get3A_83, %get3A_84] {strides = array<i32>} : memref<125x80xi32, #tpu.memory_space<vmem>>, vector<1x16xi32>,
      %get3A_86 = vector.shape_cast %get3A_85 : vector<1x16xi32> to vector<16xi32>
      %swap3A_87 = arith.constant 16 : index
      %swap3A_88 = tpu.vector_load %arg6[%swap3A_87] {strides = array<i32>} : memref<80xi32, #tpu.memory_space<vmem>>, vector<16xi32>,
      %swap3A_89 = vector.shape_cast %swap3A_88 : vector<16xi32> to vector<16xi32>
      %swap3A_90 = vector.shape_cast %get3A_86 : vector<16xi32> to vector<16xi32>
      tpu.vector_store %arg6[%swap3A_87], %swap3A_90 {strides = array<i32>} : memref<80xi32, #tpu.memory_space<vmem>>, vector<16xi32>,
      %get3A_91 = arith.index_cast %add3A_74 : i32 to index
      %get3A_92 = arith.constant 32 : index
      %get3A_93 = tpu.vector_load %arg4[%get3A_91, %get3A_92] {strides = array<i32>} : memref<125x80xi32, #tpu.memory_space<vmem>>, vector<1x16xi32>,
      %get3A_94 = vector.shape_cast %get3A_93 : vector<1x16xi32> to vector<16xi32>
      %swap3A_95 = arith.constant 32 : index
      %swap3A_96 = tpu.vector_load %arg6[%swap3A_95] {strides = array<i32>} : memref<80xi32, #tpu.memory_space<vmem>>, vector<16xi32>,
      %swap3A_97 = vector.shape_cast %swap3A_96 : vector<16xi32> to vector<16xi32>
      %swap3A_98 = vector.shape_cast %get3A_94 : vector<16xi32> to vector<16xi32>
      tpu.vector_store %arg6[%swap3A_95], %swap3A_98 {strides = array<i32>} : memref<80xi32, #tpu.memory_space<vmem>>, vector<16xi32>,
      %get3A_99 = arith.index_cast %add3A_74 : i32 to index
      %get3A_100 = arith.constant 48 : index
      %get3A_101 = tpu.vector_load %arg4[%get3A_99, %get3A_100] {strides = array<i32>} : memref<125x80xi32, #tpu.memory_space<vmem>>, vector<1x16xi32>,
      %get3A_102 = vector.shape_cast %get3A_101 : vector<1x16xi32> to vector<16xi32>
      %swap3A_103 = arith.constant 48 : index
      %swap3A_104 = tpu.vector_load %arg6[%swap3A_103] {strides = array<i32>} : memref<80xi32, #tpu.memory_space<vmem>>, vector<16xi32>,
      %swap3A_105 = vector.shape_cast %swap3A_104 : vector<16xi32> to vector<16xi32>
      %swap3A_106 = vector.shape_cast %get3A_102 : vector<16xi32> to vector<16xi32>
      tpu.vector_store %arg6[%swap3A_103], %swap3A_106 {strides = array<i32>} : memref<80xi32, #tpu.memory_space<vmem>>, vector<16xi32>,
      %get3A_107 = arith.index_cast %add3A_74 : i32 to index
      %get3A_108 = arith.constant 64 : index
      %get3A_109 = tpu.vector_load %arg4[%get3A_107, %get3A_108] {strides = array<i32>} : memref<125x80xi32, #tpu.memory_space<vmem>>, vector<1x16xi32>,
      %get3A_110 = vector.shape_cast %get3A_109 : vector<1x16xi32> to vector<16xi32>
      %swap3A_111 = arith.constant 64 : index
      %swap3A_112 = tpu.vector_load %arg6[%swap3A_111] {strides = array<i32>} : memref<80xi32, #tpu.memory_space<vmem>>, vector<16xi32>,
      %swap3A_113 = vector.shape_cast %swap3A_112 : vector<16xi32> to vector<16xi32>
      %swap3A_114 = vector.shape_cast %get3A_110 : vector<16xi32> to vector<16xi32>
      tpu.vector_store %arg6[%swap3A_111], %swap3A_114 {strides = array<i32>} : memref<80xi32, #tpu.memory_space<vmem>>, vector<16xi32>,
      %dma_start3A_115 = arith.constant 0 : i32
      %dma_start3A_116 = tpu.memref_slice %arg9[%dma_start3A_115] : memref<10240xf32, #tpu.memory_space<vmem_shared>> -> memref<10240xf32, #tpu.memory_space<vmem_shared>>
      tpu.enqueue_indirect_dma source(%arg7 : memref<80xf32, #tpu.memory_space<vmem>>) target(%dma_start3A_116 : memref<10240xf32, #tpu.memory_space<vmem_shared>>) offsets(%arg6 : memref<80xi32, #tpu.memory_space<vmem>>) semaphore(%arg11 : memref<!tpu.dma_semaphore, #tpu.memory_space<semaphore_mem>>) {add = true}
      %dma_wait3A_117 = arith.constant 0 : i32
      %dma_wait3A_118 = tpu.memref_slice %arg9[%dma_wait3A_117] : memref<10240xf32, #tpu.memory_space<vmem_shared>> -> memref<10240xf32, #tpu.memory_space<vmem_shared>>
      tpu.wait_indirect_dma semaphore(%arg10 : memref<!tpu.dma_semaphore, #tpu.memory_space<semaphore_mem>>) src(%arg7 : memref<80xf32, #tpu.memory_space<vmem>>) dst(%dma_wait3A_118 : memref<10240xf32, #tpu.memory_space<vmem_shared>>)
      %add3A_119 = arith.constant 2 : i32
      %add3A_120 = arith.addi %mul3A_72, %add3A_119 : i32
      %get3A_121 = arith.index_cast %add3A_120 : i32 to index
      %get3A_122 = arith.constant 0 : index
      %get3A_123 = tpu.vector_load %arg4[%get3A_121, %get3A_122] {strides = array<i32>} : memref<125x80xi32, #tpu.memory_space<vmem>>, vector<1x16xi32>,
      %get3A_124 = vector.shape_cast %get3A_123 : vector<1x16xi32> to vector<16xi32>
      %swap3A_125 = arith.constant 0 : index
      %swap3A_126 = tpu.vector_load %arg5[%swap3A_125] {strides = array<i32>} : memref<80xi32, #tpu.memory_space<vmem>>, vector<16xi32>,
      %swap3A_127 = vector.shape_cast %swap3A_126 : vector<16xi32> to vector<16xi32>
      %swap3A_128 = vector.shape_cast %get3A_124 : vector<16xi32> to vector<16xi32>
      tpu.vector_store %arg5[%swap3A_125], %swap3A_128 {strides = array<i32>} : memref<80xi32, #tpu.memory_space<vmem>>, vector<16xi32>,
      %get3A_129 = arith.index_cast %add3A_120 : i32 to index
      %get3A_130 = arith.constant 16 : index
      %get3A_131 = tpu.vector_load %arg4[%get3A_129, %get3A_130] {strides = array<i32>} : memref<125x80xi32, #tpu.memory_space<vmem>>, vector<1x16xi32>,
      %get3A_132 = vector.shape_cast %get3A_131 : vector<1x16xi32> to vector<16xi32>
      %swap3A_133 = arith.constant 16 : index
      %swap3A_134 = tpu.vector_load %arg5[%swap3A_133] {strides = array<i32>} : memref<80xi32, #tpu.memory_space<vmem>>, vector<16xi32>,
      %swap3A_135 = vector.shape_cast %swap3A_134 : vector<16xi32> to vector<16xi32>
      %swap3A_136 = vector.shape_cast %get3A_132 : vector<16xi32> to vector<16xi32>
      tpu.vector_store %arg5[%swap3A_133], %swap3A_136 {strides = array<i32>} : memref<80xi32, #tpu.memory_space<vmem>>, vector<16xi32>,
      %get3A_137 = arith.index_cast %add3A_120 : i32 to index
      %get3A_138 = arith.constant 32 : index
      %get3A_139 = tpu.vector_load %arg4[%get3A_137, %get3A_138] {strides = array<i32>} : memref<125x80xi32, #tpu.memory_space<vmem>>, vector<1x16xi32>,
      %get3A_140 = vector.shape_cast %get3A_139 : vector<1x16xi32> to vector<16xi32>
      %swap3A_141 = arith.constant 32 : index
      %swap3A_142 = tpu.vector_load %arg5[%swap3A_141] {strides = array<i32>} : memref<80xi32, #tpu.memory_space<vmem>>, vector<16xi32>,
      %swap3A_143 = vector.shape_cast %swap3A_142 : vector<16xi32> to vector<16xi32>
      %swap3A_144 = vector.shape_cast %get3A_140 : vector<16xi32> to vector<16xi32>
      tpu.vector_store %arg5[%swap3A_141], %swap3A_144 {strides = array<i32>} : memref<80xi32, #tpu.memory_space<vmem>>, vector<16xi32>,
      %get3A_145 = arith.index_cast %add3A_120 : i32 to index
      %get3A_146 = arith.constant 48 : index
      %get3A_147 = tpu.vector_load %arg4[%get3A_145, %get3A_146] {strides = array<i32>} : memref<125x80xi32, #tpu.memory_space<vmem>>, vector<1x16xi32>,
      %get3A_148 = vector.shape_cast %get3A_147 : vector<1x16xi32> to vector<16xi32>
      %swap3A_149 = arith.constant 48 : index
      %swap3A_150 = tpu.vector_load %arg5[%swap3A_149] {strides = array<i32>} : memref<80xi32, #tpu.memory_space<vmem>>, vector<16xi32>,
      %swap3A_151 = vector.shape_cast %swap3A_150 : vector<16xi32> to vector<16xi32>
      %swap3A_152 = vector.shape_cast %get3A_148 : vector<16xi32> to vector<16xi32>
      tpu.vector_store %arg5[%swap3A_149], %swap3A_152 {strides = array<i32>} : memref<80xi32, #tpu.memory_space<vmem>>, vector<16xi32>,
      %get3A_153 = arith.index_cast %add3A_120 : i32 to index
      %get3A_154 = arith.constant 64 : index
      %get3A_155 = tpu.vector_load %arg4[%get3A_153, %get3A_154] {strides = array<i32>} : memref<125x80xi32, #tpu.memory_space<vmem>>, vector<1x16xi32>,
      %get3A_156 = vector.shape_cast %get3A_155 : vector<1x16xi32> to vector<16xi32>
      %swap3A_157 = arith.constant 64 : index
      %swap3A_158 = tpu.vector_load %arg5[%swap3A_157] {strides = array<i32>} : memref<80xi32, #tpu.memory_space<vmem>>, vector<16xi32>,
      %swap3A_159 = vector.shape_cast %swap3A_158 : vector<16xi32> to vector<16xi32>
      %swap3A_160 = vector.shape_cast %get3A_156 : vector<16xi32> to vector<16xi32>
      tpu.vector_store %arg5[%swap3A_157], %swap3A_160 {strides = array<i32>} : memref<80xi32, #tpu.memory_space<vmem>>, vector<16xi32>,
      %dma_start3A_161 = arith.constant 0 : i32
      %dma_start3A_162 = tpu.memref_slice %arg9[%dma_start3A_161] : memref<10240xf32, #tpu.memory_space<vmem_shared>> -> memref<10240xf32, #tpu.memory_space<vmem_shared>>
      tpu.enqueue_indirect_dma source(%arg7 : memref<80xf32, #tpu.memory_space<vmem>>) target(%dma_start3A_162 : memref<10240xf32, #tpu.memory_space<vmem_shared>>) offsets(%arg5 : memref<80xi32, #tpu.memory_space<vmem>>) semaphore(%arg10 : memref<!tpu.dma_semaphore, #tpu.memory_space<semaphore_mem>>) {add = true}
      %dma_wait3A_163 = arith.constant 0 : i32
      %dma_wait3A_164 = tpu.memref_slice %arg9[%dma_wait3A_163] : memref<10240xf32, #tpu.memory_space<vmem_shared>> -> memref<10240xf32, #tpu.memory_space<vmem_shared>>
      tpu.wait_indirect_dma semaphore(%arg11 : memref<!tpu.dma_semaphore, #tpu.memory_space<semaphore_mem>>) src(%arg7 : memref<80xf32, #tpu.memory_space<vmem>>) dst(%dma_wait3A_164 : memref<10240xf32, #tpu.memory_space<vmem_shared>>)
      %scan3A_165 = arith.constant 0 : i32
      scf.yield %scan3A_165 : i32
    }
    %scan3A_66 = arith.constant 62 : i32
    %dma_wait3A = arith.constant 0 : i32
    %dma_wait3A_67 = tpu.memref_slice %arg9[%dma_wait3A] : memref<10240xf32, #tpu.memory_space<vmem_shared>> -> memref<10240xf32, #tpu.memory_space<vmem_shared>>
    tpu.wait_indirect_dma semaphore(%arg10 : memref<!tpu.dma_semaphore, #tpu.memory_space<semaphore_mem>>) src(%arg7 : memref<80xf32, #tpu.memory_space<vmem>>) dst(%dma_wait3A_67 : memref<10240xf32, #tpu.memory_space<vmem_shared>>)
    %barrier3A_68 = arith.constant 0 : index
    tpu.barrier barrier_id(%barrier3A_68)
    "tpu.region"() ({
      %run_scoped3A = tpu.sem_alloc : memref<!tpu.dma_semaphore, #tpu.memory_space<semaphore_mem>>
      %dma_start3A_69 = tpu.memref_slice %arg9[%mul3A_2] : memref<10240xf32, #tpu.memory_space<vmem_shared>> -> memref<640xf32, #tpu.memory_space<vmem_shared>>
      %dma_start3A_70 = tpu.memref_slice %arg9[%mul3A_2] : memref<10240xf32, #tpu.memory_space<vmem_shared>> -> memref<640xf32, #tpu.memory_space<vmem_shared>>
      tpu.enqueue_dma source(%dma_start3A_70 : memref<640xf32, #tpu.memory_space<vmem_shared>>) target(%arg8 : memref<640xf32, #tpu.memory_space<vmem>>) target_semaphore(%run_scoped3A : memref<!tpu.dma_semaphore, #tpu.memory_space<semaphore_mem>>)
      %dma_wait3A_71 = tpu.memref_slice %arg9[%mul3A_2] : memref<10240xf32, #tpu.memory_space<vmem_shared>> -> memref<640xf32, #tpu.memory_space<vmem_shared>>
      %dma_wait3A_72 = tpu.memref_slice %arg9[%mul3A_2] : memref<10240xf32, #tpu.memory_space<vmem_shared>> -> memref<640xf32, #tpu.memory_space<vmem_shared>>
      tpu.wait_dma2 semaphore(%run_scoped3A : memref<!tpu.dma_semaphore, #tpu.memory_space<semaphore_mem>>) src(%dma_wait3A_72 : memref<640xf32, #tpu.memory_space<vmem_shared>>) dst(%arg8 : memref<640xf32, #tpu.memory_space<vmem>>)
      tpu.yield
    }) : () -> ()
    "tpu.region"() ({
      %run_scoped3A = tpu.sem_alloc : memref<!tpu.dma_semaphore, #tpu.memory_space<semaphore_mem>>
      %dma_start3A_69 = arith.constant 0 : i32
      %dma_start3A_70 = tpu.memref_slice %arg3[%arg0, %arg1, %dma_start3A_69] : memref<2x16x640xf32, #tpu.memory_space<hbm>> -> memref<1x1x640xf32, #tpu.memory_space<hbm>>
      %dma_start3A_71 = tpu.memref_squeeze %dma_start3A_70 : memref<1x1x640xf32, #tpu.memory_space<hbm>> -> memref<640xf32, #tpu.memory_space<hbm>>
      %dma_start3A_72 = arith.constant 0 : i32
      %dma_start3A_73 = tpu.memref_slice %arg3[%arg0, %arg1, %dma_start3A_72] : memref<2x16x640xf32, #tpu.memory_space<hbm>> -> memref<1x1x640xf32, #tpu.memory_space<hbm>>
      %dma_start3A_74 = tpu.memref_squeeze %dma_start3A_73 : memref<1x1x640xf32, #tpu.memory_space<hbm>> -> memref<640xf32, #tpu.memory_space<hbm>>
      tpu.enqueue_dma source(%arg8 : memref<640xf32, #tpu.memory_space<vmem>>) target(%dma_start3A_74 : memref<640xf32, #tpu.memory_space<hbm>>) target_semaphore(%run_scoped3A : memref<!tpu.dma_semaphore, #tpu.memory_space<semaphore_mem>>)
      %dma_wait3A_75 = arith.constant 0 : i32
      %dma_wait3A_76 = tpu.memref_slice %arg3[%arg0, %arg1, %dma_wait3A_75] : memref<2x16x640xf32, #tpu.memory_space<hbm>> -> memref<1x1x640xf32, #tpu.memory_space<hbm>>
      %dma_wait3A_77 = tpu.memref_squeeze %dma_wait3A_76 : memref<1x1x640xf32, #tpu.memory_space<hbm>> -> memref<640xf32, #tpu.memory_space<hbm>>
      %dma_wait3A_78 = arith.constant 0 : i32
      %dma_wait3A_79 = tpu.memref_slice %arg3[%arg0, %arg1, %dma_wait3A_78] : memref<2x16x640xf32, #tpu.memory_space<hbm>> -> memref<1x1x640xf32, #tpu.memory_space<hbm>>
      %dma_wait3A_80 = tpu.memref_squeeze %dma_wait3A_79 : memref<1x1x640xf32, #tpu.memory_space<hbm>> -> memref<640xf32, #tpu.memory_space<hbm>>
      tpu.wait_dma2 semaphore(%run_scoped3A : memref<!tpu.dma_semaphore, #tpu.memory_space<semaphore_mem>>) src(%arg8 : memref<640xf32, #tpu.memory_space<vmem>>) dst(%dma_wait3A_80 : memref<640xf32, #tpu.memory_space<hbm>>)
      tpu.yield
    }) : () -> ()
    return
  }
}

#map = affine_map<(d0, d1) -> (0, 0)>
#map1 = affine_map<(d0, d1) -> (0, 0, 0)>
module attributes {stable_mosaic.version = 14 : i64} {
  func.func @_agg_body(%arg0: i32, %arg1: i32, %arg2: memref<10240x128xf32, #tpu.memory_space<hbm>>, %arg3: memref<32x125x80xi32, #tpu.memory_space<hbm>>, %arg4: memref<2x10240x128xf32, #tpu.memory_space<hbm>>, %arg5: memref<125x80xi32, #tpu.memory_space<vmem>>, %arg6: memref<80xi32, #tpu.memory_space<vmem>>, %arg7: memref<80xi32, #tpu.memory_space<vmem>>, %arg8: memref<80xi32, #tpu.memory_space<vmem>>, %arg9: memref<80xi32, #tpu.memory_space<vmem>>, %arg10: memref<80x128xf32, #tpu.memory_space<vmem>>, %arg11: memref<80x128xf32, #tpu.memory_space<vmem>>, %arg12: memref<32x128xf32, #tpu.memory_space<vmem>>, %arg13: memref<10240x128xf32, #tpu.memory_space<vmem_shared>>, %arg14: memref<!tpu.dma_semaphore, #tpu.memory_space<semaphore_mem>>, %arg15: memref<!tpu.dma_semaphore, #tpu.memory_space<semaphore_mem>>, %arg16: memref<!tpu.dma_semaphore, #tpu.memory_space<semaphore_mem>>) attributes {dimension_semantics = [#tpu.dimension_semantics<core_parallel>, #tpu.dimension_semantics<subcore_parallel>], iteration_bounds = array<i64: 2, 16>, scalar_prefetch = 0 : i64, scratch_operands = 12 : i64, tpu.core_type = #tpu.core_type<sc_vector_subcore>, window_params = [{transform_indices = #map}, {transform_indices = #map1}, {transform_indices = #map1}]} {
    %mul3A = arith.constant 2 : i32
    %mul3A_0 = arith.muli %arg1, %mul3A : i32
    %add3A = arith.addi %mul3A_0, %arg0 : i32
    %mul3A_1 = arith.constant 640 : i32
    %mul3A_2 = arith.muli %arg1, %mul3A_1 : i32
    %scan3A = arith.constant 0 : i32
    %scan3A_3 = arith.constant 0 : i32
    %scan3A_4 = arith.constant 32 : i32
    %scan3A_5 = arith.addi %scan3A_3, %scan3A_4 : i32
    %scan3A_6 = arith.constant 1 : i32
    %scan3A_7 = scf.for %scan3A_132 = %scan3A_3 to %scan3A_5 step %scan3A_6 iter_args(%scan3A_133 = %scan3A) -> (i32)  : i32 {
      %scan3A_134 = arith.constant 0 : i32
      %scan3A_135 = arith.constant 0 : i32
      %scan3A_136 = arith.constant 8 : i32
      %scan3A_137 = arith.addi %scan3A_135, %scan3A_136 : i32
      %scan3A_138 = arith.constant 1 : i32
      %scan3A_139 = scf.for %scan3A_141 = %scan3A_135 to %scan3A_137 step %scan3A_138 iter_args(%scan3A_142 = %scan3A_134) -> (i32)  : i32 {
        %broadcast_in_dim3A = arith.constant 0.000000e+00 : f32
        %broadcast_in_dim3A_143 = vector.broadcast %broadcast_in_dim3A : f32 to vector<16xf32>
        %mul3A_144 = arith.constant 16 : i32
        %mul3A_145 = arith.muli %scan3A_141, %mul3A_144 : i32
        %swap3A_146 = arith.index_cast %scan3A_132 : i32 to index
        %swap3A_147 = arith.index_cast %mul3A_145 : i32 to index
        %swap3A_148 = tpu.vector_load %arg12[%swap3A_146, %swap3A_147] {strides = array<i32>} : memref<32x128xf32, #tpu.memory_space<vmem>>, vector<1x16xf32>,
        %swap3A_149 = vector.shape_cast %swap3A_148 : vector<1x16xf32> to vector<16xf32>
        %swap3A_150 = vector.shape_cast %broadcast_in_dim3A_143 : vector<16xf32> to vector<1x16xf32>
        tpu.vector_store %arg12[%swap3A_146, %swap3A_147], %swap3A_150 {strides = array<i32>} : memref<32x128xf32, #tpu.memory_space<vmem>>, vector<1x16xf32>,
        %scan3A_151 = arith.constant 0 : i32
        scf.yield %scan3A_151 : i32
      }
      %scan3A_140 = arith.constant 8 : i32
      scf.yield %scan3A_139 : i32
    }
    %scan3A_8 = arith.constant 32 : i32
    %scan3A_9 = arith.constant 0 : i32
    %scan3A_10 = arith.constant 0 : i32
    %scan3A_11 = arith.constant 20 : i32
    %scan3A_12 = arith.addi %scan3A_10, %scan3A_11 : i32
    %scan3A_13 = arith.constant 1 : i32
    %scan3A_14 = scf.for %scan3A_132 = %scan3A_10 to %scan3A_12 step %scan3A_13 iter_args(%scan3A_133 = %scan3A_9) -> (i32)  : i32 {
      %mul3A_134 = arith.constant 32 : i32
      %mul3A_135 = arith.muli %scan3A_132, %mul3A_134 : i32
      %add3A_136 = arith.addi %mul3A_2, %mul3A_135 : i32
      "tpu.region"() ({
        %run_scoped3A = tpu.sem_alloc : memref<!tpu.dma_semaphore, #tpu.memory_space<semaphore_mem>>
        %dma_start3A_138 = arith.constant 0 : i32
        %dma_start3A_139 = tpu.memref_slice %arg13[%add3A_136, %dma_start3A_138] : memref<10240x128xf32, #tpu.memory_space<vmem_shared>> -> memref<32x128xf32, #tpu.memory_space<vmem_shared>>
        %dma_start3A_140 = arith.constant 0 : i32
        %dma_start3A_141 = tpu.memref_slice %arg13[%add3A_136, %dma_start3A_140] : memref<10240x128xf32, #tpu.memory_space<vmem_shared>> -> memref<32x128xf32, #tpu.memory_space<vmem_shared>>
        tpu.enqueue_dma source(%arg12 : memref<32x128xf32, #tpu.memory_space<vmem>>) target(%dma_start3A_141 : memref<32x128xf32, #tpu.memory_space<vmem_shared>>) target_semaphore(%run_scoped3A : memref<!tpu.dma_semaphore, #tpu.memory_space<semaphore_mem>>)
        %dma_wait3A_142 = arith.constant 0 : i32
        %dma_wait3A_143 = tpu.memref_slice %arg13[%add3A_136, %dma_wait3A_142] : memref<10240x128xf32, #tpu.memory_space<vmem_shared>> -> memref<32x128xf32, #tpu.memory_space<vmem_shared>>
        %dma_wait3A_144 = arith.constant 0 : i32
        %dma_wait3A_145 = tpu.memref_slice %arg13[%add3A_136, %dma_wait3A_144] : memref<10240x128xf32, #tpu.memory_space<vmem_shared>> -> memref<32x128xf32, #tpu.memory_space<vmem_shared>>
        tpu.wait_dma2 semaphore(%run_scoped3A : memref<!tpu.dma_semaphore, #tpu.memory_space<semaphore_mem>>) src(%arg12 : memref<32x128xf32, #tpu.memory_space<vmem>>) dst(%dma_wait3A_145 : memref<32x128xf32, #tpu.memory_space<vmem_shared>>)
        tpu.yield
      }) : () -> ()
      %scan3A_137 = arith.constant 0 : i32
      scf.yield %scan3A_137 : i32
    }
    %scan3A_15 = arith.constant 20 : i32
    "tpu.region"() ({
      %run_scoped3A = tpu.sem_alloc : memref<!tpu.dma_semaphore, #tpu.memory_space<semaphore_mem>>
      %dma_start3A_132 = arith.constant 0 : i32
      %dma_start3A_133 = arith.constant 0 : i32
      %dma_start3A_134 = tpu.memref_slice %arg3[%add3A, %dma_start3A_132, %dma_start3A_133] : memref<32x125x80xi32, #tpu.memory_space<hbm>> -> memref<1x125x80xi32, #tpu.memory_space<hbm>>
      %dma_start3A_135 = tpu.memref_squeeze %dma_start3A_134 : memref<1x125x80xi32, #tpu.memory_space<hbm>> -> memref<125x80xi32, #tpu.memory_space<hbm>>
      %dma_start3A_136 = arith.constant 0 : i32
      %dma_start3A_137 = arith.constant 0 : i32
      %dma_start3A_138 = tpu.memref_slice %arg3[%add3A, %dma_start3A_136, %dma_start3A_137] : memref<32x125x80xi32, #tpu.memory_space<hbm>> -> memref<1x125x80xi32, #tpu.memory_space<hbm>>
      %dma_start3A_139 = tpu.memref_squeeze %dma_start3A_138 : memref<1x125x80xi32, #tpu.memory_space<hbm>> -> memref<125x80xi32, #tpu.memory_space<hbm>>
      tpu.enqueue_dma source(%dma_start3A_139 : memref<125x80xi32, #tpu.memory_space<hbm>>) target(%arg5 : memref<125x80xi32, #tpu.memory_space<vmem>>) target_semaphore(%run_scoped3A : memref<!tpu.dma_semaphore, #tpu.memory_space<semaphore_mem>>)
      %dma_wait3A_140 = arith.constant 0 : i32
      %dma_wait3A_141 = arith.constant 0 : i32
      %dma_wait3A_142 = tpu.memref_slice %arg3[%add3A, %dma_wait3A_140, %dma_wait3A_141] : memref<32x125x80xi32, #tpu.memory_space<hbm>> -> memref<1x125x80xi32, #tpu.memory_space<hbm>>
      %dma_wait3A_143 = tpu.memref_squeeze %dma_wait3A_142 : memref<1x125x80xi32, #tpu.memory_space<hbm>> -> memref<125x80xi32, #tpu.memory_space<hbm>>
      %dma_wait3A_144 = arith.constant 0 : i32
      %dma_wait3A_145 = arith.constant 0 : i32
      %dma_wait3A_146 = tpu.memref_slice %arg3[%add3A, %dma_wait3A_144, %dma_wait3A_145] : memref<32x125x80xi32, #tpu.memory_space<hbm>> -> memref<1x125x80xi32, #tpu.memory_space<hbm>>
      %dma_wait3A_147 = tpu.memref_squeeze %dma_wait3A_146 : memref<1x125x80xi32, #tpu.memory_space<hbm>> -> memref<125x80xi32, #tpu.memory_space<hbm>>
      tpu.wait_dma2 semaphore(%run_scoped3A : memref<!tpu.dma_semaphore, #tpu.memory_space<semaphore_mem>>) src(%dma_wait3A_147 : memref<125x80xi32, #tpu.memory_space<hbm>>) dst(%arg5 : memref<125x80xi32, #tpu.memory_space<vmem>>)
      tpu.yield
    }) : () -> ()
    %barrier3A = arith.constant 0 : index
    tpu.barrier barrier_id(%barrier3A)
    %get3A = arith.constant 0 : i32
    %get3A_16 = arith.index_cast %get3A : i32 to index
    %get3A_17 = arith.constant 0 : index
    %get3A_18 = tpu.vector_load %arg5[%get3A_16, %get3A_17] {strides = array<i32>} : memref<125x80xi32, #tpu.memory_space<vmem>>, vector<1x16xi32>,
    %get3A_19 = vector.shape_cast %get3A_18 : vector<1x16xi32> to vector<16xi32>
    %shift_right_logical3A = arith.constant 14 : i32
    %shift_right_logical3A_20 = vector.broadcast %shift_right_logical3A : i32 to vector<16xi32>
    %shift_right_logical3A_21 = arith.shrui %get3A_19, %shift_right_logical3A_20 : vector<16xi32>
    %swap3A = arith.constant 0 : index
    %swap3A_22 = tpu.vector_load %arg6[%swap3A] {strides = array<i32>} : memref<80xi32, #tpu.memory_space<vmem>>, vector<16xi32>,
    %swap3A_23 = vector.shape_cast %swap3A_22 : vector<16xi32> to vector<16xi32>
    %swap3A_24 = vector.shape_cast %shift_right_logical3A_21 : vector<16xi32> to vector<16xi32>
    tpu.vector_store %arg6[%swap3A], %swap3A_24 {strides = array<i32>} : memref<80xi32, #tpu.memory_space<vmem>>, vector<16xi32>,
    %and3A = arith.constant 16383 : i32
    %and3A_25 = vector.broadcast %and3A : i32 to vector<16xi32>
    %and3A_26 = arith.andi %get3A_19, %and3A_25 : vector<16xi32>
    %swap3A_27 = arith.constant 0 : index
    %swap3A_28 = tpu.vector_load %arg7[%swap3A_27] {strides = array<i32>} : memref<80xi32, #tpu.memory_space<vmem>>, vector<16xi32>,
    %swap3A_29 = vector.shape_cast %swap3A_28 : vector<16xi32> to vector<16xi32>
    %swap3A_30 = vector.shape_cast %and3A_26 : vector<16xi32> to vector<16xi32>
    tpu.vector_store %arg7[%swap3A_27], %swap3A_30 {strides = array<i32>} : memref<80xi32, #tpu.memory_space<vmem>>, vector<16xi32>,
    %get3A_31 = arith.constant 0 : i32
    %get3A_32 = arith.index_cast %get3A_31 : i32 to index
    %get3A_33 = arith.constant 16 : index
    %get3A_34 = tpu.vector_load %arg5[%get3A_32, %get3A_33] {strides = array<i32>} : memref<125x80xi32, #tpu.memory_space<vmem>>, vector<1x16xi32>,
    %get3A_35 = vector.shape_cast %get3A_34 : vector<1x16xi32> to vector<16xi32>
    %shift_right_logical3A_36 = arith.constant 14 : i32
    %shift_right_logical3A_37 = vector.broadcast %shift_right_logical3A_36 : i32 to vector<16xi32>
    %shift_right_logical3A_38 = arith.shrui %get3A_35, %shift_right_logical3A_37 : vector<16xi32>
    %swap3A_39 = arith.constant 16 : index
    %swap3A_40 = tpu.vector_load %arg6[%swap3A_39] {strides = array<i32>} : memref<80xi32, #tpu.memory_space<vmem>>, vector<16xi32>,
    %swap3A_41 = vector.shape_cast %swap3A_40 : vector<16xi32> to vector<16xi32>
    %swap3A_42 = vector.shape_cast %shift_right_logical3A_38 : vector<16xi32> to vector<16xi32>
    tpu.vector_store %arg6[%swap3A_39], %swap3A_42 {strides = array<i32>} : memref<80xi32, #tpu.memory_space<vmem>>, vector<16xi32>,
    %and3A_43 = arith.constant 16383 : i32
    %and3A_44 = vector.broadcast %and3A_43 : i32 to vector<16xi32>
    %and3A_45 = arith.andi %get3A_35, %and3A_44 : vector<16xi32>
    %swap3A_46 = arith.constant 16 : index
    %swap3A_47 = tpu.vector_load %arg7[%swap3A_46] {strides = array<i32>} : memref<80xi32, #tpu.memory_space<vmem>>, vector<16xi32>,
    %swap3A_48 = vector.shape_cast %swap3A_47 : vector<16xi32> to vector<16xi32>
    %swap3A_49 = vector.shape_cast %and3A_45 : vector<16xi32> to vector<16xi32>
    tpu.vector_store %arg7[%swap3A_46], %swap3A_49 {strides = array<i32>} : memref<80xi32, #tpu.memory_space<vmem>>, vector<16xi32>,
    %get3A_50 = arith.constant 0 : i32
    %get3A_51 = arith.index_cast %get3A_50 : i32 to index
    %get3A_52 = arith.constant 32 : index
    %get3A_53 = tpu.vector_load %arg5[%get3A_51, %get3A_52] {strides = array<i32>} : memref<125x80xi32, #tpu.memory_space<vmem>>, vector<1x16xi32>,
    %get3A_54 = vector.shape_cast %get3A_53 : vector<1x16xi32> to vector<16xi32>
    %shift_right_logical3A_55 = arith.constant 14 : i32
    %shift_right_logical3A_56 = vector.broadcast %shift_right_logical3A_55 : i32 to vector<16xi32>
    %shift_right_logical3A_57 = arith.shrui %get3A_54, %shift_right_logical3A_56 : vector<16xi32>
    %swap3A_58 = arith.constant 32 : index
    %swap3A_59 = tpu.vector_load %arg6[%swap3A_58] {strides = array<i32>} : memref<80xi32, #tpu.memory_space<vmem>>, vector<16xi32>,
    %swap3A_60 = vector.shape_cast %swap3A_59 : vector<16xi32> to vector<16xi32>
    %swap3A_61 = vector.shape_cast %shift_right_logical3A_57 : vector<16xi32> to vector<16xi32>
    tpu.vector_store %arg6[%swap3A_58], %swap3A_61 {strides = array<i32>} : memref<80xi32, #tpu.memory_space<vmem>>, vector<16xi32>,
    %and3A_62 = arith.constant 16383 : i32
    %and3A_63 = vector.broadcast %and3A_62 : i32 to vector<16xi32>
    %and3A_64 = arith.andi %get3A_54, %and3A_63 : vector<16xi32>
    %swap3A_65 = arith.constant 32 : index
    %swap3A_66 = tpu.vector_load %arg7[%swap3A_65] {strides = array<i32>} : memref<80xi32, #tpu.memory_space<vmem>>, vector<16xi32>,
    %swap3A_67 = vector.shape_cast %swap3A_66 : vector<16xi32> to vector<16xi32>
    %swap3A_68 = vector.shape_cast %and3A_64 : vector<16xi32> to vector<16xi32>
    tpu.vector_store %arg7[%swap3A_65], %swap3A_68 {strides = array<i32>} : memref<80xi32, #tpu.memory_space<vmem>>, vector<16xi32>,
    %get3A_69 = arith.constant 0 : i32
    %get3A_70 = arith.index_cast %get3A_69 : i32 to index
    %get3A_71 = arith.constant 48 : index
    %get3A_72 = tpu.vector_load %arg5[%get3A_70, %get3A_71] {strides = array<i32>} : memref<125x80xi32, #tpu.memory_space<vmem>>, vector<1x16xi32>,
    %get3A_73 = vector.shape_cast %get3A_72 : vector<1x16xi32> to vector<16xi32>
    %shift_right_logical3A_74 = arith.constant 14 : i32
    %shift_right_logical3A_75 = vector.broadcast %shift_right_logical3A_74 : i32 to vector<16xi32>
    %shift_right_logical3A_76 = arith.shrui %get3A_73, %shift_right_logical3A_75 : vector<16xi32>
    %swap3A_77 = arith.constant 48 : index
    %swap3A_78 = tpu.vector_load %arg6[%swap3A_77] {strides = array<i32>} : memref<80xi32, #tpu.memory_space<vmem>>, vector<16xi32>,
    %swap3A_79 = vector.shape_cast %swap3A_78 : vector<16xi32> to vector<16xi32>
    %swap3A_80 = vector.shape_cast %shift_right_logical3A_76 : vector<16xi32> to vector<16xi32>
    tpu.vector_store %arg6[%swap3A_77], %swap3A_80 {strides = array<i32>} : memref<80xi32, #tpu.memory_space<vmem>>, vector<16xi32>,
    %and3A_81 = arith.constant 16383 : i32
    %and3A_82 = vector.broadcast %and3A_81 : i32 to vector<16xi32>
    %and3A_83 = arith.andi %get3A_73, %and3A_82 : vector<16xi32>
    %swap3A_84 = arith.constant 48 : index
    %swap3A_85 = tpu.vector_load %arg7[%swap3A_84] {strides = array<i32>} : memref<80xi32, #tpu.memory_space<vmem>>, vector<16xi32>,
    %swap3A_86 = vector.shape_cast %swap3A_85 : vector<16xi32> to vector<16xi32>
    %swap3A_87 = vector.shape_cast %and3A_83 : vector<16xi32> to vector<16xi32>
    tpu.vector_store %arg7[%swap3A_84], %swap3A_87 {strides = array<i32>} : memref<80xi32, #tpu.memory_space<vmem>>, vector<16xi32>,
    %get3A_88 = arith.constant 0 : i32
    %get3A_89 = arith.index_cast %get3A_88 : i32 to index
    %get3A_90 = arith.constant 64 : index
    %get3A_91 = tpu.vector_load %arg5[%get3A_89, %get3A_90] {strides = array<i32>} : memref<125x80xi32, #tpu.memory_space<vmem>>, vector<1x16xi32>,
    %get3A_92 = vector.shape_cast %get3A_91 : vector<1x16xi32> to vector<16xi32>
    %shift_right_logical3A_93 = arith.constant 14 : i32
    %shift_right_logical3A_94 = vector.broadcast %shift_right_logical3A_93 : i32 to vector<16xi32>
    %shift_right_logical3A_95 = arith.shrui %get3A_92, %shift_right_logical3A_94 : vector<16xi32>
    %swap3A_96 = arith.constant 64 : index
    %swap3A_97 = tpu.vector_load %arg6[%swap3A_96] {strides = array<i32>} : memref<80xi32, #tpu.memory_space<vmem>>, vector<16xi32>,
    %swap3A_98 = vector.shape_cast %swap3A_97 : vector<16xi32> to vector<16xi32>
    %swap3A_99 = vector.shape_cast %shift_right_logical3A_95 : vector<16xi32> to vector<16xi32>
    tpu.vector_store %arg6[%swap3A_96], %swap3A_99 {strides = array<i32>} : memref<80xi32, #tpu.memory_space<vmem>>, vector<16xi32>,
    %and3A_100 = arith.constant 16383 : i32
    %and3A_101 = vector.broadcast %and3A_100 : i32 to vector<16xi32>
    %and3A_102 = arith.andi %get3A_92, %and3A_101 : vector<16xi32>
    %swap3A_103 = arith.constant 64 : index
    %swap3A_104 = tpu.vector_load %arg7[%swap3A_103] {strides = array<i32>} : memref<80xi32, #tpu.memory_space<vmem>>, vector<16xi32>,
    %swap3A_105 = vector.shape_cast %swap3A_104 : vector<16xi32> to vector<16xi32>
    %swap3A_106 = vector.shape_cast %and3A_102 : vector<16xi32> to vector<16xi32>
    tpu.vector_store %arg7[%swap3A_103], %swap3A_106 {strides = array<i32>} : memref<80xi32, #tpu.memory_space<vmem>>, vector<16xi32>,
    %dma_start3A = arith.constant 0 : i32
    %dma_start3A_107 = arith.constant 0 : i32
    %dma_start3A_108 = tpu.memref_slice %arg2[%dma_start3A, %dma_start3A_107] : memref<10240x128xf32, #tpu.memory_space<hbm>> -> memref<10240x128xf32, #tpu.memory_space<hbm>>
    tpu.enqueue_indirect_dma source(%dma_start3A_108 : memref<10240x128xf32, #tpu.memory_space<hbm>>) target(%arg10 : memref<80x128xf32, #tpu.memory_space<vmem>>) offsets(%arg6 : memref<80xi32, #tpu.memory_space<vmem>>) semaphore(%arg14 : memref<!tpu.dma_semaphore, #tpu.memory_space<semaphore_mem>>)
    %scan3A_109 = arith.constant 0 : i32
    %scan3A_110 = arith.constant 0 : i32
    %scan3A_111 = arith.constant 62 : i32
    %scan3A_112 = arith.addi %scan3A_110, %scan3A_111 : i32
    %scan3A_113 = arith.constant 1 : i32
    %scan3A_114 = scf.for %scan3A_132 = %scan3A_110 to %scan3A_112 step %scan3A_113 iter_args(%scan3A_133 = %scan3A_109) -> (i32)  : i32 {
      %mul3A_134 = arith.constant 2 : i32
      %mul3A_135 = arith.muli %mul3A_134, %scan3A_132 : i32
      %add3A_136 = arith.constant 1 : i32
      %add3A_137 = arith.addi %mul3A_135, %add3A_136 : i32
      %get3A_138 = arith.index_cast %add3A_137 : i32 to index
      %get3A_139 = arith.constant 0 : index
      %get3A_140 = tpu.vector_load %arg5[%get3A_138, %get3A_139] {strides = array<i32>} : memref<125x80xi32, #tpu.memory_space<vmem>>, vector<1x16xi32>,
      %get3A_141 = vector.shape_cast %get3A_140 : vector<1x16xi32> to vector<16xi32>
      %shift_right_logical3A_142 = arith.constant 14 : i32
      %shift_right_logical3A_143 = vector.broadcast %shift_right_logical3A_142 : i32 to vector<16xi32>
      %shift_right_logical3A_144 = arith.shrui %get3A_141, %shift_right_logical3A_143 : vector<16xi32>
      %swap3A_145 = arith.constant 0 : index
      %swap3A_146 = tpu.vector_load %arg8[%swap3A_145] {strides = array<i32>} : memref<80xi32, #tpu.memory_space<vmem>>, vector<16xi32>,
      %swap3A_147 = vector.shape_cast %swap3A_146 : vector<16xi32> to vector<16xi32>
      %swap3A_148 = vector.shape_cast %shift_right_logical3A_144 : vector<16xi32> to vector<16xi32>
      tpu.vector_store %arg8[%swap3A_145], %swap3A_148 {strides = array<i32>} : memref<80xi32, #tpu.memory_space<vmem>>, vector<16xi32>,
      %and3A_149 = arith.constant 16383 : i32
      %and3A_150 = vector.broadcast %and3A_149 : i32 to vector<16xi32>
      %and3A_151 = arith.andi %get3A_141, %and3A_150 : vector<16xi32>
      %swap3A_152 = arith.constant 0 : index
      %swap3A_153 = tpu.vector_load %arg9[%swap3A_152] {strides = array<i32>} : memref<80xi32, #tpu.memory_space<vmem>>, vector<16xi32>,
      %swap3A_154 = vector.shape_cast %swap3A_153 : vector<16xi32> to vector<16xi32>
      %swap3A_155 = vector.shape_cast %and3A_151 : vector<16xi32> to vector<16xi32>
      tpu.vector_store %arg9[%swap3A_152], %swap3A_155 {strides = array<i32>} : memref<80xi32, #tpu.memory_space<vmem>>, vector<16xi32>,
      %get3A_156 = arith.index_cast %add3A_137 : i32 to index
      %get3A_157 = arith.constant 16 : index
      %get3A_158 = tpu.vector_load %arg5[%get3A_156, %get3A_157] {strides = array<i32>} : memref<125x80xi32, #tpu.memory_space<vmem>>, vector<1x16xi32>,
      %get3A_159 = vector.shape_cast %get3A_158 : vector<1x16xi32> to vector<16xi32>
      %shift_right_logical3A_160 = arith.constant 14 : i32
      %shift_right_logical3A_161 = vector.broadcast %shift_right_logical3A_160 : i32 to vector<16xi32>
      %shift_right_logical3A_162 = arith.shrui %get3A_159, %shift_right_logical3A_161 : vector<16xi32>
      %swap3A_163 = arith.constant 16 : index
      %swap3A_164 = tpu.vector_load %arg8[%swap3A_163] {strides = array<i32>} : memref<80xi32, #tpu.memory_space<vmem>>, vector<16xi32>,
      %swap3A_165 = vector.shape_cast %swap3A_164 : vector<16xi32> to vector<16xi32>
      %swap3A_166 = vector.shape_cast %shift_right_logical3A_162 : vector<16xi32> to vector<16xi32>
      tpu.vector_store %arg8[%swap3A_163], %swap3A_166 {strides = array<i32>} : memref<80xi32, #tpu.memory_space<vmem>>, vector<16xi32>,
      %and3A_167 = arith.constant 16383 : i32
      %and3A_168 = vector.broadcast %and3A_167 : i32 to vector<16xi32>
      %and3A_169 = arith.andi %get3A_159, %and3A_168 : vector<16xi32>
      %swap3A_170 = arith.constant 16 : index
      %swap3A_171 = tpu.vector_load %arg9[%swap3A_170] {strides = array<i32>} : memref<80xi32, #tpu.memory_space<vmem>>, vector<16xi32>,
      %swap3A_172 = vector.shape_cast %swap3A_171 : vector<16xi32> to vector<16xi32>
      %swap3A_173 = vector.shape_cast %and3A_169 : vector<16xi32> to vector<16xi32>
      tpu.vector_store %arg9[%swap3A_170], %swap3A_173 {strides = array<i32>} : memref<80xi32, #tpu.memory_space<vmem>>, vector<16xi32>,
      %get3A_174 = arith.index_cast %add3A_137 : i32 to index
      %get3A_175 = arith.constant 32 : index
      %get3A_176 = tpu.vector_load %arg5[%get3A_174, %get3A_175] {strides = array<i32>} : memref<125x80xi32, #tpu.memory_space<vmem>>, vector<1x16xi32>,
      %get3A_177 = vector.shape_cast %get3A_176 : vector<1x16xi32> to vector<16xi32>
      %shift_right_logical3A_178 = arith.constant 14 : i32
      %shift_right_logical3A_179 = vector.broadcast %shift_right_logical3A_178 : i32 to vector<16xi32>
      %shift_right_logical3A_180 = arith.shrui %get3A_177, %shift_right_logical3A_179 : vector<16xi32>
      %swap3A_181 = arith.constant 32 : index
      %swap3A_182 = tpu.vector_load %arg8[%swap3A_181] {strides = array<i32>} : memref<80xi32, #tpu.memory_space<vmem>>, vector<16xi32>,
      %swap3A_183 = vector.shape_cast %swap3A_182 : vector<16xi32> to vector<16xi32>
      %swap3A_184 = vector.shape_cast %shift_right_logical3A_180 : vector<16xi32> to vector<16xi32>
      tpu.vector_store %arg8[%swap3A_181], %swap3A_184 {strides = array<i32>} : memref<80xi32, #tpu.memory_space<vmem>>, vector<16xi32>,
      %and3A_185 = arith.constant 16383 : i32
      %and3A_186 = vector.broadcast %and3A_185 : i32 to vector<16xi32>
      %and3A_187 = arith.andi %get3A_177, %and3A_186 : vector<16xi32>
      %swap3A_188 = arith.constant 32 : index
      %swap3A_189 = tpu.vector_load %arg9[%swap3A_188] {strides = array<i32>} : memref<80xi32, #tpu.memory_space<vmem>>, vector<16xi32>,
      %swap3A_190 = vector.shape_cast %swap3A_189 : vector<16xi32> to vector<16xi32>
      %swap3A_191 = vector.shape_cast %and3A_187 : vector<16xi32> to vector<16xi32>
      tpu.vector_store %arg9[%swap3A_188], %swap3A_191 {strides = array<i32>} : memref<80xi32, #tpu.memory_space<vmem>>, vector<16xi32>,
      %get3A_192 = arith.index_cast %add3A_137 : i32 to index
      %get3A_193 = arith.constant 48 : index
      %get3A_194 = tpu.vector_load %arg5[%get3A_192, %get3A_193] {strides = array<i32>} : memref<125x80xi32, #tpu.memory_space<vmem>>, vector<1x16xi32>,
      %get3A_195 = vector.shape_cast %get3A_194 : vector<1x16xi32> to vector<16xi32>
      %shift_right_logical3A_196 = arith.constant 14 : i32
      %shift_right_logical3A_197 = vector.broadcast %shift_right_logical3A_196 : i32 to vector<16xi32>
      %shift_right_logical3A_198 = arith.shrui %get3A_195, %shift_right_logical3A_197 : vector<16xi32>
      %swap3A_199 = arith.constant 48 : index
      %swap3A_200 = tpu.vector_load %arg8[%swap3A_199] {strides = array<i32>} : memref<80xi32, #tpu.memory_space<vmem>>, vector<16xi32>,
      %swap3A_201 = vector.shape_cast %swap3A_200 : vector<16xi32> to vector<16xi32>
      %swap3A_202 = vector.shape_cast %shift_right_logical3A_198 : vector<16xi32> to vector<16xi32>
      tpu.vector_store %arg8[%swap3A_199], %swap3A_202 {strides = array<i32>} : memref<80xi32, #tpu.memory_space<vmem>>, vector<16xi32>,
      %and3A_203 = arith.constant 16383 : i32
      %and3A_204 = vector.broadcast %and3A_203 : i32 to vector<16xi32>
      %and3A_205 = arith.andi %get3A_195, %and3A_204 : vector<16xi32>
      %swap3A_206 = arith.constant 48 : index
      %swap3A_207 = tpu.vector_load %arg9[%swap3A_206] {strides = array<i32>} : memref<80xi32, #tpu.memory_space<vmem>>, vector<16xi32>,
      %swap3A_208 = vector.shape_cast %swap3A_207 : vector<16xi32> to vector<16xi32>
      %swap3A_209 = vector.shape_cast %and3A_205 : vector<16xi32> to vector<16xi32>
      tpu.vector_store %arg9[%swap3A_206], %swap3A_209 {strides = array<i32>} : memref<80xi32, #tpu.memory_space<vmem>>, vector<16xi32>,
      %get3A_210 = arith.index_cast %add3A_137 : i32 to index
      %get3A_211 = arith.constant 64 : index
      %get3A_212 = tpu.vector_load %arg5[%get3A_210, %get3A_211] {strides = array<i32>} : memref<125x80xi32, #tpu.memory_space<vmem>>, vector<1x16xi32>,
      %get3A_213 = vector.shape_cast %get3A_212 : vector<1x16xi32> to vector<16xi32>
      %shift_right_logical3A_214 = arith.constant 14 : i32
      %shift_right_logical3A_215 = vector.broadcast %shift_right_logical3A_214 : i32 to vector<16xi32>
      %shift_right_logical3A_216 = arith.shrui %get3A_213, %shift_right_logical3A_215 : vector<16xi32>
      %swap3A_217 = arith.constant 64 : index
      %swap3A_218 = tpu.vector_load %arg8[%swap3A_217] {strides = array<i32>} : memref<80xi32, #tpu.memory_space<vmem>>, vector<16xi32>,
      %swap3A_219 = vector.shape_cast %swap3A_218 : vector<16xi32> to vector<16xi32>
      %swap3A_220 = vector.shape_cast %shift_right_logical3A_216 : vector<16xi32> to vector<16xi32>
      tpu.vector_store %arg8[%swap3A_217], %swap3A_220 {strides = array<i32>} : memref<80xi32, #tpu.memory_space<vmem>>, vector<16xi32>,
      %and3A_221 = arith.constant 16383 : i32
      %and3A_222 = vector.broadcast %and3A_221 : i32 to vector<16xi32>
      %and3A_223 = arith.andi %get3A_213, %and3A_222 : vector<16xi32>
      %swap3A_224 = arith.constant 64 : index
      %swap3A_225 = tpu.vector_load %arg9[%swap3A_224] {strides = array<i32>} : memref<80xi32, #tpu.memory_space<vmem>>, vector<16xi32>,
      %swap3A_226 = vector.shape_cast %swap3A_225 : vector<16xi32> to vector<16xi32>
      %swap3A_227 = vector.shape_cast %and3A_223 : vector<16xi32> to vector<16xi32>
      tpu.vector_store %arg9[%swap3A_224], %swap3A_227 {strides = array<i32>} : memref<80xi32, #tpu.memory_space<vmem>>, vector<16xi32>,
      %dma_start3A_228 = arith.constant 0 : i32
      %dma_start3A_229 = arith.constant 0 : i32
      %dma_start3A_230 = tpu.memref_slice %arg2[%dma_start3A_228, %dma_start3A_229] : memref<10240x128xf32, #tpu.memory_space<hbm>> -> memref<10240x128xf32, #tpu.memory_space<hbm>>
      tpu.enqueue_indirect_dma source(%dma_start3A_230 : memref<10240x128xf32, #tpu.memory_space<hbm>>) target(%arg11 : memref<80x128xf32, #tpu.memory_space<vmem>>) offsets(%arg8 : memref<80xi32, #tpu.memory_space<vmem>>) semaphore(%arg15 : memref<!tpu.dma_semaphore, #tpu.memory_space<semaphore_mem>>)
      %dma_wait3A_231 = arith.constant 0 : i32
      %dma_wait3A_232 = arith.constant 0 : i32
      %dma_wait3A_233 = tpu.memref_slice %arg2[%dma_wait3A_231, %dma_wait3A_232] : memref<10240x128xf32, #tpu.memory_space<hbm>> -> memref<10240x128xf32, #tpu.memory_space<hbm>>
      tpu.wait_indirect_dma semaphore(%arg14 : memref<!tpu.dma_semaphore, #tpu.memory_space<semaphore_mem>>) src(%dma_wait3A_233 : memref<10240x128xf32, #tpu.memory_space<hbm>>) dst(%arg10 : memref<80x128xf32, #tpu.memory_space<vmem>>)
      %dma_start3A_234 = arith.constant 0 : i32
      %dma_start3A_235 = arith.constant 0 : i32
      %dma_start3A_236 = tpu.memref_slice %arg13[%dma_start3A_234, %dma_start3A_235] : memref<10240x128xf32, #tpu.memory_space<vmem_shared>> -> memref<10240x128xf32, #tpu.memory_space<vmem_shared>>
      tpu.enqueue_indirect_dma source(%arg10 : memref<80x128xf32, #tpu.memory_space<vmem>>) target(%dma_start3A_236 : memref<10240x128xf32, #tpu.memory_space<vmem_shared>>) offsets(%arg7 : memref<80xi32, #tpu.memory_space<vmem>>) semaphore(%arg16 : memref<!tpu.dma_semaphore, #tpu.memory_space<semaphore_mem>>) {add = true}
      %dma_wait3A_237 = arith.constant 0 : i32
      %dma_wait3A_238 = arith.constant 0 : i32
      %dma_wait3A_239 = tpu.memref_slice %arg13[%dma_wait3A_237, %dma_wait3A_238] : memref<10240x128xf32, #tpu.memory_space<vmem_shared>> -> memref<10240x128xf32, #tpu.memory_space<vmem_shared>>
      tpu.wait_indirect_dma semaphore(%arg16 : memref<!tpu.dma_semaphore, #tpu.memory_space<semaphore_mem>>) src(%arg10 : memref<80x128xf32, #tpu.memory_space<vmem>>) dst(%dma_wait3A_239 : memref<10240x128xf32, #tpu.memory_space<vmem_shared>>)
      %add3A_240 = arith.constant 2 : i32
      %add3A_241 = arith.addi %mul3A_135, %add3A_240 : i32
      %get3A_242 = arith.index_cast %add3A_241 : i32 to index
      %get3A_243 = arith.constant 0 : index
      %get3A_244 = tpu.vector_load %arg5[%get3A_242, %get3A_243] {strides = array<i32>} : memref<125x80xi32, #tpu.memory_space<vmem>>, vector<1x16xi32>,
      %get3A_245 = vector.shape_cast %get3A_244 : vector<1x16xi32> to vector<16xi32>
      %shift_right_logical3A_246 = arith.constant 14 : i32
      %shift_right_logical3A_247 = vector.broadcast %shift_right_logical3A_246 : i32 to vector<16xi32>
      %shift_right_logical3A_248 = arith.shrui %get3A_245, %shift_right_logical3A_247 : vector<16xi32>
      %swap3A_249 = arith.constant 0 : index
      %swap3A_250 = tpu.vector_load %arg6[%swap3A_249] {strides = array<i32>} : memref<80xi32, #tpu.memory_space<vmem>>, vector<16xi32>,
      %swap3A_251 = vector.shape_cast %swap3A_250 : vector<16xi32> to vector<16xi32>
      %swap3A_252 = vector.shape_cast %shift_right_logical3A_248 : vector<16xi32> to vector<16xi32>
      tpu.vector_store %arg6[%swap3A_249], %swap3A_252 {strides = array<i32>} : memref<80xi32, #tpu.memory_space<vmem>>, vector<16xi32>,
      %and3A_253 = arith.constant 16383 : i32
      %and3A_254 = vector.broadcast %and3A_253 : i32 to vector<16xi32>
      %and3A_255 = arith.andi %get3A_245, %and3A_254 : vector<16xi32>
      %swap3A_256 = arith.constant 0 : index
      %swap3A_257 = tpu.vector_load %arg7[%swap3A_256] {strides = array<i32>} : memref<80xi32, #tpu.memory_space<vmem>>, vector<16xi32>,
      %swap3A_258 = vector.shape_cast %swap3A_257 : vector<16xi32> to vector<16xi32>
      %swap3A_259 = vector.shape_cast %and3A_255 : vector<16xi32> to vector<16xi32>
      tpu.vector_store %arg7[%swap3A_256], %swap3A_259 {strides = array<i32>} : memref<80xi32, #tpu.memory_space<vmem>>, vector<16xi32>,
      %get3A_260 = arith.index_cast %add3A_241 : i32 to index
      %get3A_261 = arith.constant 16 : index
      %get3A_262 = tpu.vector_load %arg5[%get3A_260, %get3A_261] {strides = array<i32>} : memref<125x80xi32, #tpu.memory_space<vmem>>, vector<1x16xi32>,
      %get3A_263 = vector.shape_cast %get3A_262 : vector<1x16xi32> to vector<16xi32>
      %shift_right_logical3A_264 = arith.constant 14 : i32
      %shift_right_logical3A_265 = vector.broadcast %shift_right_logical3A_264 : i32 to vector<16xi32>
      %shift_right_logical3A_266 = arith.shrui %get3A_263, %shift_right_logical3A_265 : vector<16xi32>
      %swap3A_267 = arith.constant 16 : index
      %swap3A_268 = tpu.vector_load %arg6[%swap3A_267] {strides = array<i32>} : memref<80xi32, #tpu.memory_space<vmem>>, vector<16xi32>,
      %swap3A_269 = vector.shape_cast %swap3A_268 : vector<16xi32> to vector<16xi32>
      %swap3A_270 = vector.shape_cast %shift_right_logical3A_266 : vector<16xi32> to vector<16xi32>
      tpu.vector_store %arg6[%swap3A_267], %swap3A_270 {strides = array<i32>} : memref<80xi32, #tpu.memory_space<vmem>>, vector<16xi32>,
      %and3A_271 = arith.constant 16383 : i32
      %and3A_272 = vector.broadcast %and3A_271 : i32 to vector<16xi32>
      %and3A_273 = arith.andi %get3A_263, %and3A_272 : vector<16xi32>
      %swap3A_274 = arith.constant 16 : index
      %swap3A_275 = tpu.vector_load %arg7[%swap3A_274] {strides = array<i32>} : memref<80xi32, #tpu.memory_space<vmem>>, vector<16xi32>,
      %swap3A_276 = vector.shape_cast %swap3A_275 : vector<16xi32> to vector<16xi32>
      %swap3A_277 = vector.shape_cast %and3A_273 : vector<16xi32> to vector<16xi32>
      tpu.vector_store %arg7[%swap3A_274], %swap3A_277 {strides = array<i32>} : memref<80xi32, #tpu.memory_space<vmem>>, vector<16xi32>,
      %get3A_278 = arith.index_cast %add3A_241 : i32 to index
      %get3A_279 = arith.constant 32 : index
      %get3A_280 = tpu.vector_load %arg5[%get3A_278, %get3A_279] {strides = array<i32>} : memref<125x80xi32, #tpu.memory_space<vmem>>, vector<1x16xi32>,
      %get3A_281 = vector.shape_cast %get3A_280 : vector<1x16xi32> to vector<16xi32>
      %shift_right_logical3A_282 = arith.constant 14 : i32
      %shift_right_logical3A_283 = vector.broadcast %shift_right_logical3A_282 : i32 to vector<16xi32>
      %shift_right_logical3A_284 = arith.shrui %get3A_281, %shift_right_logical3A_283 : vector<16xi32>
      %swap3A_285 = arith.constant 32 : index
      %swap3A_286 = tpu.vector_load %arg6[%swap3A_285] {strides = array<i32>} : memref<80xi32, #tpu.memory_space<vmem>>, vector<16xi32>,
      %swap3A_287 = vector.shape_cast %swap3A_286 : vector<16xi32> to vector<16xi32>
      %swap3A_288 = vector.shape_cast %shift_right_logical3A_284 : vector<16xi32> to vector<16xi32>
      tpu.vector_store %arg6[%swap3A_285], %swap3A_288 {strides = array<i32>} : memref<80xi32, #tpu.memory_space<vmem>>, vector<16xi32>,
      %and3A_289 = arith.constant 16383 : i32
      %and3A_290 = vector.broadcast %and3A_289 : i32 to vector<16xi32>
      %and3A_291 = arith.andi %get3A_281, %and3A_290 : vector<16xi32>
      %swap3A_292 = arith.constant 32 : index
      %swap3A_293 = tpu.vector_load %arg7[%swap3A_292] {strides = array<i32>} : memref<80xi32, #tpu.memory_space<vmem>>, vector<16xi32>,
      %swap3A_294 = vector.shape_cast %swap3A_293 : vector<16xi32> to vector<16xi32>
      %swap3A_295 = vector.shape_cast %and3A_291 : vector<16xi32> to vector<16xi32>
      tpu.vector_store %arg7[%swap3A_292], %swap3A_295 {strides = array<i32>} : memref<80xi32, #tpu.memory_space<vmem>>, vector<16xi32>,
      %get3A_296 = arith.index_cast %add3A_241 : i32 to index
      %get3A_297 = arith.constant 48 : index
      %get3A_298 = tpu.vector_load %arg5[%get3A_296, %get3A_297] {strides = array<i32>} : memref<125x80xi32, #tpu.memory_space<vmem>>, vector<1x16xi32>,
      %get3A_299 = vector.shape_cast %get3A_298 : vector<1x16xi32> to vector<16xi32>
      %shift_right_logical3A_300 = arith.constant 14 : i32
      %shift_right_logical3A_301 = vector.broadcast %shift_right_logical3A_300 : i32 to vector<16xi32>
      %shift_right_logical3A_302 = arith.shrui %get3A_299, %shift_right_logical3A_301 : vector<16xi32>
      %swap3A_303 = arith.constant 48 : index
      %swap3A_304 = tpu.vector_load %arg6[%swap3A_303] {strides = array<i32>} : memref<80xi32, #tpu.memory_space<vmem>>, vector<16xi32>,
      %swap3A_305 = vector.shape_cast %swap3A_304 : vector<16xi32> to vector<16xi32>
      %swap3A_306 = vector.shape_cast %shift_right_logical3A_302 : vector<16xi32> to vector<16xi32>
      tpu.vector_store %arg6[%swap3A_303], %swap3A_306 {strides = array<i32>} : memref<80xi32, #tpu.memory_space<vmem>>, vector<16xi32>,
      %and3A_307 = arith.constant 16383 : i32
      %and3A_308 = vector.broadcast %and3A_307 : i32 to vector<16xi32>
      %and3A_309 = arith.andi %get3A_299, %and3A_308 : vector<16xi32>
      %swap3A_310 = arith.constant 48 : index
      %swap3A_311 = tpu.vector_load %arg7[%swap3A_310] {strides = array<i32>} : memref<80xi32, #tpu.memory_space<vmem>>, vector<16xi32>,
      %swap3A_312 = vector.shape_cast %swap3A_311 : vector<16xi32> to vector<16xi32>
      %swap3A_313 = vector.shape_cast %and3A_309 : vector<16xi32> to vector<16xi32>
      tpu.vector_store %arg7[%swap3A_310], %swap3A_313 {strides = array<i32>} : memref<80xi32, #tpu.memory_space<vmem>>, vector<16xi32>,
      %get3A_314 = arith.index_cast %add3A_241 : i32 to index
      %get3A_315 = arith.constant 64 : index
      %get3A_316 = tpu.vector_load %arg5[%get3A_314, %get3A_315] {strides = array<i32>} : memref<125x80xi32, #tpu.memory_space<vmem>>, vector<1x16xi32>,
      %get3A_317 = vector.shape_cast %get3A_316 : vector<1x16xi32> to vector<16xi32>
      %shift_right_logical3A_318 = arith.constant 14 : i32
      %shift_right_logical3A_319 = vector.broadcast %shift_right_logical3A_318 : i32 to vector<16xi32>
      %shift_right_logical3A_320 = arith.shrui %get3A_317, %shift_right_logical3A_319 : vector<16xi32>
      %swap3A_321 = arith.constant 64 : index
      %swap3A_322 = tpu.vector_load %arg6[%swap3A_321] {strides = array<i32>} : memref<80xi32, #tpu.memory_space<vmem>>, vector<16xi32>,
      %swap3A_323 = vector.shape_cast %swap3A_322 : vector<16xi32> to vector<16xi32>
      %swap3A_324 = vector.shape_cast %shift_right_logical3A_320 : vector<16xi32> to vector<16xi32>
      tpu.vector_store %arg6[%swap3A_321], %swap3A_324 {strides = array<i32>} : memref<80xi32, #tpu.memory_space<vmem>>, vector<16xi32>,
      %and3A_325 = arith.constant 16383 : i32
      %and3A_326 = vector.broadcast %and3A_325 : i32 to vector<16xi32>
      %and3A_327 = arith.andi %get3A_317, %and3A_326 : vector<16xi32>
      %swap3A_328 = arith.constant 64 : index
      %swap3A_329 = tpu.vector_load %arg7[%swap3A_328] {strides = array<i32>} : memref<80xi32, #tpu.memory_space<vmem>>, vector<16xi32>,
      %swap3A_330 = vector.shape_cast %swap3A_329 : vector<16xi32> to vector<16xi32>
      %swap3A_331 = vector.shape_cast %and3A_327 : vector<16xi32> to vector<16xi32>
      tpu.vector_store %arg7[%swap3A_328], %swap3A_331 {strides = array<i32>} : memref<80xi32, #tpu.memory_space<vmem>>, vector<16xi32>,
      %dma_start3A_332 = arith.constant 0 : i32
      %dma_start3A_333 = arith.constant 0 : i32
      %dma_start3A_334 = tpu.memref_slice %arg2[%dma_start3A_332, %dma_start3A_333] : memref<10240x128xf32, #tpu.memory_space<hbm>> -> memref<10240x128xf32, #tpu.memory_space<hbm>>
      tpu.enqueue_indirect_dma source(%dma_start3A_334 : memref<10240x128xf32, #tpu.memory_space<hbm>>) target(%arg10 : memref<80x128xf32, #tpu.memory_space<vmem>>) offsets(%arg6 : memref<80xi32, #tpu.memory_space<vmem>>) semaphore(%arg14 : memref<!tpu.dma_semaphore, #tpu.memory_space<semaphore_mem>>)
      %dma_wait3A_335 = arith.constant 0 : i32
      %dma_wait3A_336 = arith.constant 0 : i32
      %dma_wait3A_337 = tpu.memref_slice %arg2[%dma_wait3A_335, %dma_wait3A_336] : memref<10240x128xf32, #tpu.memory_space<hbm>> -> memref<10240x128xf32, #tpu.memory_space<hbm>>
      tpu.wait_indirect_dma semaphore(%arg15 : memref<!tpu.dma_semaphore, #tpu.memory_space<semaphore_mem>>) src(%dma_wait3A_337 : memref<10240x128xf32, #tpu.memory_space<hbm>>) dst(%arg11 : memref<80x128xf32, #tpu.memory_space<vmem>>)
      %dma_start3A_338 = arith.constant 0 : i32
      %dma_start3A_339 = arith.constant 0 : i32
      %dma_start3A_340 = tpu.memref_slice %arg13[%dma_start3A_338, %dma_start3A_339] : memref<10240x128xf32, #tpu.memory_space<vmem_shared>> -> memref<10240x128xf32, #tpu.memory_space<vmem_shared>>
      tpu.enqueue_indirect_dma source(%arg11 : memref<80x128xf32, #tpu.memory_space<vmem>>) target(%dma_start3A_340 : memref<10240x128xf32, #tpu.memory_space<vmem_shared>>) offsets(%arg9 : memref<80xi32, #tpu.memory_space<vmem>>) semaphore(%arg16 : memref<!tpu.dma_semaphore, #tpu.memory_space<semaphore_mem>>) {add = true}
      %dma_wait3A_341 = arith.constant 0 : i32
      %dma_wait3A_342 = arith.constant 0 : i32
      %dma_wait3A_343 = tpu.memref_slice %arg13[%dma_wait3A_341, %dma_wait3A_342] : memref<10240x128xf32, #tpu.memory_space<vmem_shared>> -> memref<10240x128xf32, #tpu.memory_space<vmem_shared>>
      tpu.wait_indirect_dma semaphore(%arg16 : memref<!tpu.dma_semaphore, #tpu.memory_space<semaphore_mem>>) src(%arg11 : memref<80x128xf32, #tpu.memory_space<vmem>>) dst(%dma_wait3A_343 : memref<10240x128xf32, #tpu.memory_space<vmem_shared>>)
      %scan3A_344 = arith.constant 0 : i32
      scf.yield %scan3A_344 : i32
    }
    %scan3A_115 = arith.constant 62 : i32
    %dma_wait3A = arith.constant 0 : i32
    %dma_wait3A_116 = arith.constant 0 : i32
    %dma_wait3A_117 = tpu.memref_slice %arg2[%dma_wait3A, %dma_wait3A_116] : memref<10240x128xf32, #tpu.memory_space<hbm>> -> memref<10240x128xf32, #tpu.memory_space<hbm>>
    tpu.wait_indirect_dma semaphore(%arg14 : memref<!tpu.dma_semaphore, #tpu.memory_space<semaphore_mem>>) src(%dma_wait3A_117 : memref<10240x128xf32, #tpu.memory_space<hbm>>) dst(%arg10 : memref<80x128xf32, #tpu.memory_space<vmem>>)
    %dma_start3A_118 = arith.constant 0 : i32
    %dma_start3A_119 = arith.constant 0 : i32
    %dma_start3A_120 = tpu.memref_slice %arg13[%dma_start3A_118, %dma_start3A_119] : memref<10240x128xf32, #tpu.memory_space<vmem_shared>> -> memref<10240x128xf32, #tpu.memory_space<vmem_shared>>
    tpu.enqueue_indirect_dma source(%arg10 : memref<80x128xf32, #tpu.memory_space<vmem>>) target(%dma_start3A_120 : memref<10240x128xf32, #tpu.memory_space<vmem_shared>>) offsets(%arg7 : memref<80xi32, #tpu.memory_space<vmem>>) semaphore(%arg16 : memref<!tpu.dma_semaphore, #tpu.memory_space<semaphore_mem>>) {add = true}
    %dma_wait3A_121 = arith.constant 0 : i32
    %dma_wait3A_122 = arith.constant 0 : i32
    %dma_wait3A_123 = tpu.memref_slice %arg13[%dma_wait3A_121, %dma_wait3A_122] : memref<10240x128xf32, #tpu.memory_space<vmem_shared>> -> memref<10240x128xf32, #tpu.memory_space<vmem_shared>>
    tpu.wait_indirect_dma semaphore(%arg16 : memref<!tpu.dma_semaphore, #tpu.memory_space<semaphore_mem>>) src(%arg10 : memref<80x128xf32, #tpu.memory_space<vmem>>) dst(%dma_wait3A_123 : memref<10240x128xf32, #tpu.memory_space<vmem_shared>>)
    %barrier3A_124 = arith.constant 0 : index
    tpu.barrier barrier_id(%barrier3A_124)
    %scan3A_125 = arith.constant 0 : i32
    %scan3A_126 = arith.constant 0 : i32
    %scan3A_127 = arith.constant 20 : i32
    %scan3A_128 = arith.addi %scan3A_126, %scan3A_127 : i32
    %scan3A_129 = arith.constant 1 : i32
    %scan3A_130 = scf.for %scan3A_132 = %scan3A_126 to %scan3A_128 step %scan3A_129 iter_args(%scan3A_133 = %scan3A_125) -> (i32)  : i32 {
      %mul3A_134 = arith.constant 32 : i32
      %mul3A_135 = arith.muli %scan3A_132, %mul3A_134 : i32
      %add3A_136 = arith.addi %mul3A_2, %mul3A_135 : i32
      "tpu.region"() ({
        %run_scoped3A = tpu.sem_alloc : memref<!tpu.dma_semaphore, #tpu.memory_space<semaphore_mem>>
        %dma_start3A_141 = arith.constant 0 : i32
        %dma_start3A_142 = tpu.memref_slice %arg13[%add3A_136, %dma_start3A_141] : memref<10240x128xf32, #tpu.memory_space<vmem_shared>> -> memref<32x128xf32, #tpu.memory_space<vmem_shared>>
        %dma_start3A_143 = arith.constant 0 : i32
        %dma_start3A_144 = tpu.memref_slice %arg13[%add3A_136, %dma_start3A_143] : memref<10240x128xf32, #tpu.memory_space<vmem_shared>> -> memref<32x128xf32, #tpu.memory_space<vmem_shared>>
        tpu.enqueue_dma source(%dma_start3A_144 : memref<32x128xf32, #tpu.memory_space<vmem_shared>>) target(%arg12 : memref<32x128xf32, #tpu.memory_space<vmem>>) target_semaphore(%run_scoped3A : memref<!tpu.dma_semaphore, #tpu.memory_space<semaphore_mem>>)
        %dma_wait3A_145 = arith.constant 0 : i32
        %dma_wait3A_146 = tpu.memref_slice %arg13[%add3A_136, %dma_wait3A_145] : memref<10240x128xf32, #tpu.memory_space<vmem_shared>> -> memref<32x128xf32, #tpu.memory_space<vmem_shared>>
        %dma_wait3A_147 = arith.constant 0 : i32
        %dma_wait3A_148 = tpu.memref_slice %arg13[%add3A_136, %dma_wait3A_147] : memref<10240x128xf32, #tpu.memory_space<vmem_shared>> -> memref<32x128xf32, #tpu.memory_space<vmem_shared>>
        tpu.wait_dma2 semaphore(%run_scoped3A : memref<!tpu.dma_semaphore, #tpu.memory_space<semaphore_mem>>) src(%dma_wait3A_148 : memref<32x128xf32, #tpu.memory_space<vmem_shared>>) dst(%arg12 : memref<32x128xf32, #tpu.memory_space<vmem>>)
        tpu.yield
      }) : () -> ()
      %mul3A_137 = arith.constant 32 : i32
      %mul3A_138 = arith.muli %scan3A_132, %mul3A_137 : i32
      %add3A_139 = arith.addi %mul3A_2, %mul3A_138 : i32
      "tpu.region"() ({
        %run_scoped3A = tpu.sem_alloc : memref<!tpu.dma_semaphore, #tpu.memory_space<semaphore_mem>>
        %dma_start3A_141 = arith.constant 0 : i32
        %dma_start3A_142 = tpu.memref_slice %arg4[%arg0, %add3A_139, %dma_start3A_141] : memref<2x10240x128xf32, #tpu.memory_space<hbm>> -> memref<1x32x128xf32, #tpu.memory_space<hbm>>
        %dma_start3A_143 = tpu.memref_squeeze %dma_start3A_142 : memref<1x32x128xf32, #tpu.memory_space<hbm>> -> memref<32x128xf32, #tpu.memory_space<hbm>>
        %dma_start3A_144 = arith.constant 0 : i32
        %dma_start3A_145 = tpu.memref_slice %arg4[%arg0, %add3A_139, %dma_start3A_144] : memref<2x10240x128xf32, #tpu.memory_space<hbm>> -> memref<1x32x128xf32, #tpu.memory_space<hbm>>
        %dma_start3A_146 = tpu.memref_squeeze %dma_start3A_145 : memref<1x32x128xf32, #tpu.memory_space<hbm>> -> memref<32x128xf32, #tpu.memory_space<hbm>>
        tpu.enqueue_dma source(%arg12 : memref<32x128xf32, #tpu.memory_space<vmem>>) target(%dma_start3A_146 : memref<32x128xf32, #tpu.memory_space<hbm>>) target_semaphore(%run_scoped3A : memref<!tpu.dma_semaphore, #tpu.memory_space<semaphore_mem>>)
        %dma_wait3A_147 = arith.constant 0 : i32
        %dma_wait3A_148 = tpu.memref_slice %arg4[%arg0, %add3A_139, %dma_wait3A_147] : memref<2x10240x128xf32, #tpu.memory_space<hbm>> -> memref<1x32x128xf32, #tpu.memory_space<hbm>>
        %dma_wait3A_149 = tpu.memref_squeeze %dma_wait3A_148 : memref<1x32x128xf32, #tpu.memory_space<hbm>> -> memref<32x128xf32, #tpu.memory_space<hbm>>
        %dma_wait3A_150 = arith.constant 0 : i32
        %dma_wait3A_151 = tpu.memref_slice %arg4[%arg0, %add3A_139, %dma_wait3A_150] : memref<2x10240x128xf32, #tpu.memory_space<hbm>> -> memref<1x32x128xf32, #tpu.memory_space<hbm>>
        %dma_wait3A_152 = tpu.memref_squeeze %dma_wait3A_151 : memref<1x32x128xf32, #tpu.memory_space<hbm>> -> memref<32x128xf32, #tpu.memory_space<hbm>>
        tpu.wait_dma2 semaphore(%run_scoped3A : memref<!tpu.dma_semaphore, #tpu.memory_space<semaphore_mem>>) src(%arg12 : memref<32x128xf32, #tpu.memory_space<vmem>>) dst(%dma_wait3A_152 : memref<32x128xf32, #tpu.memory_space<hbm>>)
        tpu.yield
      }) : () -> ()
      %scan3A_140 = arith.constant 0 : i32
      scf.yield %scan3A_140 : i32
    }
    %scan3A_131 = arith.constant 20 : i32
    return
  }
}

#map = affine_map<(d0, d1) -> (0, 0)>
#map1 = affine_map<(d0, d1) -> (0, 0, 0)>
module attributes {stable_mosaic.version = 14 : i64} {
  func.func @_agg_body(%arg0: i32, %arg1: i32, %arg2: memref<10240x128xf32, #tpu.memory_space<hbm>>, %arg3: memref<32x125x80xi32, #tpu.memory_space<hbm>>, %arg4: memref<2x10240x128xf32, #tpu.memory_space<hbm>>, %arg5: memref<125x80xi32, #tpu.memory_space<vmem>>, %arg6: memref<80xi32, #tpu.memory_space<vmem>>, %arg7: memref<80xi32, #tpu.memory_space<vmem>>, %arg8: memref<80xi32, #tpu.memory_space<vmem>>, %arg9: memref<80xi32, #tpu.memory_space<vmem>>, %arg10: memref<80x128xf32, #tpu.memory_space<vmem>>, %arg11: memref<80x128xf32, #tpu.memory_space<vmem>>, %arg12: memref<32x128xf32, #tpu.memory_space<vmem>>, %arg13: memref<10240x128xf32, #tpu.memory_space<vmem_shared>>, %arg14: memref<!tpu.dma_semaphore, #tpu.memory_space<semaphore_mem>>, %arg15: memref<!tpu.dma_semaphore, #tpu.memory_space<semaphore_mem>>, %arg16: memref<!tpu.dma_semaphore, #tpu.memory_space<semaphore_mem>>) attributes {dimension_semantics = [#tpu.dimension_semantics<core_parallel>, #tpu.dimension_semantics<subcore_parallel>], iteration_bounds = array<i64: 2, 16>, scalar_prefetch = 0 : i64, scratch_operands = 12 : i64, tpu.core_type = #tpu.core_type<sc_vector_subcore>, window_params = [{transform_indices = #map}, {transform_indices = #map1}, {transform_indices = #map1}]} {
    %mul3A = arith.constant 2 : i32
    %mul3A_0 = arith.muli %arg1, %mul3A : i32
    %add3A = arith.addi %mul3A_0, %arg0 : i32
    %mul3A_1 = arith.constant 640 : i32
    %mul3A_2 = arith.muli %arg1, %mul3A_1 : i32
    %scan3A = arith.constant 0 : i32
    %scan3A_3 = arith.constant 0 : i32
    %scan3A_4 = arith.constant 32 : i32
    %scan3A_5 = arith.addi %scan3A_3, %scan3A_4 : i32
    %scan3A_6 = arith.constant 1 : i32
    %scan3A_7 = scf.for %scan3A_132 = %scan3A_3 to %scan3A_5 step %scan3A_6 iter_args(%scan3A_133 = %scan3A) -> (i32)  : i32 {
      %scan3A_134 = arith.constant 0 : i32
      %scan3A_135 = arith.constant 0 : i32
      %scan3A_136 = arith.constant 8 : i32
      %scan3A_137 = arith.addi %scan3A_135, %scan3A_136 : i32
      %scan3A_138 = arith.constant 1 : i32
      %scan3A_139 = scf.for %scan3A_141 = %scan3A_135 to %scan3A_137 step %scan3A_138 iter_args(%scan3A_142 = %scan3A_134) -> (i32)  : i32 {
        %broadcast_in_dim3A = arith.constant 0.000000e+00 : f32
        %broadcast_in_dim3A_143 = vector.broadcast %broadcast_in_dim3A : f32 to vector<16xf32>
        %mul3A_144 = arith.constant 16 : i32
        %mul3A_145 = arith.muli %scan3A_141, %mul3A_144 : i32
        %swap3A_146 = arith.index_cast %scan3A_132 : i32 to index
        %swap3A_147 = arith.index_cast %mul3A_145 : i32 to index
        %swap3A_148 = tpu.vector_load %arg12[%swap3A_146, %swap3A_147] {strides = array<i32>} : memref<32x128xf32, #tpu.memory_space<vmem>>, vector<1x16xf32>,
        %swap3A_149 = vector.shape_cast %swap3A_148 : vector<1x16xf32> to vector<16xf32>
        %swap3A_150 = vector.shape_cast %broadcast_in_dim3A_143 : vector<16xf32> to vector<1x16xf32>
        tpu.vector_store %arg12[%swap3A_146, %swap3A_147], %swap3A_150 {strides = array<i32>} : memref<32x128xf32, #tpu.memory_space<vmem>>, vector<1x16xf32>,
        %scan3A_151 = arith.constant 0 : i32
        scf.yield %scan3A_151 : i32
      }
      %scan3A_140 = arith.constant 8 : i32
      scf.yield %scan3A_139 : i32
    }
    %scan3A_8 = arith.constant 32 : i32
    %scan3A_9 = arith.constant 0 : i32
    %scan3A_10 = arith.constant 0 : i32
    %scan3A_11 = arith.constant 20 : i32
    %scan3A_12 = arith.addi %scan3A_10, %scan3A_11 : i32
    %scan3A_13 = arith.constant 1 : i32
    %scan3A_14 = scf.for %scan3A_132 = %scan3A_10 to %scan3A_12 step %scan3A_13 iter_args(%scan3A_133 = %scan3A_9) -> (i32)  : i32 {
      %mul3A_134 = arith.constant 32 : i32
      %mul3A_135 = arith.muli %scan3A_132, %mul3A_134 : i32
      %add3A_136 = arith.addi %mul3A_2, %mul3A_135 : i32
      "tpu.region"() ({
        %run_scoped3A = tpu.sem_alloc : memref<!tpu.dma_semaphore, #tpu.memory_space<semaphore_mem>>
        %dma_start3A_138 = arith.constant 0 : i32
        %dma_start3A_139 = tpu.memref_slice %arg13[%add3A_136, %dma_start3A_138] : memref<10240x128xf32, #tpu.memory_space<vmem_shared>> -> memref<32x128xf32, #tpu.memory_space<vmem_shared>>
        %dma_start3A_140 = arith.constant 0 : i32
        %dma_start3A_141 = tpu.memref_slice %arg13[%add3A_136, %dma_start3A_140] : memref<10240x128xf32, #tpu.memory_space<vmem_shared>> -> memref<32x128xf32, #tpu.memory_space<vmem_shared>>
        tpu.enqueue_dma source(%arg12 : memref<32x128xf32, #tpu.memory_space<vmem>>) target(%dma_start3A_141 : memref<32x128xf32, #tpu.memory_space<vmem_shared>>) target_semaphore(%run_scoped3A : memref<!tpu.dma_semaphore, #tpu.memory_space<semaphore_mem>>)
        %dma_wait3A_142 = arith.constant 0 : i32
        %dma_wait3A_143 = tpu.memref_slice %arg13[%add3A_136, %dma_wait3A_142] : memref<10240x128xf32, #tpu.memory_space<vmem_shared>> -> memref<32x128xf32, #tpu.memory_space<vmem_shared>>
        %dma_wait3A_144 = arith.constant 0 : i32
        %dma_wait3A_145 = tpu.memref_slice %arg13[%add3A_136, %dma_wait3A_144] : memref<10240x128xf32, #tpu.memory_space<vmem_shared>> -> memref<32x128xf32, #tpu.memory_space<vmem_shared>>
        tpu.wait_dma2 semaphore(%run_scoped3A : memref<!tpu.dma_semaphore, #tpu.memory_space<semaphore_mem>>) src(%arg12 : memref<32x128xf32, #tpu.memory_space<vmem>>) dst(%dma_wait3A_145 : memref<32x128xf32, #tpu.memory_space<vmem_shared>>)
        tpu.yield
      }) : () -> ()
      %scan3A_137 = arith.constant 0 : i32
      scf.yield %scan3A_137 : i32
    }
    %scan3A_15 = arith.constant 20 : i32
    "tpu.region"() ({
      %run_scoped3A = tpu.sem_alloc : memref<!tpu.dma_semaphore, #tpu.memory_space<semaphore_mem>>
      %dma_start3A_132 = arith.constant 0 : i32
      %dma_start3A_133 = arith.constant 0 : i32
      %dma_start3A_134 = tpu.memref_slice %arg3[%add3A, %dma_start3A_132, %dma_start3A_133] : memref<32x125x80xi32, #tpu.memory_space<hbm>> -> memref<1x125x80xi32, #tpu.memory_space<hbm>>
      %dma_start3A_135 = tpu.memref_squeeze %dma_start3A_134 : memref<1x125x80xi32, #tpu.memory_space<hbm>> -> memref<125x80xi32, #tpu.memory_space<hbm>>
      %dma_start3A_136 = arith.constant 0 : i32
      %dma_start3A_137 = arith.constant 0 : i32
      %dma_start3A_138 = tpu.memref_slice %arg3[%add3A, %dma_start3A_136, %dma_start3A_137] : memref<32x125x80xi32, #tpu.memory_space<hbm>> -> memref<1x125x80xi32, #tpu.memory_space<hbm>>
      %dma_start3A_139 = tpu.memref_squeeze %dma_start3A_138 : memref<1x125x80xi32, #tpu.memory_space<hbm>> -> memref<125x80xi32, #tpu.memory_space<hbm>>
      tpu.enqueue_dma source(%dma_start3A_139 : memref<125x80xi32, #tpu.memory_space<hbm>>) target(%arg5 : memref<125x80xi32, #tpu.memory_space<vmem>>) target_semaphore(%run_scoped3A : memref<!tpu.dma_semaphore, #tpu.memory_space<semaphore_mem>>)
      %dma_wait3A_140 = arith.constant 0 : i32
      %dma_wait3A_141 = arith.constant 0 : i32
      %dma_wait3A_142 = tpu.memref_slice %arg3[%add3A, %dma_wait3A_140, %dma_wait3A_141] : memref<32x125x80xi32, #tpu.memory_space<hbm>> -> memref<1x125x80xi32, #tpu.memory_space<hbm>>
      %dma_wait3A_143 = tpu.memref_squeeze %dma_wait3A_142 : memref<1x125x80xi32, #tpu.memory_space<hbm>> -> memref<125x80xi32, #tpu.memory_space<hbm>>
      %dma_wait3A_144 = arith.constant 0 : i32
      %dma_wait3A_145 = arith.constant 0 : i32
      %dma_wait3A_146 = tpu.memref_slice %arg3[%add3A, %dma_wait3A_144, %dma_wait3A_145] : memref<32x125x80xi32, #tpu.memory_space<hbm>> -> memref<1x125x80xi32, #tpu.memory_space<hbm>>
      %dma_wait3A_147 = tpu.memref_squeeze %dma_wait3A_146 : memref<1x125x80xi32, #tpu.memory_space<hbm>> -> memref<125x80xi32, #tpu.memory_space<hbm>>
      tpu.wait_dma2 semaphore(%run_scoped3A : memref<!tpu.dma_semaphore, #tpu.memory_space<semaphore_mem>>) src(%dma_wait3A_147 : memref<125x80xi32, #tpu.memory_space<hbm>>) dst(%arg5 : memref<125x80xi32, #tpu.memory_space<vmem>>)
      tpu.yield
    }) : () -> ()
    %barrier3A = arith.constant 0 : index
    tpu.barrier barrier_id(%barrier3A)
    %get3A = arith.constant 0 : i32
    %get3A_16 = arith.index_cast %get3A : i32 to index
    %get3A_17 = arith.constant 0 : index
    %get3A_18 = tpu.vector_load %arg5[%get3A_16, %get3A_17] {strides = array<i32>} : memref<125x80xi32, #tpu.memory_space<vmem>>, vector<1x16xi32>,
    %get3A_19 = vector.shape_cast %get3A_18 : vector<1x16xi32> to vector<16xi32>
    %shift_right_logical3A = arith.constant 14 : i32
    %shift_right_logical3A_20 = vector.broadcast %shift_right_logical3A : i32 to vector<16xi32>
    %shift_right_logical3A_21 = arith.shrui %get3A_19, %shift_right_logical3A_20 : vector<16xi32>
    %swap3A = arith.constant 0 : index
    %swap3A_22 = tpu.vector_load %arg6[%swap3A] {strides = array<i32>} : memref<80xi32, #tpu.memory_space<vmem>>, vector<16xi32>,
    %swap3A_23 = vector.shape_cast %swap3A_22 : vector<16xi32> to vector<16xi32>
    %swap3A_24 = vector.shape_cast %shift_right_logical3A_21 : vector<16xi32> to vector<16xi32>
    tpu.vector_store %arg6[%swap3A], %swap3A_24 {strides = array<i32>} : memref<80xi32, #tpu.memory_space<vmem>>, vector<16xi32>,
    %and3A = arith.constant 16383 : i32
    %and3A_25 = vector.broadcast %and3A : i32 to vector<16xi32>
    %and3A_26 = arith.andi %get3A_19, %and3A_25 : vector<16xi32>
    %swap3A_27 = arith.constant 0 : index
    %swap3A_28 = tpu.vector_load %arg7[%swap3A_27] {strides = array<i32>} : memref<80xi32, #tpu.memory_space<vmem>>, vector<16xi32>,
    %swap3A_29 = vector.shape_cast %swap3A_28 : vector<16xi32> to vector<16xi32>
    %swap3A_30 = vector.shape_cast %and3A_26 : vector<16xi32> to vector<16xi32>
    tpu.vector_store %arg7[%swap3A_27], %swap3A_30 {strides = array<i32>} : memref<80xi32, #tpu.memory_space<vmem>>, vector<16xi32>,
    %get3A_31 = arith.constant 0 : i32
    %get3A_32 = arith.index_cast %get3A_31 : i32 to index
    %get3A_33 = arith.constant 16 : index
    %get3A_34 = tpu.vector_load %arg5[%get3A_32, %get3A_33] {strides = array<i32>} : memref<125x80xi32, #tpu.memory_space<vmem>>, vector<1x16xi32>,
    %get3A_35 = vector.shape_cast %get3A_34 : vector<1x16xi32> to vector<16xi32>
    %shift_right_logical3A_36 = arith.constant 14 : i32
    %shift_right_logical3A_37 = vector.broadcast %shift_right_logical3A_36 : i32 to vector<16xi32>
    %shift_right_logical3A_38 = arith.shrui %get3A_35, %shift_right_logical3A_37 : vector<16xi32>
    %swap3A_39 = arith.constant 16 : index
    %swap3A_40 = tpu.vector_load %arg6[%swap3A_39] {strides = array<i32>} : memref<80xi32, #tpu.memory_space<vmem>>, vector<16xi32>,
    %swap3A_41 = vector.shape_cast %swap3A_40 : vector<16xi32> to vector<16xi32>
    %swap3A_42 = vector.shape_cast %shift_right_logical3A_38 : vector<16xi32> to vector<16xi32>
    tpu.vector_store %arg6[%swap3A_39], %swap3A_42 {strides = array<i32>} : memref<80xi32, #tpu.memory_space<vmem>>, vector<16xi32>,
    %and3A_43 = arith.constant 16383 : i32
    %and3A_44 = vector.broadcast %and3A_43 : i32 to vector<16xi32>
    %and3A_45 = arith.andi %get3A_35, %and3A_44 : vector<16xi32>
    %swap3A_46 = arith.constant 16 : index
    %swap3A_47 = tpu.vector_load %arg7[%swap3A_46] {strides = array<i32>} : memref<80xi32, #tpu.memory_space<vmem>>, vector<16xi32>,
    %swap3A_48 = vector.shape_cast %swap3A_47 : vector<16xi32> to vector<16xi32>
    %swap3A_49 = vector.shape_cast %and3A_45 : vector<16xi32> to vector<16xi32>
    tpu.vector_store %arg7[%swap3A_46], %swap3A_49 {strides = array<i32>} : memref<80xi32, #tpu.memory_space<vmem>>, vector<16xi32>,
    %get3A_50 = arith.constant 0 : i32
    %get3A_51 = arith.index_cast %get3A_50 : i32 to index
    %get3A_52 = arith.constant 32 : index
    %get3A_53 = tpu.vector_load %arg5[%get3A_51, %get3A_52] {strides = array<i32>} : memref<125x80xi32, #tpu.memory_space<vmem>>, vector<1x16xi32>,
    %get3A_54 = vector.shape_cast %get3A_53 : vector<1x16xi32> to vector<16xi32>
    %shift_right_logical3A_55 = arith.constant 14 : i32
    %shift_right_logical3A_56 = vector.broadcast %shift_right_logical3A_55 : i32 to vector<16xi32>
    %shift_right_logical3A_57 = arith.shrui %get3A_54, %shift_right_logical3A_56 : vector<16xi32>
    %swap3A_58 = arith.constant 32 : index
    %swap3A_59 = tpu.vector_load %arg6[%swap3A_58] {strides = array<i32>} : memref<80xi32, #tpu.memory_space<vmem>>, vector<16xi32>,
    %swap3A_60 = vector.shape_cast %swap3A_59 : vector<16xi32> to vector<16xi32>
    %swap3A_61 = vector.shape_cast %shift_right_logical3A_57 : vector<16xi32> to vector<16xi32>
    tpu.vector_store %arg6[%swap3A_58], %swap3A_61 {strides = array<i32>} : memref<80xi32, #tpu.memory_space<vmem>>, vector<16xi32>,
    %and3A_62 = arith.constant 16383 : i32
    %and3A_63 = vector.broadcast %and3A_62 : i32 to vector<16xi32>
    %and3A_64 = arith.andi %get3A_54, %and3A_63 : vector<16xi32>
    %swap3A_65 = arith.constant 32 : index
    %swap3A_66 = tpu.vector_load %arg7[%swap3A_65] {strides = array<i32>} : memref<80xi32, #tpu.memory_space<vmem>>, vector<16xi32>,
    %swap3A_67 = vector.shape_cast %swap3A_66 : vector<16xi32> to vector<16xi32>
    %swap3A_68 = vector.shape_cast %and3A_64 : vector<16xi32> to vector<16xi32>
    tpu.vector_store %arg7[%swap3A_65], %swap3A_68 {strides = array<i32>} : memref<80xi32, #tpu.memory_space<vmem>>, vector<16xi32>,
    %get3A_69 = arith.constant 0 : i32
    %get3A_70 = arith.index_cast %get3A_69 : i32 to index
    %get3A_71 = arith.constant 48 : index
    %get3A_72 = tpu.vector_load %arg5[%get3A_70, %get3A_71] {strides = array<i32>} : memref<125x80xi32, #tpu.memory_space<vmem>>, vector<1x16xi32>,
    %get3A_73 = vector.shape_cast %get3A_72 : vector<1x16xi32> to vector<16xi32>
    %shift_right_logical3A_74 = arith.constant 14 : i32
    %shift_right_logical3A_75 = vector.broadcast %shift_right_logical3A_74 : i32 to vector<16xi32>
    %shift_right_logical3A_76 = arith.shrui %get3A_73, %shift_right_logical3A_75 : vector<16xi32>
    %swap3A_77 = arith.constant 48 : index
    %swap3A_78 = tpu.vector_load %arg6[%swap3A_77] {strides = array<i32>} : memref<80xi32, #tpu.memory_space<vmem>>, vector<16xi32>,
    %swap3A_79 = vector.shape_cast %swap3A_78 : vector<16xi32> to vector<16xi32>
    %swap3A_80 = vector.shape_cast %shift_right_logical3A_76 : vector<16xi32> to vector<16xi32>
    tpu.vector_store %arg6[%swap3A_77], %swap3A_80 {strides = array<i32>} : memref<80xi32, #tpu.memory_space<vmem>>, vector<16xi32>,
    %and3A_81 = arith.constant 16383 : i32
    %and3A_82 = vector.broadcast %and3A_81 : i32 to vector<16xi32>
    %and3A_83 = arith.andi %get3A_73, %and3A_82 : vector<16xi32>
    %swap3A_84 = arith.constant 48 : index
    %swap3A_85 = tpu.vector_load %arg7[%swap3A_84] {strides = array<i32>} : memref<80xi32, #tpu.memory_space<vmem>>, vector<16xi32>,
    %swap3A_86 = vector.shape_cast %swap3A_85 : vector<16xi32> to vector<16xi32>
    %swap3A_87 = vector.shape_cast %and3A_83 : vector<16xi32> to vector<16xi32>
    tpu.vector_store %arg7[%swap3A_84], %swap3A_87 {strides = array<i32>} : memref<80xi32, #tpu.memory_space<vmem>>, vector<16xi32>,
    %get3A_88 = arith.constant 0 : i32
    %get3A_89 = arith.index_cast %get3A_88 : i32 to index
    %get3A_90 = arith.constant 64 : index
    %get3A_91 = tpu.vector_load %arg5[%get3A_89, %get3A_90] {strides = array<i32>} : memref<125x80xi32, #tpu.memory_space<vmem>>, vector<1x16xi32>,
    %get3A_92 = vector.shape_cast %get3A_91 : vector<1x16xi32> to vector<16xi32>
    %shift_right_logical3A_93 = arith.constant 14 : i32
    %shift_right_logical3A_94 = vector.broadcast %shift_right_logical3A_93 : i32 to vector<16xi32>
    %shift_right_logical3A_95 = arith.shrui %get3A_92, %shift_right_logical3A_94 : vector<16xi32>
    %swap3A_96 = arith.constant 64 : index
    %swap3A_97 = tpu.vector_load %arg6[%swap3A_96] {strides = array<i32>} : memref<80xi32, #tpu.memory_space<vmem>>, vector<16xi32>,
    %swap3A_98 = vector.shape_cast %swap3A_97 : vector<16xi32> to vector<16xi32>
    %swap3A_99 = vector.shape_cast %shift_right_logical3A_95 : vector<16xi32> to vector<16xi32>
    tpu.vector_store %arg6[%swap3A_96], %swap3A_99 {strides = array<i32>} : memref<80xi32, #tpu.memory_space<vmem>>, vector<16xi32>,
    %and3A_100 = arith.constant 16383 : i32
    %and3A_101 = vector.broadcast %and3A_100 : i32 to vector<16xi32>
    %and3A_102 = arith.andi %get3A_92, %and3A_101 : vector<16xi32>
    %swap3A_103 = arith.constant 64 : index
    %swap3A_104 = tpu.vector_load %arg7[%swap3A_103] {strides = array<i32>} : memref<80xi32, #tpu.memory_space<vmem>>, vector<16xi32>,
    %swap3A_105 = vector.shape_cast %swap3A_104 : vector<16xi32> to vector<16xi32>
    %swap3A_106 = vector.shape_cast %and3A_102 : vector<16xi32> to vector<16xi32>
    tpu.vector_store %arg7[%swap3A_103], %swap3A_106 {strides = array<i32>} : memref<80xi32, #tpu.memory_space<vmem>>, vector<16xi32>,
    %dma_start3A = arith.constant 0 : i32
    %dma_start3A_107 = arith.constant 0 : i32
    %dma_start3A_108 = tpu.memref_slice %arg2[%dma_start3A, %dma_start3A_107] : memref<10240x128xf32, #tpu.memory_space<hbm>> -> memref<10240x128xf32, #tpu.memory_space<hbm>>
    tpu.enqueue_indirect_dma source(%dma_start3A_108 : memref<10240x128xf32, #tpu.memory_space<hbm>>) target(%arg10 : memref<80x128xf32, #tpu.memory_space<vmem>>) offsets(%arg6 : memref<80xi32, #tpu.memory_space<vmem>>) semaphore(%arg14 : memref<!tpu.dma_semaphore, #tpu.memory_space<semaphore_mem>>)
    %scan3A_109 = arith.constant 0 : i32
    %scan3A_110 = arith.constant 0 : i32
    %scan3A_111 = arith.constant 62 : i32
    %scan3A_112 = arith.addi %scan3A_110, %scan3A_111 : i32
    %scan3A_113 = arith.constant 1 : i32
    %scan3A_114 = scf.for %scan3A_132 = %scan3A_110 to %scan3A_112 step %scan3A_113 iter_args(%scan3A_133 = %scan3A_109) -> (i32)  : i32 {
      %mul3A_134 = arith.constant 2 : i32
      %mul3A_135 = arith.muli %mul3A_134, %scan3A_132 : i32
      %add3A_136 = arith.constant 1 : i32
      %add3A_137 = arith.addi %mul3A_135, %add3A_136 : i32
      %get3A_138 = arith.index_cast %add3A_137 : i32 to index
      %get3A_139 = arith.constant 0 : index
      %get3A_140 = tpu.vector_load %arg5[%get3A_138, %get3A_139] {strides = array<i32>} : memref<125x80xi32, #tpu.memory_space<vmem>>, vector<1x16xi32>,
      %get3A_141 = vector.shape_cast %get3A_140 : vector<1x16xi32> to vector<16xi32>
      %shift_right_logical3A_142 = arith.constant 14 : i32
      %shift_right_logical3A_143 = vector.broadcast %shift_right_logical3A_142 : i32 to vector<16xi32>
      %shift_right_logical3A_144 = arith.shrui %get3A_141, %shift_right_logical3A_143 : vector<16xi32>
      %swap3A_145 = arith.constant 0 : index
      %swap3A_146 = tpu.vector_load %arg8[%swap3A_145] {strides = array<i32>} : memref<80xi32, #tpu.memory_space<vmem>>, vector<16xi32>,
      %swap3A_147 = vector.shape_cast %swap3A_146 : vector<16xi32> to vector<16xi32>
      %swap3A_148 = vector.shape_cast %shift_right_logical3A_144 : vector<16xi32> to vector<16xi32>
      tpu.vector_store %arg8[%swap3A_145], %swap3A_148 {strides = array<i32>} : memref<80xi32, #tpu.memory_space<vmem>>, vector<16xi32>,
      %and3A_149 = arith.constant 16383 : i32
      %and3A_150 = vector.broadcast %and3A_149 : i32 to vector<16xi32>
      %and3A_151 = arith.andi %get3A_141, %and3A_150 : vector<16xi32>
      %swap3A_152 = arith.constant 0 : index
      %swap3A_153 = tpu.vector_load %arg9[%swap3A_152] {strides = array<i32>} : memref<80xi32, #tpu.memory_space<vmem>>, vector<16xi32>,
      %swap3A_154 = vector.shape_cast %swap3A_153 : vector<16xi32> to vector<16xi32>
      %swap3A_155 = vector.shape_cast %and3A_151 : vector<16xi32> to vector<16xi32>
      tpu.vector_store %arg9[%swap3A_152], %swap3A_155 {strides = array<i32>} : memref<80xi32, #tpu.memory_space<vmem>>, vector<16xi32>,
      %get3A_156 = arith.index_cast %add3A_137 : i32 to index
      %get3A_157 = arith.constant 16 : index
      %get3A_158 = tpu.vector_load %arg5[%get3A_156, %get3A_157] {strides = array<i32>} : memref<125x80xi32, #tpu.memory_space<vmem>>, vector<1x16xi32>,
      %get3A_159 = vector.shape_cast %get3A_158 : vector<1x16xi32> to vector<16xi32>
      %shift_right_logical3A_160 = arith.constant 14 : i32
      %shift_right_logical3A_161 = vector.broadcast %shift_right_logical3A_160 : i32 to vector<16xi32>
      %shift_right_logical3A_162 = arith.shrui %get3A_159, %shift_right_logical3A_161 : vector<16xi32>
      %swap3A_163 = arith.constant 16 : index
      %swap3A_164 = tpu.vector_load %arg8[%swap3A_163] {strides = array<i32>} : memref<80xi32, #tpu.memory_space<vmem>>, vector<16xi32>,
      %swap3A_165 = vector.shape_cast %swap3A_164 : vector<16xi32> to vector<16xi32>
      %swap3A_166 = vector.shape_cast %shift_right_logical3A_162 : vector<16xi32> to vector<16xi32>
      tpu.vector_store %arg8[%swap3A_163], %swap3A_166 {strides = array<i32>} : memref<80xi32, #tpu.memory_space<vmem>>, vector<16xi32>,
      %and3A_167 = arith.constant 16383 : i32
      %and3A_168 = vector.broadcast %and3A_167 : i32 to vector<16xi32>
      %and3A_169 = arith.andi %get3A_159, %and3A_168 : vector<16xi32>
      %swap3A_170 = arith.constant 16 : index
      %swap3A_171 = tpu.vector_load %arg9[%swap3A_170] {strides = array<i32>} : memref<80xi32, #tpu.memory_space<vmem>>, vector<16xi32>,
      %swap3A_172 = vector.shape_cast %swap3A_171 : vector<16xi32> to vector<16xi32>
      %swap3A_173 = vector.shape_cast %and3A_169 : vector<16xi32> to vector<16xi32>
      tpu.vector_store %arg9[%swap3A_170], %swap3A_173 {strides = array<i32>} : memref<80xi32, #tpu.memory_space<vmem>>, vector<16xi32>,
      %get3A_174 = arith.index_cast %add3A_137 : i32 to index
      %get3A_175 = arith.constant 32 : index
      %get3A_176 = tpu.vector_load %arg5[%get3A_174, %get3A_175] {strides = array<i32>} : memref<125x80xi32, #tpu.memory_space<vmem>>, vector<1x16xi32>,
      %get3A_177 = vector.shape_cast %get3A_176 : vector<1x16xi32> to vector<16xi32>
      %shift_right_logical3A_178 = arith.constant 14 : i32
      %shift_right_logical3A_179 = vector.broadcast %shift_right_logical3A_178 : i32 to vector<16xi32>
      %shift_right_logical3A_180 = arith.shrui %get3A_177, %shift_right_logical3A_179 : vector<16xi32>
      %swap3A_181 = arith.constant 32 : index
      %swap3A_182 = tpu.vector_load %arg8[%swap3A_181] {strides = array<i32>} : memref<80xi32, #tpu.memory_space<vmem>>, vector<16xi32>,
      %swap3A_183 = vector.shape_cast %swap3A_182 : vector<16xi32> to vector<16xi32>
      %swap3A_184 = vector.shape_cast %shift_right_logical3A_180 : vector<16xi32> to vector<16xi32>
      tpu.vector_store %arg8[%swap3A_181], %swap3A_184 {strides = array<i32>} : memref<80xi32, #tpu.memory_space<vmem>>, vector<16xi32>,
      %and3A_185 = arith.constant 16383 : i32
      %and3A_186 = vector.broadcast %and3A_185 : i32 to vector<16xi32>
      %and3A_187 = arith.andi %get3A_177, %and3A_186 : vector<16xi32>
      %swap3A_188 = arith.constant 32 : index
      %swap3A_189 = tpu.vector_load %arg9[%swap3A_188] {strides = array<i32>} : memref<80xi32, #tpu.memory_space<vmem>>, vector<16xi32>,
      %swap3A_190 = vector.shape_cast %swap3A_189 : vector<16xi32> to vector<16xi32>
      %swap3A_191 = vector.shape_cast %and3A_187 : vector<16xi32> to vector<16xi32>
      tpu.vector_store %arg9[%swap3A_188], %swap3A_191 {strides = array<i32>} : memref<80xi32, #tpu.memory_space<vmem>>, vector<16xi32>,
      %get3A_192 = arith.index_cast %add3A_137 : i32 to index
      %get3A_193 = arith.constant 48 : index
      %get3A_194 = tpu.vector_load %arg5[%get3A_192, %get3A_193] {strides = array<i32>} : memref<125x80xi32, #tpu.memory_space<vmem>>, vector<1x16xi32>,
      %get3A_195 = vector.shape_cast %get3A_194 : vector<1x16xi32> to vector<16xi32>
      %shift_right_logical3A_196 = arith.constant 14 : i32
      %shift_right_logical3A_197 = vector.broadcast %shift_right_logical3A_196 : i32 to vector<16xi32>
      %shift_right_logical3A_198 = arith.shrui %get3A_195, %shift_right_logical3A_197 : vector<16xi32>
      %swap3A_199 = arith.constant 48 : index
      %swap3A_200 = tpu.vector_load %arg8[%swap3A_199] {strides = array<i32>} : memref<80xi32, #tpu.memory_space<vmem>>, vector<16xi32>,
      %swap3A_201 = vector.shape_cast %swap3A_200 : vector<16xi32> to vector<16xi32>
      %swap3A_202 = vector.shape_cast %shift_right_logical3A_198 : vector<16xi32> to vector<16xi32>
      tpu.vector_store %arg8[%swap3A_199], %swap3A_202 {strides = array<i32>} : memref<80xi32, #tpu.memory_space<vmem>>, vector<16xi32>,
      %and3A_203 = arith.constant 16383 : i32
      %and3A_204 = vector.broadcast %and3A_203 : i32 to vector<16xi32>
      %and3A_205 = arith.andi %get3A_195, %and3A_204 : vector<16xi32>
      %swap3A_206 = arith.constant 48 : index
      %swap3A_207 = tpu.vector_load %arg9[%swap3A_206] {strides = array<i32>} : memref<80xi32, #tpu.memory_space<vmem>>, vector<16xi32>,
      %swap3A_208 = vector.shape_cast %swap3A_207 : vector<16xi32> to vector<16xi32>
      %swap3A_209 = vector.shape_cast %and3A_205 : vector<16xi32> to vector<16xi32>
      tpu.vector_store %arg9[%swap3A_206], %swap3A_209 {strides = array<i32>} : memref<80xi32, #tpu.memory_space<vmem>>, vector<16xi32>,
      %get3A_210 = arith.index_cast %add3A_137 : i32 to index
      %get3A_211 = arith.constant 64 : index
      %get3A_212 = tpu.vector_load %arg5[%get3A_210, %get3A_211] {strides = array<i32>} : memref<125x80xi32, #tpu.memory_space<vmem>>, vector<1x16xi32>,
      %get3A_213 = vector.shape_cast %get3A_212 : vector<1x16xi32> to vector<16xi32>
      %shift_right_logical3A_214 = arith.constant 14 : i32
      %shift_right_logical3A_215 = vector.broadcast %shift_right_logical3A_214 : i32 to vector<16xi32>
      %shift_right_logical3A_216 = arith.shrui %get3A_213, %shift_right_logical3A_215 : vector<16xi32>
      %swap3A_217 = arith.constant 64 : index
      %swap3A_218 = tpu.vector_load %arg8[%swap3A_217] {strides = array<i32>} : memref<80xi32, #tpu.memory_space<vmem>>, vector<16xi32>,
      %swap3A_219 = vector.shape_cast %swap3A_218 : vector<16xi32> to vector<16xi32>
      %swap3A_220 = vector.shape_cast %shift_right_logical3A_216 : vector<16xi32> to vector<16xi32>
      tpu.vector_store %arg8[%swap3A_217], %swap3A_220 {strides = array<i32>} : memref<80xi32, #tpu.memory_space<vmem>>, vector<16xi32>,
      %and3A_221 = arith.constant 16383 : i32
      %and3A_222 = vector.broadcast %and3A_221 : i32 to vector<16xi32>
      %and3A_223 = arith.andi %get3A_213, %and3A_222 : vector<16xi32>
      %swap3A_224 = arith.constant 64 : index
      %swap3A_225 = tpu.vector_load %arg9[%swap3A_224] {strides = array<i32>} : memref<80xi32, #tpu.memory_space<vmem>>, vector<16xi32>,
      %swap3A_226 = vector.shape_cast %swap3A_225 : vector<16xi32> to vector<16xi32>
      %swap3A_227 = vector.shape_cast %and3A_223 : vector<16xi32> to vector<16xi32>
      tpu.vector_store %arg9[%swap3A_224], %swap3A_227 {strides = array<i32>} : memref<80xi32, #tpu.memory_space<vmem>>, vector<16xi32>,
      %dma_start3A_228 = arith.constant 0 : i32
      %dma_start3A_229 = arith.constant 0 : i32
      %dma_start3A_230 = tpu.memref_slice %arg2[%dma_start3A_228, %dma_start3A_229] : memref<10240x128xf32, #tpu.memory_space<hbm>> -> memref<10240x128xf32, #tpu.memory_space<hbm>>
      tpu.enqueue_indirect_dma source(%dma_start3A_230 : memref<10240x128xf32, #tpu.memory_space<hbm>>) target(%arg11 : memref<80x128xf32, #tpu.memory_space<vmem>>) offsets(%arg8 : memref<80xi32, #tpu.memory_space<vmem>>) semaphore(%arg15 : memref<!tpu.dma_semaphore, #tpu.memory_space<semaphore_mem>>)
      %dma_wait3A_231 = arith.constant 0 : i32
      %dma_wait3A_232 = arith.constant 0 : i32
      %dma_wait3A_233 = tpu.memref_slice %arg2[%dma_wait3A_231, %dma_wait3A_232] : memref<10240x128xf32, #tpu.memory_space<hbm>> -> memref<10240x128xf32, #tpu.memory_space<hbm>>
      tpu.wait_indirect_dma semaphore(%arg14 : memref<!tpu.dma_semaphore, #tpu.memory_space<semaphore_mem>>) src(%dma_wait3A_233 : memref<10240x128xf32, #tpu.memory_space<hbm>>) dst(%arg10 : memref<80x128xf32, #tpu.memory_space<vmem>>)
      %dma_start3A_234 = arith.constant 0 : i32
      %dma_start3A_235 = arith.constant 0 : i32
      %dma_start3A_236 = tpu.memref_slice %arg13[%dma_start3A_234, %dma_start3A_235] : memref<10240x128xf32, #tpu.memory_space<vmem_shared>> -> memref<10240x128xf32, #tpu.memory_space<vmem_shared>>
      tpu.enqueue_indirect_dma source(%arg10 : memref<80x128xf32, #tpu.memory_space<vmem>>) target(%dma_start3A_236 : memref<10240x128xf32, #tpu.memory_space<vmem_shared>>) offsets(%arg7 : memref<80xi32, #tpu.memory_space<vmem>>) semaphore(%arg16 : memref<!tpu.dma_semaphore, #tpu.memory_space<semaphore_mem>>) {add = true}
      %dma_wait3A_237 = arith.constant 0 : i32
      %dma_wait3A_238 = arith.constant 0 : i32
      %dma_wait3A_239 = tpu.memref_slice %arg13[%dma_wait3A_237, %dma_wait3A_238] : memref<10240x128xf32, #tpu.memory_space<vmem_shared>> -> memref<10240x128xf32, #tpu.memory_space<vmem_shared>>
      tpu.wait_indirect_dma semaphore(%arg16 : memref<!tpu.dma_semaphore, #tpu.memory_space<semaphore_mem>>) src(%arg10 : memref<80x128xf32, #tpu.memory_space<vmem>>) dst(%dma_wait3A_239 : memref<10240x128xf32, #tpu.memory_space<vmem_shared>>)
      %add3A_240 = arith.constant 2 : i32
      %add3A_241 = arith.addi %mul3A_135, %add3A_240 : i32
      %get3A_242 = arith.index_cast %add3A_241 : i32 to index
      %get3A_243 = arith.constant 0 : index
      %get3A_244 = tpu.vector_load %arg5[%get3A_242, %get3A_243] {strides = array<i32>} : memref<125x80xi32, #tpu.memory_space<vmem>>, vector<1x16xi32>,
      %get3A_245 = vector.shape_cast %get3A_244 : vector<1x16xi32> to vector<16xi32>
      %shift_right_logical3A_246 = arith.constant 14 : i32
      %shift_right_logical3A_247 = vector.broadcast %shift_right_logical3A_246 : i32 to vector<16xi32>
      %shift_right_logical3A_248 = arith.shrui %get3A_245, %shift_right_logical3A_247 : vector<16xi32>
      %swap3A_249 = arith.constant 0 : index
      %swap3A_250 = tpu.vector_load %arg6[%swap3A_249] {strides = array<i32>} : memref<80xi32, #tpu.memory_space<vmem>>, vector<16xi32>,
      %swap3A_251 = vector.shape_cast %swap3A_250 : vector<16xi32> to vector<16xi32>
      %swap3A_252 = vector.shape_cast %shift_right_logical3A_248 : vector<16xi32> to vector<16xi32>
      tpu.vector_store %arg6[%swap3A_249], %swap3A_252 {strides = array<i32>} : memref<80xi32, #tpu.memory_space<vmem>>, vector<16xi32>,
      %and3A_253 = arith.constant 16383 : i32
      %and3A_254 = vector.broadcast %and3A_253 : i32 to vector<16xi32>
      %and3A_255 = arith.andi %get3A_245, %and3A_254 : vector<16xi32>
      %swap3A_256 = arith.constant 0 : index
      %swap3A_257 = tpu.vector_load %arg7[%swap3A_256] {strides = array<i32>} : memref<80xi32, #tpu.memory_space<vmem>>, vector<16xi32>,
      %swap3A_258 = vector.shape_cast %swap3A_257 : vector<16xi32> to vector<16xi32>
      %swap3A_259 = vector.shape_cast %and3A_255 : vector<16xi32> to vector<16xi32>
      tpu.vector_store %arg7[%swap3A_256], %swap3A_259 {strides = array<i32>} : memref<80xi32, #tpu.memory_space<vmem>>, vector<16xi32>,
      %get3A_260 = arith.index_cast %add3A_241 : i32 to index
      %get3A_261 = arith.constant 16 : index
      %get3A_262 = tpu.vector_load %arg5[%get3A_260, %get3A_261] {strides = array<i32>} : memref<125x80xi32, #tpu.memory_space<vmem>>, vector<1x16xi32>,
      %get3A_263 = vector.shape_cast %get3A_262 : vector<1x16xi32> to vector<16xi32>
      %shift_right_logical3A_264 = arith.constant 14 : i32
      %shift_right_logical3A_265 = vector.broadcast %shift_right_logical3A_264 : i32 to vector<16xi32>
      %shift_right_logical3A_266 = arith.shrui %get3A_263, %shift_right_logical3A_265 : vector<16xi32>
      %swap3A_267 = arith.constant 16 : index
      %swap3A_268 = tpu.vector_load %arg6[%swap3A_267] {strides = array<i32>} : memref<80xi32, #tpu.memory_space<vmem>>, vector<16xi32>,
      %swap3A_269 = vector.shape_cast %swap3A_268 : vector<16xi32> to vector<16xi32>
      %swap3A_270 = vector.shape_cast %shift_right_logical3A_266 : vector<16xi32> to vector<16xi32>
      tpu.vector_store %arg6[%swap3A_267], %swap3A_270 {strides = array<i32>} : memref<80xi32, #tpu.memory_space<vmem>>, vector<16xi32>,
      %and3A_271 = arith.constant 16383 : i32
      %and3A_272 = vector.broadcast %and3A_271 : i32 to vector<16xi32>
      %and3A_273 = arith.andi %get3A_263, %and3A_272 : vector<16xi32>
      %swap3A_274 = arith.constant 16 : index
      %swap3A_275 = tpu.vector_load %arg7[%swap3A_274] {strides = array<i32>} : memref<80xi32, #tpu.memory_space<vmem>>, vector<16xi32>,
      %swap3A_276 = vector.shape_cast %swap3A_275 : vector<16xi32> to vector<16xi32>
      %swap3A_277 = vector.shape_cast %and3A_273 : vector<16xi32> to vector<16xi32>
      tpu.vector_store %arg7[%swap3A_274], %swap3A_277 {strides = array<i32>} : memref<80xi32, #tpu.memory_space<vmem>>, vector<16xi32>,
      %get3A_278 = arith.index_cast %add3A_241 : i32 to index
      %get3A_279 = arith.constant 32 : index
      %get3A_280 = tpu.vector_load %arg5[%get3A_278, %get3A_279] {strides = array<i32>} : memref<125x80xi32, #tpu.memory_space<vmem>>, vector<1x16xi32>,
      %get3A_281 = vector.shape_cast %get3A_280 : vector<1x16xi32> to vector<16xi32>
      %shift_right_logical3A_282 = arith.constant 14 : i32
      %shift_right_logical3A_283 = vector.broadcast %shift_right_logical3A_282 : i32 to vector<16xi32>
      %shift_right_logical3A_284 = arith.shrui %get3A_281, %shift_right_logical3A_283 : vector<16xi32>
      %swap3A_285 = arith.constant 32 : index
      %swap3A_286 = tpu.vector_load %arg6[%swap3A_285] {strides = array<i32>} : memref<80xi32, #tpu.memory_space<vmem>>, vector<16xi32>,
      %swap3A_287 = vector.shape_cast %swap3A_286 : vector<16xi32> to vector<16xi32>
      %swap3A_288 = vector.shape_cast %shift_right_logical3A_284 : vector<16xi32> to vector<16xi32>
      tpu.vector_store %arg6[%swap3A_285], %swap3A_288 {strides = array<i32>} : memref<80xi32, #tpu.memory_space<vmem>>, vector<16xi32>,
      %and3A_289 = arith.constant 16383 : i32
      %and3A_290 = vector.broadcast %and3A_289 : i32 to vector<16xi32>
      %and3A_291 = arith.andi %get3A_281, %and3A_290 : vector<16xi32>
      %swap3A_292 = arith.constant 32 : index
      %swap3A_293 = tpu.vector_load %arg7[%swap3A_292] {strides = array<i32>} : memref<80xi32, #tpu.memory_space<vmem>>, vector<16xi32>,
      %swap3A_294 = vector.shape_cast %swap3A_293 : vector<16xi32> to vector<16xi32>
      %swap3A_295 = vector.shape_cast %and3A_291 : vector<16xi32> to vector<16xi32>
      tpu.vector_store %arg7[%swap3A_292], %swap3A_295 {strides = array<i32>} : memref<80xi32, #tpu.memory_space<vmem>>, vector<16xi32>,
      %get3A_296 = arith.index_cast %add3A_241 : i32 to index
      %get3A_297 = arith.constant 48 : index
      %get3A_298 = tpu.vector_load %arg5[%get3A_296, %get3A_297] {strides = array<i32>} : memref<125x80xi32, #tpu.memory_space<vmem>>, vector<1x16xi32>,
      %get3A_299 = vector.shape_cast %get3A_298 : vector<1x16xi32> to vector<16xi32>
      %shift_right_logical3A_300 = arith.constant 14 : i32
      %shift_right_logical3A_301 = vector.broadcast %shift_right_logical3A_300 : i32 to vector<16xi32>
      %shift_right_logical3A_302 = arith.shrui %get3A_299, %shift_right_logical3A_301 : vector<16xi32>
      %swap3A_303 = arith.constant 48 : index
      %swap3A_304 = tpu.vector_load %arg6[%swap3A_303] {strides = array<i32>} : memref<80xi32, #tpu.memory_space<vmem>>, vector<16xi32>,
      %swap3A_305 = vector.shape_cast %swap3A_304 : vector<16xi32> to vector<16xi32>
      %swap3A_306 = vector.shape_cast %shift_right_logical3A_302 : vector<16xi32> to vector<16xi32>
      tpu.vector_store %arg6[%swap3A_303], %swap3A_306 {strides = array<i32>} : memref<80xi32, #tpu.memory_space<vmem>>, vector<16xi32>,
      %and3A_307 = arith.constant 16383 : i32
      %and3A_308 = vector.broadcast %and3A_307 : i32 to vector<16xi32>
      %and3A_309 = arith.andi %get3A_299, %and3A_308 : vector<16xi32>
      %swap3A_310 = arith.constant 48 : index
      %swap3A_311 = tpu.vector_load %arg7[%swap3A_310] {strides = array<i32>} : memref<80xi32, #tpu.memory_space<vmem>>, vector<16xi32>,
      %swap3A_312 = vector.shape_cast %swap3A_311 : vector<16xi32> to vector<16xi32>
      %swap3A_313 = vector.shape_cast %and3A_309 : vector<16xi32> to vector<16xi32>
      tpu.vector_store %arg7[%swap3A_310], %swap3A_313 {strides = array<i32>} : memref<80xi32, #tpu.memory_space<vmem>>, vector<16xi32>,
      %get3A_314 = arith.index_cast %add3A_241 : i32 to index
      %get3A_315 = arith.constant 64 : index
      %get3A_316 = tpu.vector_load %arg5[%get3A_314, %get3A_315] {strides = array<i32>} : memref<125x80xi32, #tpu.memory_space<vmem>>, vector<1x16xi32>,
      %get3A_317 = vector.shape_cast %get3A_316 : vector<1x16xi32> to vector<16xi32>
      %shift_right_logical3A_318 = arith.constant 14 : i32
      %shift_right_logical3A_319 = vector.broadcast %shift_right_logical3A_318 : i32 to vector<16xi32>
      %shift_right_logical3A_320 = arith.shrui %get3A_317, %shift_right_logical3A_319 : vector<16xi32>
      %swap3A_321 = arith.constant 64 : index
      %swap3A_322 = tpu.vector_load %arg6[%swap3A_321] {strides = array<i32>} : memref<80xi32, #tpu.memory_space<vmem>>, vector<16xi32>,
      %swap3A_323 = vector.shape_cast %swap3A_322 : vector<16xi32> to vector<16xi32>
      %swap3A_324 = vector.shape_cast %shift_right_logical3A_320 : vector<16xi32> to vector<16xi32>
      tpu.vector_store %arg6[%swap3A_321], %swap3A_324 {strides = array<i32>} : memref<80xi32, #tpu.memory_space<vmem>>, vector<16xi32>,
      %and3A_325 = arith.constant 16383 : i32
      %and3A_326 = vector.broadcast %and3A_325 : i32 to vector<16xi32>
      %and3A_327 = arith.andi %get3A_317, %and3A_326 : vector<16xi32>
      %swap3A_328 = arith.constant 64 : index
      %swap3A_329 = tpu.vector_load %arg7[%swap3A_328] {strides = array<i32>} : memref<80xi32, #tpu.memory_space<vmem>>, vector<16xi32>,
      %swap3A_330 = vector.shape_cast %swap3A_329 : vector<16xi32> to vector<16xi32>
      %swap3A_331 = vector.shape_cast %and3A_327 : vector<16xi32> to vector<16xi32>
      tpu.vector_store %arg7[%swap3A_328], %swap3A_331 {strides = array<i32>} : memref<80xi32, #tpu.memory_space<vmem>>, vector<16xi32>,
      %dma_start3A_332 = arith.constant 0 : i32
      %dma_start3A_333 = arith.constant 0 : i32
      %dma_start3A_334 = tpu.memref_slice %arg2[%dma_start3A_332, %dma_start3A_333] : memref<10240x128xf32, #tpu.memory_space<hbm>> -> memref<10240x128xf32, #tpu.memory_space<hbm>>
      tpu.enqueue_indirect_dma source(%dma_start3A_334 : memref<10240x128xf32, #tpu.memory_space<hbm>>) target(%arg10 : memref<80x128xf32, #tpu.memory_space<vmem>>) offsets(%arg6 : memref<80xi32, #tpu.memory_space<vmem>>) semaphore(%arg14 : memref<!tpu.dma_semaphore, #tpu.memory_space<semaphore_mem>>)
      %dma_wait3A_335 = arith.constant 0 : i32
      %dma_wait3A_336 = arith.constant 0 : i32
      %dma_wait3A_337 = tpu.memref_slice %arg2[%dma_wait3A_335, %dma_wait3A_336] : memref<10240x128xf32, #tpu.memory_space<hbm>> -> memref<10240x128xf32, #tpu.memory_space<hbm>>
      tpu.wait_indirect_dma semaphore(%arg15 : memref<!tpu.dma_semaphore, #tpu.memory_space<semaphore_mem>>) src(%dma_wait3A_337 : memref<10240x128xf32, #tpu.memory_space<hbm>>) dst(%arg11 : memref<80x128xf32, #tpu.memory_space<vmem>>)
      %dma_start3A_338 = arith.constant 0 : i32
      %dma_start3A_339 = arith.constant 0 : i32
      %dma_start3A_340 = tpu.memref_slice %arg13[%dma_start3A_338, %dma_start3A_339] : memref<10240x128xf32, #tpu.memory_space<vmem_shared>> -> memref<10240x128xf32, #tpu.memory_space<vmem_shared>>
      tpu.enqueue_indirect_dma source(%arg11 : memref<80x128xf32, #tpu.memory_space<vmem>>) target(%dma_start3A_340 : memref<10240x128xf32, #tpu.memory_space<vmem_shared>>) offsets(%arg9 : memref<80xi32, #tpu.memory_space<vmem>>) semaphore(%arg16 : memref<!tpu.dma_semaphore, #tpu.memory_space<semaphore_mem>>) {add = true}
      %dma_wait3A_341 = arith.constant 0 : i32
      %dma_wait3A_342 = arith.constant 0 : i32
      %dma_wait3A_343 = tpu.memref_slice %arg13[%dma_wait3A_341, %dma_wait3A_342] : memref<10240x128xf32, #tpu.memory_space<vmem_shared>> -> memref<10240x128xf32, #tpu.memory_space<vmem_shared>>
      tpu.wait_indirect_dma semaphore(%arg16 : memref<!tpu.dma_semaphore, #tpu.memory_space<semaphore_mem>>) src(%arg11 : memref<80x128xf32, #tpu.memory_space<vmem>>) dst(%dma_wait3A_343 : memref<10240x128xf32, #tpu.memory_space<vmem_shared>>)
      %scan3A_344 = arith.constant 0 : i32
      scf.yield %scan3A_344 : i32
    }
    %scan3A_115 = arith.constant 62 : i32
    %dma_wait3A = arith.constant 0 : i32
    %dma_wait3A_116 = arith.constant 0 : i32
    %dma_wait3A_117 = tpu.memref_slice %arg2[%dma_wait3A, %dma_wait3A_116] : memref<10240x128xf32, #tpu.memory_space<hbm>> -> memref<10240x128xf32, #tpu.memory_space<hbm>>
    tpu.wait_indirect_dma semaphore(%arg14 : memref<!tpu.dma_semaphore, #tpu.memory_space<semaphore_mem>>) src(%dma_wait3A_117 : memref<10240x128xf32, #tpu.memory_space<hbm>>) dst(%arg10 : memref<80x128xf32, #tpu.memory_space<vmem>>)
    %dma_start3A_118 = arith.constant 0 : i32
    %dma_start3A_119 = arith.constant 0 : i32
    %dma_start3A_120 = tpu.memref_slice %arg13[%dma_start3A_118, %dma_start3A_119] : memref<10240x128xf32, #tpu.memory_space<vmem_shared>> -> memref<10240x128xf32, #tpu.memory_space<vmem_shared>>
    tpu.enqueue_indirect_dma source(%arg10 : memref<80x128xf32, #tpu.memory_space<vmem>>) target(%dma_start3A_120 : memref<10240x128xf32, #tpu.memory_space<vmem_shared>>) offsets(%arg7 : memref<80xi32, #tpu.memory_space<vmem>>) semaphore(%arg16 : memref<!tpu.dma_semaphore, #tpu.memory_space<semaphore_mem>>) {add = true}
    %dma_wait3A_121 = arith.constant 0 : i32
    %dma_wait3A_122 = arith.constant 0 : i32
    %dma_wait3A_123 = tpu.memref_slice %arg13[%dma_wait3A_121, %dma_wait3A_122] : memref<10240x128xf32, #tpu.memory_space<vmem_shared>> -> memref<10240x128xf32, #tpu.memory_space<vmem_shared>>
    tpu.wait_indirect_dma semaphore(%arg16 : memref<!tpu.dma_semaphore, #tpu.memory_space<semaphore_mem>>) src(%arg10 : memref<80x128xf32, #tpu.memory_space<vmem>>) dst(%dma_wait3A_123 : memref<10240x128xf32, #tpu.memory_space<vmem_shared>>)
    %barrier3A_124 = arith.constant 0 : index
    tpu.barrier barrier_id(%barrier3A_124)
    %scan3A_125 = arith.constant 0 : i32
    %scan3A_126 = arith.constant 0 : i32
    %scan3A_127 = arith.constant 20 : i32
    %scan3A_128 = arith.addi %scan3A_126, %scan3A_127 : i32
    %scan3A_129 = arith.constant 1 : i32
    %scan3A_130 = scf.for %scan3A_132 = %scan3A_126 to %scan3A_128 step %scan3A_129 iter_args(%scan3A_133 = %scan3A_125) -> (i32)  : i32 {
      %mul3A_134 = arith.constant 32 : i32
      %mul3A_135 = arith.muli %scan3A_132, %mul3A_134 : i32
      %add3A_136 = arith.addi %mul3A_2, %mul3A_135 : i32
      "tpu.region"() ({
        %run_scoped3A = tpu.sem_alloc : memref<!tpu.dma_semaphore, #tpu.memory_space<semaphore_mem>>
        %dma_start3A_141 = arith.constant 0 : i32
        %dma_start3A_142 = tpu.memref_slice %arg13[%add3A_136, %dma_start3A_141] : memref<10240x128xf32, #tpu.memory_space<vmem_shared>> -> memref<32x128xf32, #tpu.memory_space<vmem_shared>>
        %dma_start3A_143 = arith.constant 0 : i32
        %dma_start3A_144 = tpu.memref_slice %arg13[%add3A_136, %dma_start3A_143] : memref<10240x128xf32, #tpu.memory_space<vmem_shared>> -> memref<32x128xf32, #tpu.memory_space<vmem_shared>>
        tpu.enqueue_dma source(%dma_start3A_144 : memref<32x128xf32, #tpu.memory_space<vmem_shared>>) target(%arg12 : memref<32x128xf32, #tpu.memory_space<vmem>>) target_semaphore(%run_scoped3A : memref<!tpu.dma_semaphore, #tpu.memory_space<semaphore_mem>>)
        %dma_wait3A_145 = arith.constant 0 : i32
        %dma_wait3A_146 = tpu.memref_slice %arg13[%add3A_136, %dma_wait3A_145] : memref<10240x128xf32, #tpu.memory_space<vmem_shared>> -> memref<32x128xf32, #tpu.memory_space<vmem_shared>>
        %dma_wait3A_147 = arith.constant 0 : i32
        %dma_wait3A_148 = tpu.memref_slice %arg13[%add3A_136, %dma_wait3A_147] : memref<10240x128xf32, #tpu.memory_space<vmem_shared>> -> memref<32x128xf32, #tpu.memory_space<vmem_shared>>
        tpu.wait_dma2 semaphore(%run_scoped3A : memref<!tpu.dma_semaphore, #tpu.memory_space<semaphore_mem>>) src(%dma_wait3A_148 : memref<32x128xf32, #tpu.memory_space<vmem_shared>>) dst(%arg12 : memref<32x128xf32, #tpu.memory_space<vmem>>)
        tpu.yield
      }) : () -> ()
      %mul3A_137 = arith.constant 32 : i32
      %mul3A_138 = arith.muli %scan3A_132, %mul3A_137 : i32
      %add3A_139 = arith.addi %mul3A_2, %mul3A_138 : i32
      "tpu.region"() ({
        %run_scoped3A = tpu.sem_alloc : memref<!tpu.dma_semaphore, #tpu.memory_space<semaphore_mem>>
        %dma_start3A_141 = arith.constant 0 : i32
        %dma_start3A_142 = tpu.memref_slice %arg4[%arg0, %add3A_139, %dma_start3A_141] : memref<2x10240x128xf32, #tpu.memory_space<hbm>> -> memref<1x32x128xf32, #tpu.memory_space<hbm>>
        %dma_start3A_143 = tpu.memref_squeeze %dma_start3A_142 : memref<1x32x128xf32, #tpu.memory_space<hbm>> -> memref<32x128xf32, #tpu.memory_space<hbm>>
        %dma_start3A_144 = arith.constant 0 : i32
        %dma_start3A_145 = tpu.memref_slice %arg4[%arg0, %add3A_139, %dma_start3A_144] : memref<2x10240x128xf32, #tpu.memory_space<hbm>> -> memref<1x32x128xf32, #tpu.memory_space<hbm>>
        %dma_start3A_146 = tpu.memref_squeeze %dma_start3A_145 : memref<1x32x128xf32, #tpu.memory_space<hbm>> -> memref<32x128xf32, #tpu.memory_space<hbm>>
        tpu.enqueue_dma source(%arg12 : memref<32x128xf32, #tpu.memory_space<vmem>>) target(%dma_start3A_146 : memref<32x128xf32, #tpu.memory_space<hbm>>) target_semaphore(%run_scoped3A : memref<!tpu.dma_semaphore, #tpu.memory_space<semaphore_mem>>)
        %dma_wait3A_147 = arith.constant 0 : i32
        %dma_wait3A_148 = tpu.memref_slice %arg4[%arg0, %add3A_139, %dma_wait3A_147] : memref<2x10240x128xf32, #tpu.memory_space<hbm>> -> memref<1x32x128xf32, #tpu.memory_space<hbm>>
        %dma_wait3A_149 = tpu.memref_squeeze %dma_wait3A_148 : memref<1x32x128xf32, #tpu.memory_space<hbm>> -> memref<32x128xf32, #tpu.memory_space<hbm>>
        %dma_wait3A_150 = arith.constant 0 : i32
        %dma_wait3A_151 = tpu.memref_slice %arg4[%arg0, %add3A_139, %dma_wait3A_150] : memref<2x10240x128xf32, #tpu.memory_space<hbm>> -> memref<1x32x128xf32, #tpu.memory_space<hbm>>
        %dma_wait3A_152 = tpu.memref_squeeze %dma_wait3A_151 : memref<1x32x128xf32, #tpu.memory_space<hbm>> -> memref<32x128xf32, #tpu.memory_space<hbm>>
        tpu.wait_dma2 semaphore(%run_scoped3A : memref<!tpu.dma_semaphore, #tpu.memory_space<semaphore_mem>>) src(%arg12 : memref<32x128xf32, #tpu.memory_space<vmem>>) dst(%dma_wait3A_152 : memref<32x128xf32, #tpu.memory_space<hbm>>)
        tpu.yield
      }) : () -> ()
      %scan3A_140 = arith.constant 0 : i32
      scf.yield %scan3A_140 : i32
    }
    %scan3A_131 = arith.constant 20 : i32
    return
  }
}

module attributes {stable_mosaic.version = 14 : i64} {
  func.func @_pre_body(%arg0: i32, %arg1: memref<2x640xf32, #tpu.memory_space<vmem>>, %arg2: memref<640x128xf32, #tpu.memory_space<vmem>>, %arg3: memref<128x128xf32, #tpu.memory_space<vmem>>, %arg4: memref<640x128xf32, #tpu.memory_space<vmem>>) attributes {dimension_semantics = [#tpu.dimension_semantics<arbitrary>], iteration_bounds = array<i64: 16>, scalar_prefetch = 0 : i64, scratch_operands = 0 : i64, tpu.core_type = #tpu.core_type<tc>, window_params = [{transform_indices = @transform_0, window_bounds = array<i64: 2, 640>}, {transform_indices = @transform_1, window_bounds = array<i64: 640, 128>}, {pipeline_mode = #tpu.pipeline_mode<synchronous>, transform_indices = @transform_2, window_bounds = array<i64: 128, 128>}, {transform_indices = @transform_3, window_bounds = array<i64: 640, 128>}]} {
    %get3A = arith.constant 0 : index
    %get3A_0 = arith.constant 0 : index
    %get3A_1 = vector.load %arg1[%get3A, %get3A_0] : memref<2x640xf32, #tpu.memory_space<vmem>>, vector<2x640xf32>
    %slice3A = vector.extract_strided_slice %get3A_1 {offsets = [0, 0], sizes = [1, 640], strides = [1, 1]} : vector<2x640xf32> to vector<1x640xf32>
    %squeeze3A = vector.shape_cast %slice3A : vector<1x640xf32> to vector<640xf32>
    %slice3A_2 = vector.extract_strided_slice %get3A_1 {offsets = [1, 0], sizes = [1, 640], strides = [1, 1]} : vector<2x640xf32> to vector<1x640xf32>
    %squeeze3A_3 = vector.shape_cast %slice3A_2 : vector<1x640xf32> to vector<640xf32>
    %add3A = arith.addf %squeeze3A, %squeeze3A_3 : vector<640xf32>
    %add3A_4 = arith.constant 1.000000e+00 : f32
    %add3A_5 = vector.broadcast %add3A_4 : f32 to vector<640xf32>
    %add3A_6 = arith.addf %add3A, %add3A_5 : vector<640xf32>
    %rsqrt3A = math.rsqrt %add3A_6 : vector<640xf32>
    %reshape3A = vector.shape_cast %rsqrt3A : vector<640xf32> to vector<640x1xf32>
    %get3A_7 = arith.constant 0 : index
    %get3A_8 = arith.constant 0 : index
    %get3A_9 = vector.load %arg2[%get3A_7, %get3A_8] : memref<640x128xf32, #tpu.memory_space<vmem>>, vector<640x128xf32>
    %get3A_10 = arith.constant 0 : index
    %get3A_11 = arith.constant 0 : index
    %get3A_12 = vector.load %arg3[%get3A_10, %get3A_11] : memref<128x128xf32, #tpu.memory_space<vmem>>, vector<128x128xf32>
    %dot_general3A = arith.constant dense<0.000000e+00> : vector<640x128xf32>
    %dot_general3A_13 = tpu.matmul %get3A_9, %get3A_12, %dot_general3A {dimension_numbers = #tpu.dot_dimension_numbers<[1], [0], [0], [1], [0, 0, 1, 1], [], []>, transpose_lhs_hint = false} : vector<640x128xf32>, vector<128x128xf32>, vector<640x128xf32> -> vector<640x128xf32>
    %mul3A = vector.broadcast %reshape3A : vector<640x1xf32> to vector<640x128xf32>
    %mul3A_14 = arith.mulf %dot_general3A_13, %mul3A : vector<640x128xf32>
    %swap3A = arith.constant 0 : index
    %swap3A_15 = arith.constant 0 : index
    %swap3A_16 = vector.load %arg4[%swap3A, %swap3A_15] : memref<640x128xf32, #tpu.memory_space<vmem>>, vector<640x128xf32>
    tpu.vector_store %arg4[%swap3A, %swap3A_15], %mul3A_14 {strides = array<i32>} : memref<640x128xf32, #tpu.memory_space<vmem>>, vector<640x128xf32>,
    return
  }
  func.func @transform_0(%arg0: i32) -> (i32, i32) {
    %c0_i32 = arith.constant 0 : i32
    %c0_i32_0 = arith.constant 0 : i32
    return %c0_i32, %arg0 : i32, i32
  }
  func.func @transform_1(%arg0: i32) -> (i32, i32) {
    %c0_i32 = arith.constant 0 : i32
    %c0_i32_0 = arith.constant 0 : i32
    return %arg0, %c0_i32 : i32, i32
  }
  func.func @transform_2(%arg0: i32) -> (i32, i32) {
    %c0_i32 = arith.constant 0 : i32
    %c0_i32_0 = arith.constant 0 : i32
    %c0_i32_1 = arith.constant 0 : i32
    return %c0_i32, %c0_i32_0 : i32, i32
  }
  func.func @transform_3(%arg0: i32) -> (i32, i32) {
    %c0_i32 = arith.constant 0 : i32
    %c0_i32_0 = arith.constant 0 : i32
    return %arg0, %c0_i32 : i32, i32
  }
}

module attributes {stable_mosaic.version = 14 : i64} {
  func.func @_mid_body(%arg0: i32, %arg1: memref<2x640xf32, #tpu.memory_space<vmem>>, %arg2: memref<2x640x128xf32, #tpu.memory_space<vmem>>, %arg3: memref<640x128xf32, #tpu.memory_space<vmem>>, %arg4: memref<1x128xf32, #tpu.memory_space<vmem>>, %arg5: memref<128x128xf32, #tpu.memory_space<vmem>>, %arg6: memref<640x128xf32, #tpu.memory_space<vmem>>) attributes {dimension_semantics = [#tpu.dimension_semantics<arbitrary>], iteration_bounds = array<i64: 16>, scalar_prefetch = 0 : i64, scratch_operands = 0 : i64, tpu.core_type = #tpu.core_type<tc>, window_params = [{transform_indices = @transform_0, window_bounds = array<i64: 2, 640>}, {transform_indices = @transform_1, window_bounds = array<i64: 2, 640, 128>}, {transform_indices = @transform_2, window_bounds = array<i64: 640, 128>}, {pipeline_mode = #tpu.pipeline_mode<synchronous>, transform_indices = @transform_3, window_bounds = array<i64: 1, 128>}, {pipeline_mode = #tpu.pipeline_mode<synchronous>, transform_indices = @transform_4, window_bounds = array<i64: 128, 128>}, {transform_indices = @transform_5, window_bounds = array<i64: 640, 128>}]} {
    %get3A = arith.constant 0 : index
    %get3A_0 = arith.constant 0 : index
    %get3A_1 = vector.load %arg1[%get3A, %get3A_0] : memref<2x640xf32, #tpu.memory_space<vmem>>, vector<2x640xf32>
    %slice3A = vector.extract_strided_slice %get3A_1 {offsets = [0, 0], sizes = [1, 640], strides = [1, 1]} : vector<2x640xf32> to vector<1x640xf32>
    %squeeze3A = vector.shape_cast %slice3A : vector<1x640xf32> to vector<640xf32>
    %slice3A_2 = vector.extract_strided_slice %get3A_1 {offsets = [1, 0], sizes = [1, 640], strides = [1, 1]} : vector<2x640xf32> to vector<1x640xf32>
    %squeeze3A_3 = vector.shape_cast %slice3A_2 : vector<1x640xf32> to vector<640xf32>
    %add3A = arith.addf %squeeze3A, %squeeze3A_3 : vector<640xf32>
    %add3A_4 = arith.constant 1.000000e+00 : f32
    %add3A_5 = vector.broadcast %add3A_4 : f32 to vector<640xf32>
    %add3A_6 = arith.addf %add3A, %add3A_5 : vector<640xf32>
    %rsqrt3A = math.rsqrt %add3A_6 : vector<640xf32>
    %reshape3A = vector.shape_cast %rsqrt3A : vector<640xf32> to vector<640x1xf32>
    %get3A_7 = arith.constant 0 : index
    %get3A_8 = arith.constant 0 : index
    %get3A_9 = arith.constant 0 : index
    %get3A_10 = vector.load %arg2[%get3A_7, %get3A_8, %get3A_9] : memref<2x640x128xf32, #tpu.memory_space<vmem>>, vector<1x640x128xf32>
    %get3A_11 = vector.shape_cast %get3A_10 : vector<1x640x128xf32> to vector<640x128xf32>
    %get3A_12 = arith.constant 1 : index
    %get3A_13 = arith.constant 0 : index
    %get3A_14 = arith.constant 0 : index
    %get3A_15 = vector.load %arg2[%get3A_12, %get3A_13, %get3A_14] : memref<2x640x128xf32, #tpu.memory_space<vmem>>, vector<1x640x128xf32>
    %get3A_16 = vector.shape_cast %get3A_15 : vector<1x640x128xf32> to vector<640x128xf32>
    %add3A_17 = arith.addf %get3A_11, %get3A_16 : vector<640x128xf32>
    %get3A_18 = arith.constant 0 : index
    %get3A_19 = arith.constant 0 : index
    %get3A_20 = vector.load %arg3[%get3A_18, %get3A_19] : memref<640x128xf32, #tpu.memory_space<vmem>>, vector<640x128xf32>
    %add3A_21 = arith.addf %add3A_17, %get3A_20 : vector<640x128xf32>
    %mul3A = vector.broadcast %reshape3A : vector<640x1xf32> to vector<640x128xf32>
    %mul3A_22 = arith.mulf %mul3A, %add3A_21 : vector<640x128xf32>
    %get3A_23 = arith.constant 0 : index
    %get3A_24 = arith.constant 0 : index
    %get3A_25 = vector.load %arg4[%get3A_23, %get3A_24] : memref<1x128xf32, #tpu.memory_space<vmem>>, vector<1x128xf32>
    %add3A_26 = vector.broadcast %get3A_25 : vector<1x128xf32> to vector<640x128xf32>
    %add3A_27 = arith.addf %mul3A_22, %add3A_26 : vector<640x128xf32>
    %ge3A = arith.constant 0.000000e+00 : f32
    %ge3A_28 = vector.broadcast %ge3A : f32 to vector<640x128xf32>
    %ge3A_29 = arith.cmpf oge, %add3A_27, %ge3A_28 : vector<640x128xf32>
    %mul3A_30 = arith.constant 0.00999999977 : f32
    %mul3A_31 = vector.broadcast %mul3A_30 : f32 to vector<640x128xf32>
    %mul3A_32 = arith.mulf %mul3A_31, %add3A_27 : vector<640x128xf32>
    %select_n3A = arith.select %ge3A_29, %add3A_27, %mul3A_32 : vector<640x128xi1>, vector<640x128xf32>
    %get3A_33 = arith.constant 0 : index
    %get3A_34 = arith.constant 0 : index
    %get3A_35 = vector.load %arg5[%get3A_33, %get3A_34] : memref<128x128xf32, #tpu.memory_space<vmem>>, vector<128x128xf32>
    %dot_general3A = arith.constant dense<0.000000e+00> : vector<640x128xf32>
    %dot_general3A_36 = tpu.matmul %select_n3A, %get3A_35, %dot_general3A {dimension_numbers = #tpu.dot_dimension_numbers<[1], [0], [0], [1], [0, 0, 1, 1], [], []>, transpose_lhs_hint = false} : vector<640x128xf32>, vector<128x128xf32>, vector<640x128xf32> -> vector<640x128xf32>
    %mul3A_37 = vector.broadcast %reshape3A : vector<640x1xf32> to vector<640x128xf32>
    %mul3A_38 = arith.mulf %dot_general3A_36, %mul3A_37 : vector<640x128xf32>
    %swap3A = arith.constant 0 : index
    %swap3A_39 = arith.constant 0 : index
    %swap3A_40 = vector.load %arg6[%swap3A, %swap3A_39] : memref<640x128xf32, #tpu.memory_space<vmem>>, vector<640x128xf32>
    tpu.vector_store %arg6[%swap3A, %swap3A_39], %mul3A_38 {strides = array<i32>} : memref<640x128xf32, #tpu.memory_space<vmem>>, vector<640x128xf32>,
    return
  }
  func.func @transform_0(%arg0: i32) -> (i32, i32) {
    %c0_i32 = arith.constant 0 : i32
    %c0_i32_0 = arith.constant 0 : i32
    return %c0_i32, %arg0 : i32, i32
  }
  func.func @transform_1(%arg0: i32) -> (i32, i32, i32) {
    %c0_i32 = arith.constant 0 : i32
    %c0_i32_0 = arith.constant 0 : i32
    %c0_i32_1 = arith.constant 0 : i32
    return %c0_i32, %arg0, %c0_i32_0 : i32, i32, i32
  }
  func.func @transform_2(%arg0: i32) -> (i32, i32) {
    %c0_i32 = arith.constant 0 : i32
    %c0_i32_0 = arith.constant 0 : i32
    return %arg0, %c0_i32 : i32, i32
  }
  func.func @transform_3(%arg0: i32) -> (i32, i32) {
    %c0_i32 = arith.constant 0 : i32
    %c0_i32_0 = arith.constant 0 : i32
    %c0_i32_1 = arith.constant 0 : i32
    return %c0_i32, %c0_i32_0 : i32, i32
  }
  func.func @transform_4(%arg0: i32) -> (i32, i32) {
    %c0_i32 = arith.constant 0 : i32
    %c0_i32_0 = arith.constant 0 : i32
    %c0_i32_1 = arith.constant 0 : i32
    return %c0_i32, %c0_i32_0 : i32, i32
  }
  func.func @transform_5(%arg0: i32) -> (i32, i32) {
    %c0_i32 = arith.constant 0 : i32
    %c0_i32_0 = arith.constant 0 : i32
    return %arg0, %c0_i32 : i32, i32
  }
}

module attributes {stable_mosaic.version = 14 : i64} {
  func.func @_post_body(%arg0: i32, %arg1: memref<2x640xf32, #tpu.memory_space<vmem>>, %arg2: memref<2x640x128xf32, #tpu.memory_space<vmem>>, %arg3: memref<640x128xf32, #tpu.memory_space<vmem>>, %arg4: memref<1x128xf32, #tpu.memory_space<vmem>>, %arg5: memref<128x128xf32, #tpu.memory_space<vmem>>, %arg6: memref<1x128xf32, #tpu.memory_space<vmem>>, %arg7: memref<128x128xf32, #tpu.memory_space<vmem>>, %arg8: memref<1x128xf32, #tpu.memory_space<vmem>>, %arg9: memref<128x1xf32, #tpu.memory_space<vmem>>, %arg10: memref<1x1xf32, #tpu.memory_space<vmem>>, %arg11: memref<1x1xf32, #tpu.memory_space<vmem>>, %arg12: memref<1x128xf32, #tpu.memory_space<vmem>>) attributes {dimension_semantics = [#tpu.dimension_semantics<arbitrary>], iteration_bounds = array<i64: 16>, scalar_prefetch = 0 : i64, scratch_operands = 1 : i64, tpu.core_type = #tpu.core_type<tc>, window_params = [{transform_indices = @transform_0, window_bounds = array<i64: 2, 640>}, {transform_indices = @transform_1, window_bounds = array<i64: 2, 640, 128>}, {transform_indices = @transform_2, window_bounds = array<i64: 640, 128>}, {pipeline_mode = #tpu.pipeline_mode<synchronous>, transform_indices = @transform_3, window_bounds = array<i64: 1, 128>}, {pipeline_mode = #tpu.pipeline_mode<synchronous>, transform_indices = @transform_4, window_bounds = array<i64: 128, 128>}, {pipeline_mode = #tpu.pipeline_mode<synchronous>, transform_indices = @transform_5, window_bounds = array<i64: 1, 128>}, {pipeline_mode = #tpu.pipeline_mode<synchronous>, transform_indices = @transform_6, window_bounds = array<i64: 128, 128>}, {pipeline_mode = #tpu.pipeline_mode<synchronous>, transform_indices = @transform_7, window_bounds = array<i64: 1, 128>}, {pipeline_mode = #tpu.pipeline_mode<synchronous>, transform_indices = @transform_8, window_bounds = array<i64: 128, 1>}, {pipeline_mode = #tpu.pipeline_mode<synchronous>, transform_indices = @transform_9, window_bounds = array<i64: 1, 1>}, {pipeline_mode = #tpu.pipeline_mode<synchronous>, transform_indices = @transform_10, window_bounds = array<i64: 1, 1>}]} {
    %get3A = arith.constant 0 : index
    %get3A_0 = arith.constant 0 : index
    %get3A_1 = vector.load %arg1[%get3A, %get3A_0] : memref<2x640xf32, #tpu.memory_space<vmem>>, vector<2x640xf32>
    %slice3A = vector.extract_strided_slice %get3A_1 {offsets = [0, 0], sizes = [1, 640], strides = [1, 1]} : vector<2x640xf32> to vector<1x640xf32>
    %squeeze3A = vector.shape_cast %slice3A : vector<1x640xf32> to vector<640xf32>
    %slice3A_2 = vector.extract_strided_slice %get3A_1 {offsets = [1, 0], sizes = [1, 640], strides = [1, 1]} : vector<2x640xf32> to vector<1x640xf32>
    %squeeze3A_3 = vector.shape_cast %slice3A_2 : vector<1x640xf32> to vector<640xf32>
    %add3A = arith.addf %squeeze3A, %squeeze3A_3 : vector<640xf32>
    %add3A_4 = arith.constant 1.000000e+00 : f32
    %add3A_5 = vector.broadcast %add3A_4 : f32 to vector<640xf32>
    %add3A_6 = arith.addf %add3A, %add3A_5 : vector<640xf32>
    %rsqrt3A = math.rsqrt %add3A_6 : vector<640xf32>
    %reshape3A = vector.shape_cast %rsqrt3A : vector<640xf32> to vector<640x1xf32>
    %get3A_7 = arith.constant 0 : index
    %get3A_8 = arith.constant 0 : index
    %get3A_9 = arith.constant 0 : index
    %get3A_10 = vector.load %arg2[%get3A_7, %get3A_8, %get3A_9] : memref<2x640x128xf32, #tpu.memory_space<vmem>>, vector<1x640x128xf32>
    %get3A_11 = vector.shape_cast %get3A_10 : vector<1x640x128xf32> to vector<640x128xf32>
    %get3A_12 = arith.constant 1 : index
    %get3A_13 = arith.constant 0 : index
    %get3A_14 = arith.constant 0 : index
    %get3A_15 = vector.load %arg2[%get3A_12, %get3A_13, %get3A_14] : memref<2x640x128xf32, #tpu.memory_space<vmem>>, vector<1x640x128xf32>
    %get3A_16 = vector.shape_cast %get3A_15 : vector<1x640x128xf32> to vector<640x128xf32>
    %add3A_17 = arith.addf %get3A_11, %get3A_16 : vector<640x128xf32>
    %get3A_18 = arith.constant 0 : index
    %get3A_19 = arith.constant 0 : index
    %get3A_20 = vector.load %arg3[%get3A_18, %get3A_19] : memref<640x128xf32, #tpu.memory_space<vmem>>, vector<640x128xf32>
    %add3A_21 = arith.addf %add3A_17, %get3A_20 : vector<640x128xf32>
    %mul3A = vector.broadcast %reshape3A : vector<640x1xf32> to vector<640x128xf32>
    %mul3A_22 = arith.mulf %mul3A, %add3A_21 : vector<640x128xf32>
    %get3A_23 = arith.constant 0 : index
    %get3A_24 = arith.constant 0 : index
    %get3A_25 = vector.load %arg4[%get3A_23, %get3A_24] : memref<1x128xf32, #tpu.memory_space<vmem>>, vector<1x128xf32>
    %add3A_26 = vector.broadcast %get3A_25 : vector<1x128xf32> to vector<640x128xf32>
    %add3A_27 = arith.addf %mul3A_22, %add3A_26 : vector<640x128xf32>
    %ge3A = arith.constant 0.000000e+00 : f32
    %ge3A_28 = vector.broadcast %ge3A : f32 to vector<640x128xf32>
    %ge3A_29 = arith.cmpf oge, %add3A_27, %ge3A_28 : vector<640x128xf32>
    %mul3A_30 = arith.constant 0.00999999977 : f32
    %mul3A_31 = vector.broadcast %mul3A_30 : f32 to vector<640x128xf32>
    %mul3A_32 = arith.mulf %mul3A_31, %add3A_27 : vector<640x128xf32>
    %select_n3A = arith.select %ge3A_29, %add3A_27, %mul3A_32 : vector<640x128xi1>, vector<640x128xf32>
    %iota3A = tpu.iota {dimensions = array<i32: 0>} : vector<640x1xi32>
    %mul3A_33 = arith.constant 640 : i32
    %mul3A_34 = arith.muli %arg0, %mul3A_33 : i32
    %add3A_35 = vector.broadcast %mul3A_34 : i32 to vector<640x1xi32>
    %add3A_36 = arith.addi %iota3A, %add3A_35 : vector<640x1xi32>
    %lt3A = arith.constant 10000 : i32
    %lt3A_37 = vector.broadcast %lt3A : i32 to vector<640x1xi32>
    %lt3A_38 = arith.cmpi slt, %add3A_36, %lt3A_37 : vector<640x1xi32>
    %jit3A = arith.constant 0.000000e+00 : f32
    %broadcast_in_dim3A = vector.shape_cast %lt3A_38 : vector<640x1xi1> to vector<640x1xi1>
    %broadcast_in_dim3A_39 = vector.broadcast %broadcast_in_dim3A : vector<640x1xi1> to vector<640x128xi1>
    %broadcast_in_dim3A_40 = vector.broadcast %jit3A : f32 to vector<640x128xf32>
    %select_n3A_41 = arith.select %broadcast_in_dim3A_39, %select_n3A, %broadcast_in_dim3A_40 : vector<640x128xi1>, vector<640x128xf32>
    %reduce_sum3A = arith.constant dense<0.000000e+00> : vector<128xf32>
    %reduce_sum3A_42 = vector.multi_reduction <add>, %select_n3A_41, %reduce_sum3A [0] : vector<640x128xf32> to vector<128xf32>
    %broadcast_in_dim3A_43 = vector.shape_cast %reduce_sum3A_42 : vector<128xf32> to vector<1x128xf32>
    %eq3A = arith.constant 0 : i32
    %eq3A_44 = arith.cmpi eq, %arg0, %eq3A : i32
    %convert_element_type3A = arith.extui %eq3A_44 : i1 to i32
    %cond3A = arith.constant 0 : i32
    %cond3A_45 = arith.cmpi ne, %convert_element_type3A, %cond3A : i32
    scf.if %cond3A_45 {
      %swap3A = arith.constant 0 : index
      %swap3A_55 = arith.constant 0 : index
      %swap3A_56 = vector.load %arg12[%swap3A, %swap3A_55] : memref<1x128xf32, #tpu.memory_space<vmem>>, vector<1x128xf32>
      tpu.vector_store %arg12[%swap3A, %swap3A_55], %broadcast_in_dim3A_43 {strides = array<i32>} : memref<1x128xf32, #tpu.memory_space<vmem>>, vector<1x128xf32>,
    } else {
    }
    %gt3A = arith.constant 0 : i32
    %gt3A_46 = arith.cmpi sgt, %arg0, %gt3A : i32
    %convert_element_type3A_47 = arith.extui %gt3A_46 : i1 to i32
    %cond3A_48 = arith.constant 0 : i32
    %cond3A_49 = arith.cmpi ne, %convert_element_type3A_47, %cond3A_48 : i32
    scf.if %cond3A_49 {
      %get3A_55 = arith.constant 0 : index
      %get3A_56 = arith.constant 0 : index
      %get3A_57 = vector.load %arg12[%get3A_55, %get3A_56] : memref<1x128xf32, #tpu.memory_space<vmem>>, vector<1x128xf32>
      %add3A_58 = arith.addf %get3A_57, %broadcast_in_dim3A_43 : vector<1x128xf32>
      %swap3A = arith.constant 0 : index
      %swap3A_59 = arith.constant 0 : index
      %swap3A_60 = vector.load %arg12[%swap3A, %swap3A_59] : memref<1x128xf32, #tpu.memory_space<vmem>>, vector<1x128xf32>
      tpu.vector_store %arg12[%swap3A, %swap3A_59], %add3A_58 {strides = array<i32>} : memref<1x128xf32, #tpu.memory_space<vmem>>, vector<1x128xf32>,
    } else {
    }
    %eq3A_50 = arith.constant 15 : i32
    %eq3A_51 = arith.cmpi eq, %arg0, %eq3A_50 : i32
    %convert_element_type3A_52 = arith.extui %eq3A_51 : i1 to i32
    %cond3A_53 = arith.constant 0 : i32
    %cond3A_54 = arith.cmpi ne, %convert_element_type3A_52, %cond3A_53 : i32
    scf.if %cond3A_54 {
      %get3A_55 = arith.constant 0 : index
      %get3A_56 = arith.constant 0 : index
      %get3A_57 = vector.load %arg12[%get3A_55, %get3A_56] : memref<1x128xf32, #tpu.memory_space<vmem>>, vector<1x128xf32>
      %div3A = arith.constant 1.000000e+04 : f32
      %div3A_58 = vector.broadcast %div3A : f32 to vector<1x128xf32>
      %div3A_59 = arith.divf %get3A_57, %div3A_58 : vector<1x128xf32>
      %get3A_60 = arith.constant 0 : index
      %get3A_61 = arith.constant 0 : index
      %get3A_62 = vector.load %arg5[%get3A_60, %get3A_61] : memref<128x128xf32, #tpu.memory_space<vmem>>, vector<128x128xf32>
      %dot_general3A = arith.constant dense<0.000000e+00> : vector<1x128xf32>
      %dot_general3A_63 = tpu.matmul %div3A_59, %get3A_62, %dot_general3A {dimension_numbers = #tpu.dot_dimension_numbers<[1], [0], [0], [1], [0, 0, 1, 1], [], []>, transpose_lhs_hint = false} : vector<1x128xf32>, vector<128x128xf32>, vector<1x128xf32> -> vector<1x128xf32>
      %get3A_64 = arith.constant 0 : index
      %get3A_65 = arith.constant 0 : index
      %get3A_66 = vector.load %arg6[%get3A_64, %get3A_65] : memref<1x128xf32, #tpu.memory_space<vmem>>, vector<1x128xf32>
      %add3A_67 = arith.addf %dot_general3A_63, %get3A_66 : vector<1x128xf32>
      %ge3A_68 = arith.constant 0.000000e+00 : f32
      %ge3A_69 = vector.broadcast %ge3A_68 : f32 to vector<1x128xf32>
      %ge3A_70 = arith.cmpf oge, %add3A_67, %ge3A_69 : vector<1x128xf32>
      %mul3A_71 = arith.constant 0.00999999977 : f32
      %mul3A_72 = vector.broadcast %mul3A_71 : f32 to vector<1x128xf32>
      %mul3A_73 = arith.mulf %mul3A_72, %add3A_67 : vector<1x128xf32>
      %select_n3A_74 = arith.select %ge3A_70, %add3A_67, %mul3A_73 : vector<1x128xi1>, vector<1x128xf32>
      %get3A_75 = arith.constant 0 : index
      %get3A_76 = arith.constant 0 : index
      %get3A_77 = vector.load %arg7[%get3A_75, %get3A_76] : memref<128x128xf32, #tpu.memory_space<vmem>>, vector<128x128xf32>
      %dot_general3A_78 = arith.constant dense<0.000000e+00> : vector<1x128xf32>
      %dot_general3A_79 = tpu.matmul %select_n3A_74, %get3A_77, %dot_general3A_78 {dimension_numbers = #tpu.dot_dimension_numbers<[1], [0], [0], [1], [0, 0, 1, 1], [], []>, transpose_lhs_hint = false} : vector<1x128xf32>, vector<128x128xf32>, vector<1x128xf32> -> vector<1x128xf32>
      %get3A_80 = arith.constant 0 : index
      %get3A_81 = arith.constant 0 : index
      %get3A_82 = vector.load %arg8[%get3A_80, %get3A_81] : memref<1x128xf32, #tpu.memory_space<vmem>>, vector<1x128xf32>
      %add3A_83 = arith.addf %dot_general3A_79, %get3A_82 : vector<1x128xf32>
      %ge3A_84 = arith.constant 0.000000e+00 : f32
      %ge3A_85 = vector.broadcast %ge3A_84 : f32 to vector<1x128xf32>
      %ge3A_86 = arith.cmpf oge, %add3A_83, %ge3A_85 : vector<1x128xf32>
      %mul3A_87 = arith.constant 0.00999999977 : f32
      %mul3A_88 = vector.broadcast %mul3A_87 : f32 to vector<1x128xf32>
      %mul3A_89 = arith.mulf %mul3A_88, %add3A_83 : vector<1x128xf32>
      %select_n3A_90 = arith.select %ge3A_86, %add3A_83, %mul3A_89 : vector<1x128xi1>, vector<1x128xf32>
      %get3A_91 = arith.constant 0 : index
      %get3A_92 = arith.constant 0 : index
      %get3A_93 = vector.load %arg9[%get3A_91, %get3A_92] : memref<128x1xf32, #tpu.memory_space<vmem>>, vector<128x1xf32>
      %dot_general3A_94 = arith.constant dense<0.000000e+00> : vector<1x1xf32>
      %dot_general3A_95 = tpu.matmul %select_n3A_90, %get3A_93, %dot_general3A_94 {dimension_numbers = #tpu.dot_dimension_numbers<[1], [0], [0], [1], [0, 0, 1, 1], [], []>, transpose_lhs_hint = false} : vector<1x128xf32>, vector<128x1xf32>, vector<1x1xf32> -> vector<1x1xf32>
      %get3A_96 = arith.constant 0 : index
      %get3A_97 = arith.constant 0 : index
      %get3A_98 = vector.load %arg10[%get3A_96, %get3A_97] : memref<1x1xf32, #tpu.memory_space<vmem>>, vector<1x1xf32>
      %add3A_99 = arith.addf %dot_general3A_95, %get3A_98 : vector<1x1xf32>
      %swap3A = arith.constant 0 : index
      %swap3A_100 = arith.constant 0 : index
      %swap3A_101 = vector.load %arg11[%swap3A, %swap3A_100] : memref<1x1xf32, #tpu.memory_space<vmem>>, vector<1x1xf32>
      tpu.vector_store %arg11[%swap3A, %swap3A_100], %add3A_99 {strides = array<i32>} : memref<1x1xf32, #tpu.memory_space<vmem>>, vector<1x1xf32>,
    } else {
    }
    return
  }
  func.func @transform_0(%arg0: i32) -> (i32, i32) {
    %c0_i32 = arith.constant 0 : i32
    %c0_i32_0 = arith.constant 0 : i32
    return %c0_i32, %arg0 : i32, i32
  }
  func.func @transform_1(%arg0: i32) -> (i32, i32, i32) {
    %c0_i32 = arith.constant 0 : i32
    %c0_i32_0 = arith.constant 0 : i32
    %c0_i32_1 = arith.constant 0 : i32
    return %c0_i32, %arg0, %c0_i32_0 : i32, i32, i32
  }
  func.func @transform_2(%arg0: i32) -> (i32, i32) {
    %c0_i32 = arith.constant 0 : i32
    %c0_i32_0 = arith.constant 0 : i32
    return %arg0, %c0_i32 : i32, i32
  }
  func.func @transform_3(%arg0: i32) -> (i32, i32) {
    %c0_i32 = arith.constant 0 : i32
    %c0_i32_0 = arith.constant 0 : i32
    %c0_i32_1 = arith.constant 0 : i32
    return %c0_i32, %c0_i32_0 : i32, i32
  }
  func.func @transform_4(%arg0: i32) -> (i32, i32) {
    %c0_i32 = arith.constant 0 : i32
    %c0_i32_0 = arith.constant 0 : i32
    %c0_i32_1 = arith.constant 0 : i32
    return %c0_i32, %c0_i32_0 : i32, i32
  }
  func.func @transform_5(%arg0: i32) -> (i32, i32) {
    %c0_i32 = arith.constant 0 : i32
    %c0_i32_0 = arith.constant 0 : i32
    %c0_i32_1 = arith.constant 0 : i32
    return %c0_i32, %c0_i32_0 : i32, i32
  }
  func.func @transform_6(%arg0: i32) -> (i32, i32) {
    %c0_i32 = arith.constant 0 : i32
    %c0_i32_0 = arith.constant 0 : i32
    %c0_i32_1 = arith.constant 0 : i32
    return %c0_i32, %c0_i32_0 : i32, i32
  }
  func.func @transform_7(%arg0: i32) -> (i32, i32) {
    %c0_i32 = arith.constant 0 : i32
    %c0_i32_0 = arith.constant 0 : i32
    %c0_i32_1 = arith.constant 0 : i32
    return %c0_i32, %c0_i32_0 : i32, i32
  }
  func.func @transform_8(%arg0: i32) -> (i32, i32) {
    %c0_i32 = arith.constant 0 : i32
    %c0_i32_0 = arith.constant 0 : i32
    %c0_i32_1 = arith.constant 0 : i32
    return %c0_i32, %c0_i32_0 : i32, i32
  }
  func.func @transform_9(%arg0: i32) -> (i32, i32) {
    %c0_i32 = arith.constant 0 : i32
    %c0_i32_0 = arith.constant 0 : i32
    %c0_i32_1 = arith.constant 0 : i32
    return %c0_i32, %c0_i32_0 : i32, i32
  }
  func.func @transform_10(%arg0: i32) -> (i32, i32) {
    %c0_i32 = arith.constant 0 : i32
    %c0_i32_0 = arith.constant 0 : i32
    %c0_i32_1 = arith.constant 0 : i32
    return %c0_i32, %c0_i32_0 : i32, i32
  }
}

</mosaic_0001>

<sc_bundles>
// kernel: kernel.11.cloned.1.call-start
scs
__scs_entry_jumppad:
0x0: {  	(pc) =	sbr.rel $0x88, $3  }
0x1: {  	(tag) =	ssettag $0x0;
	lr =	simm.s32 $0x1  }
0x2: {  	[smem:$0x3F95] =	sst lr;
	_ =	strace $0xD0000000  }
0x3: {  	_ = 	snop  }
0x4: {  	_ = 	snop  }
0x5: {  	_ = 	snop  }
0x6: {  	_ = 	snop  }
0x7: {  	_ = 	snop  }
__scs_overlays_trampoline_lowered:
0x8: {  	[smem:$0x3FA4] =	sst s0  }
0x9: {  	[smem:$0x3FA5] =	sst s1  }
0xa: {  	[smem:$0x3FA6] =	sst s2  }
0xb: {  	[smem:$0x3FA7] =	sst s3  }
0xc: {  	[smem:$0x3FA8] =	sst s4  }
0xd: {  	[smem:$0x3FA9] =	sst s5  }
0xe: {  	[smem:$0x3FAA] =	sst s6  }
0xf: {  	[smem:$0x3FAB] =	sst s7  }
0x10: {  	[smem:$0x3FAC] =	sst s8  }
0x11: {  	[smem:$0x3FAD] =	sst s9;
	s0 =	simm.s32 @!p0 $0x0  }
0x12: {  	s1 =	sld [smem:$0x3F93];
	s0 =	simm.s32 @p0 $0x1  }
0x13: {  	[smem:$0x3FAE] =	sst s0;
	s0 =	simm.s32 @!p1 $0x0  }
0x14: {  	s2 =	sld [smem:$0x3F92];
	s0 =	simm.s32 @p1 $0x1  }
0x15: {  	[smem:$0x3FAF] =	sst s0;
	s0 =	simm.s32 @!p2 $0x0  }
0x16: {  	s3 =	sld [smem:$0x3FDB];
	s0 =	simm.s32 @p2 $0x1  }
0x17: {  	s4 =	simm.s32 $0x1BF5;
	[smem:$0x3FB1] =	sst s0  }
0x18: {  	s0 =	sld [smem:$0x3F94];
	_ =	swait.ge [sflag:s4], $0x0  }
0x19: {  	s7 =	sld [smem:$0x3F95]  }
0x1a: {  	s8 =	sadd.s32 $0xFFFFE003, lr  }
0x1b: {  	s9 =	sadd.s32 $0xFFFFFEF7, lr;
	s5 =	simm.s32 $0xFFFFFFFF;
	p2 =	slt.u32 s8, $0xFFFFF086  }
0x1c: {  	p1 =	slt.u32 s9, $0xF7A;
	s5 =	simm.s32 @!p2 $0x0  }
0x1d: {  	s5 =	simm.s32 @p1 $0x1;
	p0 =	seq.s32 s7, s2  }
0x1e: {  	s7 =	smul.u32 @!p0 $0xF7A, s2;
	p2 =	seq.s32 @!p0 s5, $0x0  }
0x1f: {  	s9 =	smul.u32 $0xF7A, s1;
	s8 =	simm.s32 @!p0 $0x1BF5;
	p2 =	por !p2, p0  }
0x20: {  	[sflag:s8] =	ssyncset.s32 @!p0 $0xFFFFF086;
	s6 =	sadd.s32 @!p0 s3, s7;
	s7 =	simm.s32 @!p0 $0x108  }
0x21: {  	s3 =	sadd.s32 s3, s9;
	s6 =	sadd.s32 @!p0 $0x88, s6;
	s7 =	simm.s32 @p2 $0x1082  }
0x22: {  	[simem:s7], [sflag:s8] =	dma.local @!p0 [hbm:s6], $0xF7A  }
0x23: {  	s9 =	sor.u32 $0xD0000000, s2;
	s6 =	simm.s32 $0x108;
	_ =	swait.ge @!p0 [sflag:s8], $0x0  }
0x24: {  	s3 =	sadd.s32 $0x88, s3;
	s6 =	simm.s32 @!p1 $0x1082;
	[sflag:s4] =	ssyncset.s32 $0xFFFFF086  }
0x25: {  	[simem:s6], [sflag:s4] =	dma.local [hbm:s3], $0xF7A  }
0x26: {  	[smem:$0x3F95] =	sst s1;
	(tag) =	ssettag s2;
	_ =	strace s9  }
0x27: {  	s1 =	sld [smem:$0x3FA5]  }
0x28: {  	s2 =	sld [smem:$0x3FA6]  }
0x29: {  	s4 =	sld [smem:$0x3FA8]  }
0x2a: {  	p0 =	seq.s32 s5, $0x0;
	s5 =	sld [smem:$0x3FA9]  }
0x2b: {  	s6 =	sld [smem:$0x3FAA]  }
0x2c: {  	s7 =	sld [smem:$0x3FAB]  }
0x2d: {  	s3 =	simm.s32 $0x108;
	s8 =	sld [smem:$0x3FAC]  }
0x2e: {  	s3 =	simm.s32 @!p0 $0x1082;
	s9 =	sld [smem:$0x3FAD]  }
0x2f: {  	lr =	sadd.s32 s0, s3;
	s0 =	sld [smem:$0x3FA4]  }
0x30: {  	s3 =	sld [smem:$0x3FA7]  }
0x31: {  	[smem:$0x3FB0] =	sst s10  }
0x32: {  	s10 =	sld [smem:$0x3FAE];
	_ =	sdelay $0x3  }
0x33: {  	p0 =	seq.s32 s10, $0x1;
	s10 =	sld [smem:$0x3FB0];
	_ =	sdelay $0x3  }
0x34: {  	[smem:$0x3FB0] =	sst s10  }
0x35: {  	s10 =	sld [smem:$0x3FAF];
	_ =	sdelay $0x3  }
0x36: {  	p1 =	seq.s32 s10, $0x1;
	s10 =	sld [smem:$0x3FB0];
	_ =	sdelay $0x3  }
0x37: {  	[smem:$0x3FB0] =	sst s10  }
0x38: {  	s10 =	sld [smem:$0x3FB1]  }
0x39: {  	_ = 	snop;
	(pc) =	sbr.ind lr, $3  }
0x3a: {  	_ = 	snop  }
0x3b: {  	_ = 	snop  }
0x3c: {  	p2 =	seq.s32 s10, $0x1;
	s10 =	sld [smem:$0x3FB0]  }
0x3d: {  	_ =	shalt  }
0x3e: {  	_ =	shalt  }
0x3f: {  	_ =	shalt  }
0x40: {  	_ =	shalt  }
0x41: {  	_ =	shalt  }
0x42: {  	_ =	shalt  }
0x43: {  	_ =	shalt  }
0x44: {  	_ =	shalt  }
0x45: {  	_ =	shalt  }
0x46: {  	_ =	shalt  }
0x47: {  	_ =	shalt  }
0x48: {  	_ =	shalt  }
0x49: {  	_ =	shalt  }
0x4a: {  	_ =	shalt  }
0x4b: {  	_ =	shalt  }
0x4c: {  	_ =	shalt  }
0x4d: {  	_ =	shalt  }
0x4e: {  	_ =	shalt  }
0x4f: {  	_ =	shalt  }
0x50: {  	_ =	shalt  }
0x51: {  	_ =	shalt  }
0x52: {  	_ =	shalt  }
0x53: {  	_ =	shalt  }
0x54: {  	_ =	shalt  }
0x55: {  	_ =	shalt  }
0x56: {  	_ =	shalt  }
0x57: {  	_ =	shalt  }
0x58: {  	_ =	shalt  }
0x59: {  	_ =	shalt  }
0x5a: {  	_ =	shalt  }
0x5b: {  	_ =	shalt  }
0x5c: {  	_ =	shalt  }
0x5d: {  	_ =	shalt  }
0x5e: {  	_ =	shalt  }
0x5f: {  	_ =	shalt  }
0x60: {  	_ =	shalt  }
0x61: {  	_ =	shalt  }
0x62: {  	_ =	shalt  }
0x63: {  	_ =	shalt  }
0x64: {  	_ =	shalt  }
0x65: {  	_ =	shalt  }
0x66: {  	_ =	shalt  }
0x67: {  	_ =	shalt  }
0x68: {  	_ =	shalt  }
0x69: {  	_ =	shalt  }
0x6a: {  	_ =	shalt  }
0x6b: {  	_ =	shalt  }
0x6c: {  	_ =	shalt  }
0x6d: {  	_ =	shalt  }
0x6e: {  	_ =	shalt  }
0x6f: {  	_ =	shalt  }
0x70: {  	_ =	shalt  }
0x71: {  	_ =	shalt  }
0x72: {  	_ =	shalt  }
0x73: {  	_ =	shalt  }
0x74: {  	_ =	shalt  }
0x75: {  	_ =	shalt  }
0x76: {  	_ =	shalt  }
0x77: {  	_ =	shalt  }
0x78: {  	_ =	shalt  }
0x79: {  	_ =	shalt  }
0x7a: {  	_ =	shalt  }
0x7b: {  	_ =	shalt  }
0x7c: {  	_ =	shalt  }
0x7d: {  	_ =	shalt  }
0x7e: {  	_ =	shalt  }
0x7f: {  	_ =	shalt  }
0x80: {  	_ =	shalt  }
0x81: {  	_ =	shalt  }
0x82: {  	_ =	shalt  }
0x83: {  	_ =	shalt  }
0x84: {  	_ =	shalt  }
0x85: {  	_ =	shalt  }
0x86: {  	_ =	shalt  }
0x87: {  	_ =	shalt  }
.Lfunc_end0:
.L_simem_size_0:
called_computation.1_lowered:
.L_overlay_start_0:
0x88: {  	s2 =	sld [smem:$0x3FD9]  }
0x89: {  	s3 =	sld [smem:$0x3FFE];
	_ =	sdelay $0x1  }
0x8a: {  	s1 =	srdreg.scid  }
0x8b: {  	s0 =	sand.u32 $0x1, s1  }
0x8c: {  	s16 =	sshll.u32 s0, $0xA;
	s2 =	sadd.s32 s3, s2  }
0x8d: {  	s2 =	sadd.s32 s2, s16  }
0x8e: {  	[smem:$0x3FBC] =	sst s2  }
0x8f: {  	_ = 	snop  }
0x90: {  	(tm) =	ssettm $0x1  }
0x91: {  	s17 =	sld [smem:$0x3FFB];
	_ =	sdelay $0x3  }
0x92: {  	_ =	strace s17  }
0x93: {  	s2 =	sld [smem:$0x3FFC];
	_ =	sdelay $0x3  }
0x94: {  	_ =	strace s2  }
0x95: {  	s2 =	sld [smem:$0x3FFD];
	_ =	sdelay $0x3  }
0x96: {  	_ =	strace s2  }
0x97: {  	_ =	strace $0x8FFFFFFF  }
0x98: {  	s18 =	sld [smem:$0x3FDB];
	_ =	sdelay $0x1  }
0x99: {  	s19 =	simm.s32 $_scs_section_size  }
0x9a: {  	s4 =	simm.s32 $_size__tile_overlayer_lowered;
	s5 =	simm.s32 $_tile_overlayer_lowered  }
0x9b: {  	s22 =	simm.s32 $0x1BFF;
	s21 =	sshll.u32 s5, $0x1;
	s2 =	sadd.s32 s19, s18  }
0x9c: {  	s6 =	simm.s32 $0x0;
	s20 =	sshll.u32 s4, $0x1;
	s4 =	sadd.s32 s21, s2  }
0x9d: {  	[timem:s6], [sflag:s22] =	dma.local [hbm:s4], s20  }
0x9e: {  	_ =	swait.ge [sflag:s22], s20  }
0x9f: {  	s3 =	ssub.s32 $0x0, s20;
	[sflag:s22] =	ssyncset.done $0x0  }
0xa0: {  	[sflag:s22] =	ssyncadd.s32 s3;
	_ =	sdelay $0x1  }
0xa1: {  	s23 =	simm.s32 $0x1B8B  }
0xa2: {  	_ =	swait.ge [sflag:s23], $0x1  }
0xa3: {  	[sflag:s23] =	ssyncset.done $0x0  }
0xa4: {  	s25 =	simm.s32 $0x1B8E;
	s24 =	sld [smem:$0x3FFE];
	[sflag:s23] =	ssyncadd.s32 $0xFFFFFFFF  }
0xa5: {  	s26 =	simm.s32 $execute0_lowered;
	[smem:$0x3FD2] =	sst s25  }
0xa6: {  	s4 =	sshll.u32 s26, $0x1;
	_ =	strace $0x80000049;
	[dreg:$0x1] =	wrdreg $0xFFFFFFFF  }
0xa7: {  	s28 =	simm.s32 $_size_execute0_lowered;
	s2 =	sadd.s32 s2, s4;
	[dreg:$0x0] =	wrdreg $0x0  }
0xa8: {  	s4 =	sshll.u32 s28, $0x1;
	[dreg:$0x2] =	wrdreg s2  }
0xa9: {  	[dreg:$0x3] =	wrdreg s4  }
0xaa: {  	[dreg:$0x4] =	wrdreg $0xC0  }
0xab: {  	_ =	task [dreg:s6], $0x5FFFF  }
0xac: {  	[dreg:$0x1] =	wrdreg $0xFFFFFFFF  }
0xad: {  	[dreg:$0x0] =	wrdreg $0x60  }
0xae: {  	[dreg:$0x2] =	wrdreg s24  }
0xaf: {  	[dreg:$0x3] =	wrdreg $0xA2000  }
0xb0: {  	[dreg:$0x4] =	wrdreg $0x9  }
0xb1: {  	_ =	task.clear_ibuf [dreg:s6], $0x5FFFF;
	_ =	strace $0x90000049  }
0xb2: {  	s29 =	simm.s32 $0x9;
	_ =	strace $0x8000004B  }
0xb3: {  	_ =	swait.ge [sflag:s29], $0x1  }
0xb4: {  	[sflag:s29] =	ssyncadd.s32 $0xFFFFFFFF  }
0xb5: {  	_ =	strace $0x9000004B  }
0xb6: {  	_ =	sfence  }
0xb7: {  	s30 =	sld [smem:$0x0];
	_ =	sdelay $0x2  }
0xb8: {  	s31 =	sshll.u32 s1, $0xD;
	s1 =	sshrl.u32 s1, $0x2  }
0xb9: {  	s3 =	sand.u32 $0x4000, s31;
	s1 =	sadd.s32 s1, s30  }
0xba: {  	s0 =	sor.u32 s3, s0;
	s1 =	sshll.u32 s1, $0x11  }
0xbb: {  	s0 =	sor.u32 s1, s0  }
0xbc: {  	s0 =	sadd.s32 $0x8F2B, s0  }
0xbd: {  	[sflag:s0] =	ssyncadd.remote.s32 $0x1  }
0xbe: {  	_ =	sfence.sel $0xFFFF  }
0xbf: {  	[dreg:$0x0] =	wrdreg $0xFFFFFFFF;
	(pc) =	sbr.abs _section_cstart, $3  }
0xc0: {  	[dreg:$0x1] =	wrdreg $0xFFFFFFFF  }
0xc1: {  	_ =	task.clear_ibuf [dreg:s6], $0x2FFFF;
	_ =	strace $0x9FFFFFFF  }
0xc2: {  	(tm) =	ssettm $0x7FFFFFFF  }
0xc3: {  	_ =	shalt  }
tec
execute0_lowered:
.L_overlay_start_1:
0x0: {  	(tag) =	ssettag $0x1  }
0x1: {  	s0 =	rddreg [dreg:$0x0]  }
0x2: {  	s1 =	rddreg [dreg:$0x1];
	s2 =	srdreg.scid;
	s3 =	simm.s32 $0x0  }
0x3: {  	s8 =	stileid.u32;
	s29 =	simm.s32 $0x9200;
	s30 =	simm.s32 $0x4  }
0x4: {  	s31 =	simm.s32 $0x50;
	s9 =	simm.s32 $0x4080;
	s6 =	smul.u32 $0x14000, s8  }
0x5: {  	s2 =	sand.u32 $0x1, s2;
	[smem:$0x7FF] =	sst s3;
	s14 =	smul.u32 $0x50000, s8  }
0x6: {  	s4 =	sadd.s32 $0x23600, s0;
	s8 =	sshll.u32 s8, $0xC;
	s5 =	smul.u32 $0x140000, s2  }
0x7: {  	_ =	strace $0x8000004A;
	s7 =	sshll.u32 s2, $0xB;
	s2 =	ssub.s32 $0x2, s2  }
0x8: {  	s7 =	sadd.s32 s7, s0;
	s15 =	sshrl.u32 s2, $0x1;
	s16 =	sshrl.u32 s14, $0x2  }
0x9: {  	s5 =	sadd.s32 s6, s5;
	s2 =	ssub.s32 s2, s15;
	s17 =	sadd.s32 s8, s7  }
0xa: {  	s5 =	sshrl.u32 s5, $0x3;
	s6 =	sadd.s32 $0x13600, s17;
	s2 =	smax.u32 s2, $0x1  }
0xb: {  	s0 =	sadd.s32 s5, s0;
	s5 =	sadd.s32 s16, s1;
	[dreg:$0x3] =	wrdreg s6  }
0xc: {  	s10 =	simm.s32 $0x3;
	[dreg:$0x4] =	wrdreg s2;
	s18 =	sadd.s32 $0x1000, s5  }
0xd: {  	s11 =	simm.s32 $0x2;
	s19 =	sadd.s32 $0x2000, s5;
	[dreg:$0x5] =	wrdreg s18  }
0xe: {  	s12 =	simm.s32 $0x4180;
	s20 =	sadd.s32 $0x3000, s5;
	[dreg:$0x6] =	wrdreg s19  }
0xf: {  	s13 =	simm.s32 $0x0;
	s21 =	sadd.s32 $0x4000, s5;
	[dreg:$0x7] =	wrdreg s20  }
0x10: {  	s7 =	simm.s32 $0x6A00;
	s22 =	sadd.s32 $0x5000, s5;
	[dreg:$0x8] =	wrdreg s21  }
0x11: {  	s8 =	simm.s32 $0x1;
	s23 =	sadd.s32 $0x6000, s5;
	[dreg:$0x9] =	wrdreg s22  }
0x12: {  	s2 =	simm.s32 $0x4200;
	s24 =	sadd.s32 $0x7000, s5;
	[dreg:$0xa] =	wrdreg s23  }
0x13: {  	s6 =	simm.s32 $0x4100;
	s25 =	sadd.s32 $0x8000, s5;
	[dreg:$0xb] =	wrdreg s24  }
0x14: {  	s26 =	sadd.s32 $0x9000, s5;
	s17 =	sadd.s32 $0xA000, s5;
	[dreg:$0xc] =	wrdreg s25  }
0x15: {  	s28 =	sadd.s32 $0x13000, s5;
	[dreg:$0xd] =	wrdreg s26;
	s18 =	sadd.s32 $0xB000, s5  }
0x16: {  	s19 =	sadd.s32 $0xC000, s5;
	s20 =	sadd.s32 $0xD000, s5;
	s21 =	sadd.s32 $0xE000, s5  }
0x17: {  	s22 =	sadd.s32 $0xF000, s5;
	s23 =	sadd.s32 $0x10000, s5;
	s24 =	sadd.s32 $0x11000, s5  }
0x18: {  	v0 =	vimm.f32 $0.0e+00;
	s25 =	sadd.s32 $0x4B600, s0;
	s26 =	sadd.s32 $0x12000, s5;
	s0 =	simm.s32 $0x4000  }
.LBB2_1:
0x19: {  	s14 =	simm.s32 $0x0;
	s15 =	simm.s32 $0x200  }
.LBB2_2:
0x1a: {  	p0 =	sne.s32 s15, $0x3E00;
	[tilespmem:s14+$0x9270] =	vst v0  }
0x1b: {  	[tilespmem:s14+$0x9200] =	vst v0  }
0x1c: {  	[tilespmem:s14+$0x9210] =	vst v0  }
.Ltmp0:
0x1d: {  	[tilespmem:s14+$0x9220] =	vst v0;
	(pc) =	sbr.rel @p0 .LBB2_2-.Ltmp0, $4  }
0x1e: {  	[tilespmem:s14+$0x9230] =	vst v0  }
0x1f: {  	[tilespmem:s14+$0x9240] =	vst v0  }
0x20: {  	[tilespmem:s14+$0x9250] =	vst v0  }
0x21: {  	[tilespmem:s14+$0x9260] =	vst v0;
	s14 =	sshra.s32 s15, $0x2;
	s15 =	sadd.s32 $0x200, s15  }
0x22: {  	[tilespmem:s14+$0x9270] =	vst v0  }
0x23: {  	[tilespmem:s14+$0x9200] =	vst v0  }
0x24: {  	[tilespmem:s14+$0x9210] =	vst v0  }
0x25: {  	[tilespmem:s14+$0x9220] =	vst v0  }
0x26: {  	[tilespmem:s14+$0x9230] =	vst v0  }
0x27: {  	[tilespmem:s14+$0x9240] =	vst v0  }
0x28: {  	[tilespmem:s14+$0x9250] =	vst v0  }
0x29: {  	[tilespmem:s14+$0x9260] =	vst v0  }
0x2a: {  	[spmem:s5] =	stream.linear.scatter [tilespmem:s29], [sflag:$0x4], $0x1000, $0x38;
	[tilespmem:$0x1E200] =	vst v63  }
0x2b: {  	_ =	swait.ge [sflag:s30], $0x1000  }
0x2c: {  	[sflag:s30] =	ssyncset.done $0x0  }
0x2d: {  	s15 =	rddreg [dreg:$0x5];
	[sflag:s30] =	ssyncadd.s32 $0xFFFFF000  }
0x2e: {  	[spmem:s15] =	stream.linear.scatter [tilespmem:s29], [sflag:$0x4], $0x1000, $0x38;
	[tilespmem:$0x1E200] =	vst v63  }
0x2f: {  	_ =	swait.ge [sflag:s30], $0x1000  }
0x30: {  	[sflag:s30] =	ssyncset.done $0x0  }
0x31: {  	s16 =	rddreg [dreg:$0x6];
	[sflag:s30] =	ssyncadd.s32 $0xFFFFF000  }
0x32: {  	[spmem:s16] =	stream.linear.scatter [tilespmem:s29], [sflag:$0x4], $0x1000, $0x38;
	[tilespmem:$0x1E200] =	vst v63  }
0x33: {  	_ =	swait.ge [sflag:s30], $0x1000  }
0x34: {  	[sflag:s30] =	ssyncset.done $0x0  }
0x35: {  	s15 =	rddreg [dreg:$0x7];
	[sflag:s30] =	ssyncadd.s32 $0xFFFFF000  }
0x36: {  	[spmem:s15] =	stream.linear.scatter [tilespmem:s29], [sflag:$0x4], $0x1000, $0x38;
	[tilespmem:$0x1E200] =	vst v63  }
0x37: {  	_ =	swait.ge [sflag:s30], $0x1000  }
0x38: {  	[sflag:s30] =	ssyncset.done $0x0  }
0x39: {  	s16 =	rddreg [dreg:$0x8];
	[sflag:s30] =	ssyncadd.s32 $0xFFFFF000  }
0x3a: {  	[spmem:s16] =	stream.linear.scatter [tilespmem:s29], [sflag:$0x4], $0x1000, $0x38;
	[tilespmem:$0x1E200] =	vst v63  }
0x3b: {  	_ =	swait.ge [sflag:s30], $0x1000  }
0x3c: {  	[sflag:s30] =	ssyncset.done $0x0  }
0x3d: {  	s15 =	rddreg [dreg:$0x9];
	[sflag:s30] =	ssyncadd.s32 $0xFFFFF000  }
0x3e: {  	[spmem:s15] =	stream.linear.scatter [tilespmem:s29], [sflag:$0x4], $0x1000, $0x38;
	[tilespmem:$0x1E200] =	vst v63  }
0x3f: {  	_ =	swait.ge [sflag:s30], $0x1000  }
0x40: {  	[sflag:s30] =	ssyncset.done $0x0  }
0x41: {  	s16 =	rddreg [dreg:$0xa];
	[sflag:s30] =	ssyncadd.s32 $0xFFFFF000  }
0x42: {  	[spmem:s16] =	stream.linear.scatter [tilespmem:s29], [sflag:$0x4], $0x1000, $0x38;
	[tilespmem:$0x1E200] =	vst v63  }
0x43: {  	_ =	swait.ge [sflag:s30], $0x1000  }
0x44: {  	[sflag:s30] =	ssyncset.done $0x0  }
0x45: {  	s15 =	rddreg [dreg:$0xb];
	[sflag:s30] =	ssyncadd.s32 $0xFFFFF000  }
0x46: {  	[spmem:s15] =	stream.linear.scatter [tilespmem:s29], [sflag:$0x4], $0x1000, $0x38;
	[tilespmem:$0x1E200] =	vst v63  }
0x47: {  	_ =	swait.ge [sflag:s30], $0x1000  }
0x48: {  	[sflag:s30] =	ssyncset.done $0x0  }
0x49: {  	s16 =	rddreg [dreg:$0xc];
	[sflag:s30] =	ssyncadd.s32 $0xFFFFF000  }
0x4a: {  	[spmem:s16] =	stream.linear.scatter [tilespmem:s29], [sflag:$0x4], $0x1000, $0x38;
	[tilespmem:$0x1E200] =	vst v63  }
0x4b: {  	_ =	swait.ge [sflag:s30], $0x1000  }
0x4c: {  	[sflag:s30] =	ssyncset.done $0x0  }
0x4d: {  	s15 =	rddreg [dreg:$0xd];
	[sflag:s30] =	ssyncadd.s32 $0xFFFFF000  }
0x4e: {  	[spmem:s15] =	stream.linear.scatter [tilespmem:s29], [sflag:$0x4], $0x1000, $0x38;
	[tilespmem:$0x1E200] =	vst v63  }
0x4f: {  	_ =	swait.ge [sflag:s30], $0x1000  }
0x50: {  	[sflag:s30] =	ssyncset.done $0x0  }
0x51: {  	[sflag:s30] =	ssyncadd.s32 $0xFFFFF000  }
0x52: {  	[spmem:s17] =	stream.linear.scatter [tilespmem:s29], [sflag:$0x4], $0x1000, $0x38;
	[tilespmem:$0x1E200] =	vst v63  }
0x53: {  	_ =	swait.ge [sflag:s30], $0x1000  }
0x54: {  	[sflag:s30] =	ssyncset.done $0x0  }
0x55: {  	[sflag:s30] =	ssyncadd.s32 $0xFFFFF000  }
0x56: {  	[spmem:s18] =	stream.linear.scatter [tilespmem:s29], [sflag:$0x4], $0x1000, $0x38;
	[tilespmem:$0x1E200] =	vst v63  }
0x57: {  	_ =	swait.ge [sflag:s30], $0x1000  }
0x58: {  	[sflag:s30] =	ssyncset.done $0x0  }
0x59: {  	[sflag:s30] =	ssyncadd.s32 $0xFFFFF000  }
0x5a: {  	[spmem:s19] =	stream.linear.scatter [tilespmem:s29], [sflag:$0x4], $0x1000, $0x38;
	[tilespmem:$0x1E200] =	vst v63  }
0x5b: {  	_ =	swait.ge [sflag:s30], $0x1000  }
0x5c: {  	[sflag:s30] =	ssyncset.done $0x0  }
0x5d: {  	[sflag:s30] =	ssyncadd.s32 $0xFFFFF000  }
0x5e: {  	[spmem:s20] =	stream.linear.scatter [tilespmem:s29], [sflag:$0x4], $0x1000, $0x38;
	[tilespmem:$0x1E200] =	vst v63  }
0x5f: {  	_ =	swait.ge [sflag:s30], $0x1000  }
0x60: {  	[sflag:s30] =	ssyncset.done $0x0  }
0x61: {  	[sflag:s30] =	ssyncadd.s32 $0xFFFFF000  }
0x62: {  	[spmem:s21] =	stream.linear.scatter [tilespmem:s29], [sflag:$0x4], $0x1000, $0x38;
	[tilespmem:$0x1E200] =	vst v63  }
0x63: {  	_ =	swait.ge [sflag:s30], $0x1000  }
0x64: {  	[sflag:s30] =	ssyncset.done $0x0  }
0x65: {  	[sflag:s30] =	ssyncadd.s32 $0xFFFFF000  }
0x66: {  	[spmem:s22] =	stream.linear.scatter [tilespmem:s29], [sflag:$0x4], $0x1000, $0x38;
	[tilespmem:$0x1E200] =	vst v63  }
0x67: {  	_ =	swait.ge [sflag:s30], $0x1000  }
0x68: {  	[sflag:s30] =	ssyncset.done $0x0  }
0x69: {  	[sflag:s30] =	ssyncadd.s32 $0xFFFFF000  }
0x6a: {  	[spmem:s23] =	stream.linear.scatter [tilespmem:s29], [sflag:$0x4], $0x1000, $0x38;
	[tilespmem:$0x1E200] =	vst v63  }
0x6b: {  	_ =	swait.ge [sflag:s30], $0x1000  }
0x6c: {  	[sflag:s30] =	ssyncset.done $0x0  }
0x6d: {  	[sflag:s30] =	ssyncadd.s32 $0xFFFFF000  }
0x6e: {  	[spmem:s24] =	stream.linear.scatter [tilespmem:s29], [sflag:$0x4], $0x1000, $0x38;
	[tilespmem:$0x1E200] =	vst v63  }
0x6f: {  	_ =	swait.ge [sflag:s30], $0x1000  }
0x70: {  	[sflag:s30] =	ssyncset.done $0x0  }
0x71: {  	[sflag:s30] =	ssyncadd.s32 $0xFFFFF000  }
0x72: {  	[spmem:s26] =	stream.linear.scatter [tilespmem:s29], [sflag:$0x4], $0x1000, $0x38;
	[tilespmem:$0x1E200] =	vst v63  }
0x73: {  	_ =	swait.ge [sflag:s30], $0x1000  }
0x74: {  	[sflag:s30] =	ssyncset.done $0x0  }
0x75: {  	[sflag:s30] =	ssyncadd.s32 $0xFFFFF000  }
0x76: {  	[spmem:s28] =	stream.linear.scatter [tilespmem:s29], [sflag:$0x4], $0x1000, $0x38;
	[tilespmem:$0x1E200] =	vst v63  }
0x77: {  	_ =	swait.ge [sflag:s30], $0x1000  }
0x78: {  	[sflag:s30] =	ssyncset.done $0x0  }
0x79: {  	s16 =	simm.s32 $0x0;
	s15 =	rddreg [dreg:$0x3];
	[sflag:s30] =	ssyncadd.s32 $0xFFFFF000  }
0x7a: {  	[tilespmem:s16], [sflag:$0x4] =	stream.linear.gather [hbm4b:s15+s16], $0x3E80, $0x38;
	[tilespmem:$0x1E200] =	vst v63  }
0x7b: {  	_ =	swait.ge [sflag:s30], $0x3E80  }
0x7c: {  	[sflag:s30] =	ssyncset.done $0x0  }
0x7d: {  	[sflag:s30] =	ssyncadd.s32 $0xFFFFC180  }
0x7e: {  	[bflag:$0x0] =	sbarrier.arrive $0xFFFF  }
0x7f: {  	v1 =	vld [tilespmem:$0x0];
	_ =	sdelay $0x1  }
0x80: {  	v2 =	vld [tilespmem:$0x10];
	_ =	sdelay $0x1  }
0x81: {  	v3 =	vld [tilespmem:$0x20]  }
0x82: {  	v4 =	vshrl.u32 v1, $0xE  }
0x83: {  	v63 =	vld [tilespmem:$0x30];
	v1 =	vand.u32 $0x3FFF, v1;
	[tilespmem:$0x4000] =	vst v4  }
0x84: {  	[tilespmem:$0x4080] =	vst v1;
	v1 =	vshrl.u32 v2, $0xE  }
0x85: {  	[tilespmem:$0x4010] =	vst v1;
	v1 =	vand.u32 $0x3FFF, v2;
	v2 =	vld [tilespmem:$0x40]  }
0x86: {  	[tilespmem:$0x4090] =	vst v1;
	v1 =	vshrl.u32 v3, $0xE  }
0x87: {  	[tilespmem:$0x4020] =	vst v1;
	v1 =	vand.u32 $0x3FFF, v3  }
0x88: {  	[tilespmem:$0x40A0] =	vst v1;
	v1 =	vshrl.u32 v63, $0xE  }
0x89: {  	[tilespmem:$0x4030] =	vst v1;
	v1 =	vand.u32 $0x3FFF, v63  }
0x8a: {  	[tilespmem:$0x40B0] =	vst v1;
	v1 =	vshrl.u32 v2, $0xE  }
0x8b: {  	[tilespmem:$0x4040] =	vst v1;
	v1 =	vand.u32 $0x3FFF, v2  }
0x8c: {  	s16 =	simm.s32 $0x0;
	[tilespmem:$0x40C0] =	vst v1  }
0x8d: {  	[tilespmem:s2], [sflag:$0x1] =	stream.indirect.gather [hbm4b:s4+s31], $0x80, s0, s31, $0xb8;
	[tilespmem:$0x1E200] =	vst v63  }
0x8e: {  	v1 =	vld [tilespmem:s16+$0x80];
	_ =	sdelay $0x4  }
0x8f: {  	v2 =	vshrl.u32 v1, $0xE  }
0x90: {  	v1 =	vand.u32 $0x3FFF, v1;
	[tilespmem:$0x4100] =	vst v2  }
0x91: {  	[tilespmem:$0x4180] =	vst v1  }
0x92: {  	v1 =	vld [tilespmem:s16+$0x90];
	_ =	sdelay $0x4  }
0x93: {  	v2 =	vshrl.u32 v1, $0xE  }
0x94: {  	v1 =	vand.u32 $0x3FFF, v1;
	[tilespmem:$0x4110] =	vst v2  }
0x95: {  	[tilespmem:$0x4190] =	vst v1  }
0x96: {  	v1 =	vld [tilespmem:s16+$0xA0];
	_ =	sdelay $0x4  }
0x97: {  	v2 =	vshrl.u32 v1, $0xE  }
0x98: {  	v1 =	vand.u32 $0x3FFF, v1;
	[tilespmem:$0x4120] =	vst v2  }
0x99: {  	[tilespmem:$0x41A0] =	vst v1  }
0x9a: {  	v1 =	vld [tilespmem:s16+$0xB0];
	_ =	sdelay $0x4  }
0x9b: {  	v2 =	vshrl.u32 v1, $0xE  }
0x9c: {  	v1 =	vand.u32 $0x3FFF, v1;
	[tilespmem:$0x4130] =	vst v2  }
0x9d: {  	[tilespmem:$0x41B0] =	vst v1  }
0x9e: {  	v1 =	vld [tilespmem:s16+$0xC0];
	_ =	sdelay $0x4  }
0x9f: {  	v2 =	vshrl.u32 v1, $0xE  }
0xa0: {  	v1 =	vand.u32 $0x3FFF, v1;
	[tilespmem:$0x4140] =	vst v2  }
0xa1: {  	[tilespmem:$0x41C0] =	vst v1  }
0xa2: {  	[tilespmem:s7], [sflag:$0x2] =	stream.indirect.gather [hbm4b:s4+s31], $0x80, s6, s31, $0xb8;
	[tilespmem:$0x1E200] =	vst v63  }
0xa3: {  	_ =	swait.ge [sflag:s8], $0x2800  }
0xa4: {  	[sflag:s8] =	ssyncset.done $0x0  }
0xa5: {  	[sflag:s8] =	ssyncadd.s32 $0xFFFFD800  }
0xa6: {  	[spmem:s1] =	stream.indirect.scatter.add.f32 [tilespmem:s2], [sflag:$0x3], $0x80, s9, s31, $0xb8;
	[tilespmem:$0x1E200] =	vst v63  }
0xa7: {  	_ =	swait.ge [sflag:s10], $0x2800  }
0xa8: {  	[sflag:s10] =	ssyncset.done $0x0  }
0xa9: {  	[sflag:s10] =	ssyncadd.s32 $0xFFFFD800  }
0xaa: {  	v1 =	vld [tilespmem:s16+$0x100];
	_ =	sdelay $0x4  }
0xab: {  	v2 =	vshrl.u32 v1, $0xE  }
0xac: {  	v1 =	vand.u32 $0x3FFF, v1;
	[tilespmem:$0x4000] =	vst v2  }
0xad: {  	[tilespmem:$0x4080] =	vst v1  }
0xae: {  	v1 =	vld [tilespmem:s16+$0x110];
	_ =	sdelay $0x4  }
0xaf: {  	v2 =	vshrl.u32 v1, $0xE  }
0xb0: {  	v1 =	vand.u32 $0x3FFF, v1;
	[tilespmem:$0x4010] =	vst v2  }
0xb1: {  	[tilespmem:$0x4090] =	vst v1  }
0xb2: {  	v1 =	vld [tilespmem:s16+$0x120];
	_ =	sdelay $0x4  }
0xb3: {  	v2 =	vshrl.u32 v1, $0xE  }
0xb4: {  	v1 =	vand.u32 $0x3FFF, v1;
	[tilespmem:$0x4020] =	vst v2  }
0xb5: {  	[tilespmem:$0x40A0] =	vst v1  }
0xb6: {  	v1 =	vld [tilespmem:s16+$0x130];
	_ =	sdelay $0x4  }
0xb7: {  	v2 =	vshrl.u32 v1, $0xE  }
0xb8: {  	v1 =	vand.u32 $0x3FFF, v1;
	[tilespmem:$0x4030] =	vst v2  }
0xb9: {  	[tilespmem:$0x40B0] =	vst v1  }
0xba: {  	s14 =	simm.s32 $0x400;
	v1 =	vld [tilespmem:s16+$0x140]  }
.LBB2_4:
0xbb: {  	_ =	sdelay $0x3  }
0xbc: {  	p0 =	sne.s32 s14, $0xF400;
	s15 =	smov.u32 s14;
	s14 =	sadd.s32 $0x400, s14;
	v2 =	vshrl.u32 v1, $0xE;
	v1 =	vand.u32 $0x3FFF, v1  }
0xbd: {  	[tilespmem:$0x4040] =	vst v2  }
0xbe: {  	[tilespmem:$0x40C0] =	vst v1  }
0xbf: {  	[tilespmem:s2], [sflag:$0x1] =	stream.indirect.gather [hbm4b:s4+s31], $0x80, s0, s31, $0xb8;
	[tilespmem:$0x1E200] =	vst v63  }
0xc0: {  	_ =	swait.ge [sflag:s11], $0x2800  }
0xc1: {  	[sflag:s11] =	ssyncset.done $0x0  }
0xc2: {  	[sflag:s11] =	ssyncadd.s32 $0xFFFFD800  }
0xc3: {  	[spmem:s1] =	stream.indirect.scatter.add.f32 [tilespmem:s7], [sflag:$0x3], $0x80, s12, s31, $0xb8;
	[tilespmem:$0x1E200] =	vst v63  }
0xc4: {  	_ =	swait.ge [sflag:s10], $0x2800  }
0xc5: {  	[sflag:s10] =	ssyncset.done $0x0  }
0xc6: {  	s15 =	sshra.s32 s15, $0x2;
	[sflag:s10] =	ssyncadd.s32 $0xFFFFD800  }
0xc7: {  	v1 =	vld [tilespmem:s15+$0x80];
	_ =	sdelay $0x4  }
0xc8: {  	v2 =	vshrl.u32 v1, $0xE;
	v1 =	vand.u32 $0x3FFF, v1  }
0xc9: {  	[tilespmem:$0x4100] =	vst v2  }
0xca: {  	[tilespmem:$0x4180] =	vst v1  }
0xcb: {  	v1 =	vld [tilespmem:s15+$0x90];
	_ =	sdelay $0x4  }
0xcc: {  	v2 =	vshrl.u32 v1, $0xE;
	v1 =	vand.u32 $0x3FFF, v1  }
0xcd: {  	[tilespmem:$0x4110] =	vst v2  }
0xce: {  	[tilespmem:$0x4190] =	vst v1  }
0xcf: {  	v1 =	vld [tilespmem:s15+$0xA0];
	_ =	sdelay $0x4  }
0xd0: {  	v2 =	vshrl.u32 v1, $0xE;
	v1 =	vand.u32 $0x3FFF, v1  }
0xd1: {  	[tilespmem:$0x4120] =	vst v2  }
0xd2: {  	[tilespmem:$0x41A0] =	vst v1  }
0xd3: {  	v1 =	vld [tilespmem:s15+$0xB0];
	_ =	sdelay $0x4  }
0xd4: {  	v2 =	vshrl.u32 v1, $0xE;
	v1 =	vand.u32 $0x3FFF, v1  }
0xd5: {  	[tilespmem:$0x4130] =	vst v2  }
0xd6: {  	[tilespmem:$0x41B0] =	vst v1  }
0xd7: {  	v1 =	vld [tilespmem:s15+$0xC0];
	_ =	sdelay $0x4  }
0xd8: {  	v2 =	vshrl.u32 v1, $0xE;
	v1 =	vand.u32 $0x3FFF, v1  }
0xd9: {  	[tilespmem:$0x4140] =	vst v2  }
0xda: {  	[tilespmem:$0x41C0] =	vst v1  }
0xdb: {  	[tilespmem:s7], [sflag:$0x2] =	stream.indirect.gather [hbm4b:s4+s31], $0x80, s6, s31, $0xb8;
	[tilespmem:$0x1E200] =	vst v63  }
0xdc: {  	_ =	swait.ge [sflag:s8], $0x2800  }
0xdd: {  	[sflag:s8] =	ssyncset.done $0x0  }
0xde: {  	[sflag:s8] =	ssyncadd.s32 $0xFFFFD800  }
0xdf: {  	[spmem:s1] =	stream.indirect.scatter.add.f32 [tilespmem:s2], [sflag:$0x3], $0x80, s9, s31, $0xb8;
	[tilespmem:$0x1E200] =	vst v63  }
0xe0: {  	_ =	swait.ge [sflag:s10], $0x2800  }
0xe1: {  	[sflag:s10] =	ssyncset.done $0x0  }
0xe2: {  	[sflag:s10] =	ssyncadd.s32 $0xFFFFD800  }
0xe3: {  	v1 =	vld [tilespmem:s15+$0x100];
	_ =	sdelay $0x4  }
0xe4: {  	v2 =	vshrl.u32 v1, $0xE;
	v1 =	vand.u32 $0x3FFF, v1  }
0xe5: {  	[tilespmem:$0x4000] =	vst v2  }
0xe6: {  	[tilespmem:$0x4080] =	vst v1  }
0xe7: {  	v1 =	vld [tilespmem:s15+$0x110];
	_ =	sdelay $0x4  }
0xe8: {  	v2 =	vshrl.u32 v1, $0xE;
	v1 =	vand.u32 $0x3FFF, v1  }
0xe9: {  	[tilespmem:$0x4010] =	vst v2  }
0xea: {  	[tilespmem:$0x4090] =	vst v1  }
0xeb: {  	v1 =	vld [tilespmem:s15+$0x120];
	_ =	sdelay $0x4  }
0xec: {  	v2 =	vshrl.u32 v1, $0xE;
	v1 =	vand.u32 $0x3FFF, v1  }
0xed: {  	[tilespmem:$0x4020] =	vst v2  }
0xee: {  	[tilespmem:$0x40A0] =	vst v1  }
0xef: {  	v1 =	vld [tilespmem:s15+$0x130];
	_ =	sdelay $0x3  }
.Ltmp1:
0xf0: {  	(pc) =	sbr.rel @p0 .LBB2_4-.Ltmp1, $4  }
0xf1: {  	v2 =	vshrl.u32 v1, $0xE;
	v1 =	vand.u32 $0x3FFF, v1  }
0xf2: {  	[tilespmem:$0x4030] =	vst v2  }
0xf3: {  	[tilespmem:$0x40B0] =	vst v1  }
0xf4: {  	v1 =	vld [tilespmem:s15+$0x140]  }
0xf5: {  	_ =	sdelay $0x3  }
0xf6: {  	v2 =	vshrl.u32 v1, $0xE  }
0xf7: {  	v1 =	vand.u32 $0x3FFF, v1;
	[tilespmem:$0x4040] =	vst v2  }
0xf8: {  	[tilespmem:$0x40C0] =	vst v1  }
0xf9: {  	[tilespmem:s2], [sflag:$0x1] =	stream.indirect.gather [hbm4b:s4+s31], $0x80, s0, s31, $0xb8;
	[tilespmem:$0x1E200] =	vst v63  }
0xfa: {  	_ =	swait.ge [sflag:s11], $0x2800  }
0xfb: {  	[sflag:s11] =	ssyncset.done $0x0  }
0xfc: {  	[sflag:s11] =	ssyncadd.s32 $0xFFFFD800  }
0xfd: {  	[spmem:s1] =	stream.indirect.scatter.add.f32 [tilespmem:s7], [sflag:$0x3], $0x80, s12, s31, $0xb8;
	[tilespmem:$0x1E200] =	vst v63  }
0xfe: {  	_ =	swait.ge [sflag:s10], $0x2800  }
0xff: {  	[sflag:s10] =	ssyncset.done $0x0  }
0x100: {  	[sflag:s10] =	ssyncadd.s32 $0xFFFFD800  }
0x101: {  	_ =	swait.ge [sflag:s8], $0x2800  }
0x102: {  	[sflag:s8] =	ssyncset.done $0x0  }
0x103: {  	[sflag:s8] =	ssyncadd.s32 $0xFFFFD800  }
0x104: {  	[spmem:s1] =	stream.indirect.scatter.add.f32 [tilespmem:s2], [sflag:$0x3], $0x80, s9, s31, $0xb8;
	[tilespmem:$0x1E200] =	vst v63  }
0x105: {  	_ =	swait.ge [sflag:s10], $0x2800  }
0x106: {  	[sflag:s10] =	ssyncset.done $0x0  }
0x107: {  	[sflag:s10] =	ssyncadd.s32 $0xFFFFD800  }
0x108: {  	[bflag:$0x0] =	sbarrier.arrive $0xFFFF  }
0x109: {  	[tilespmem:s29], [sflag:$0x4] =	stream.linear.gather [spmem:s5], $0x1000, $0x38;
	[tilespmem:$0x1E200] =	vst v63  }
0x10a: {  	_ =	swait.ge [sflag:s30], $0x1000  }
0x10b: {  	[sflag:s30] =	ssyncset.done $0x0  }
0x10c: {  	s14 =	sadd.s32 $0x0, s25;
	[sflag:s30] =	ssyncadd.s32 $0xFFFFF000  }
0x10d: {  	[hbm4b:s14+s3] =	stream.linear.scatter [tilespmem:s29], [sflag:$0x4], $0x1000, $0x38;
	[tilespmem:$0x1E200] =	vst v63  }
0x10e: {  	_ =	swait.ge [sflag:s30], $0x1000  }
0x10f: {  	s15 =	smov.u32 s5;
	s14 =	simm.s32 $0x200;
	[sflag:s30] =	ssyncset.done $0x0  }
.LBB2_6:
0x110: {  	p0 =	sne.s32 s14, $0x2600;
	[sflag:s30] =	ssyncadd.s32 $0xFFFFF000;
	s15 =	sadd.s32 $0x1000, s15  }
0x111: {  	[tilespmem:s29], [sflag:$0x4] =	stream.linear.gather [spmem:s15], $0x1000, $0x38;
	[tilespmem:$0x1E200] =	vst v63  }
0x112: {  	s16 =	smov.u32 s14;
	s14 =	sadd.s32 $0x200, s14;
	_ =	swait.ge [sflag:s30], $0x1000  }
.Ltmp2:
0x113: {  	[sflag:s30] =	ssyncset.done $0x0;
	(pc) =	sbr.rel @p0 .LBB2_6-.Ltmp2, $4  }
0x114: {  	s16 =	sadd.s32 s16, s25;
	[sflag:s30] =	ssyncadd.s32 $0xFFFFF000  }
0x115: {  	[hbm4b:s16+s3] =	stream.linear.scatter [tilespmem:s29], [sflag:$0x4], $0x1000, $0x38;
	[tilespmem:$0x1E200] =	vst v63  }
0x116: {  	_ =	swait.ge [sflag:s30], $0x1000  }
0x117: {  	[sflag:s30] =	ssyncset.done $0x0  }
0x118: {  	s13 =	sadd.s32 $0x1, s13;
	s14 =	rddreg [dreg:$0x4]  }
0x119: {  	p0 =	sne.s32 s13, s14  }
.Ltmp3:
0x11a: {  	_ = 	snop;
	(pc) =	sbr.rel @p0 .LBB2_1-.Ltmp3, $2  }
0x11b: {  	_ =	sdelay $0x2  }
0x11c: {  	[sflag:s30] =	ssyncadd.s32 $0xFFFFF000  }
0x11d: {  	_ =	sfence.sel $0x180000  }
0x11e: {  	[bflag:$0x0] =	sbarrier.arrive $0xFFFF  }
0x11f: {  	_ =	strace $0x9000004A  }
0x120: {  	s0 =	stileid.u32;
	[bflag:$0x2] =	sbarrier.arrive $0xFFFF  }
0x121: {  	p0 =	sne.s32 s0, $0x0;
	s0 =	rddreg [dreg:$0x2]  }
0x122: {  	s0 =	sadd.s32 @!p0 $0x100000, s0  }
0x123: {  	[sflag:s0] =	ssyncadd.tile.s32 @!p0 $0x1;
	_ =	shalt  }
.Lfunc_end2:
_tile_overlayer_lowered:
.L_overlay_start_2:
0x124: {  	(tag) =	ssettag $0x2  }
0x125: {  	s0 =	rddreg [dreg:$0x0];
	s2 =	stileid.u32  }
0x126: {  	s1 =	rddreg [dreg:$0x1];
	p0 =	sne.s32 s2, $0x0  }
0x127: {  	s3 =	rddreg [dreg:$0x2];
	[bflag:$0x3] =	sbarrier.arrive $0xFFFF;
	s2 =	simm.s32 @!p0 $0x1C04  }
0x128: {  	[timem:s3], [sflag:s2] =	dma.local @!p0 [hbm:s0], s1  }
0x129: {  	s0 =	simm.s32 @!p0 $0x4  }
0x12a: {  	_ =	swait.ge @!p0 [sflag:s0], s1  }
0x12b: {  	s1 =	ssub.s32 @!p0 $0x0, s1;
	[sflag:s0] =	ssyncset.done @!p0 $0x0  }
0x12c: {  	[sflag:s0] =	ssyncadd.s32 @!p0 s1  }
0x12d: {  	[bflag:$0x3] =	sbarrier.arrive $0xFFFF  }
0x12e: {  	_ =	shalt  }

// kernel: kernel.14.cloned.1.call-start
scs
__scs_entry_jumppad:
0x0: {  	(pc) =	sbr.rel $0x88, $3  }
0x1: {  	(tag) =	ssettag $0x0;
	lr =	simm.s32 $0x1  }
0x2: {  	[smem:$0x3F95] =	sst lr;
	_ =	strace $0xD0000000  }
0x3: {  	_ = 	snop  }
0x4: {  	_ = 	snop  }
0x5: {  	_ = 	snop  }
0x6: {  	_ = 	snop  }
0x7: {  	_ = 	snop  }
__scs_overlays_trampoline_lowered:
0x8: {  	[smem:$0x3FA4] =	sst s0  }
0x9: {  	[smem:$0x3FA5] =	sst s1  }
0xa: {  	[smem:$0x3FA6] =	sst s2  }
0xb: {  	[smem:$0x3FA7] =	sst s3  }
0xc: {  	[smem:$0x3FA8] =	sst s4  }
0xd: {  	[smem:$0x3FA9] =	sst s5  }
0xe: {  	[smem:$0x3FAA] =	sst s6  }
0xf: {  	[smem:$0x3FAB] =	sst s7  }
0x10: {  	[smem:$0x3FAC] =	sst s8  }
0x11: {  	[smem:$0x3FAD] =	sst s9;
	s0 =	simm.s32 @!p0 $0x0  }
0x12: {  	s1 =	sld [smem:$0x3F93];
	s0 =	simm.s32 @p0 $0x1  }
0x13: {  	[smem:$0x3FAE] =	sst s0;
	s0 =	simm.s32 @!p1 $0x0  }
0x14: {  	s2 =	sld [smem:$0x3F92];
	s0 =	simm.s32 @p1 $0x1  }
0x15: {  	[smem:$0x3FAF] =	sst s0;
	s0 =	simm.s32 @!p2 $0x0  }
0x16: {  	s3 =	sld [smem:$0x3FDB];
	s0 =	simm.s32 @p2 $0x1  }
0x17: {  	s4 =	simm.s32 $0x1BF5;
	[smem:$0x3FB1] =	sst s0  }
0x18: {  	s0 =	sld [smem:$0x3F94];
	_ =	swait.ge [sflag:s4], $0x0  }
0x19: {  	s7 =	sld [smem:$0x3F95]  }
0x1a: {  	s8 =	sadd.s32 $0xFFFFE003, lr  }
0x1b: {  	s9 =	sadd.s32 $0xFFFFFEF7, lr;
	s5 =	simm.s32 $0xFFFFFFFF;
	p2 =	slt.u32 s8, $0xFFFFF086  }
0x1c: {  	p1 =	slt.u32 s9, $0xF7A;
	s5 =	simm.s32 @!p2 $0x0  }
0x1d: {  	s5 =	simm.s32 @p1 $0x1;
	p0 =	seq.s32 s7, s2  }
0x1e: {  	s7 =	smul.u32 @!p0 $0xF7A, s2;
	p2 =	seq.s32 @!p0 s5, $0x0  }
0x1f: {  	s9 =	smul.u32 $0xF7A, s1;
	s8 =	simm.s32 @!p0 $0x1BF5;
	p2 =	por !p2, p0  }
0x20: {  	[sflag:s8] =	ssyncset.s32 @!p0 $0xFFFFF086;
	s6 =	sadd.s32 @!p0 s3, s7;
	s7 =	simm.s32 @!p0 $0x108  }
0x21: {  	s3 =	sadd.s32 s3, s9;
	s6 =	sadd.s32 @!p0 $0x88, s6;
	s7 =	simm.s32 @p2 $0x1082  }
0x22: {  	[simem:s7], [sflag:s8] =	dma.local @!p0 [hbm:s6], $0xF7A  }
0x23: {  	s9 =	sor.u32 $0xD0000000, s2;
	s6 =	simm.s32 $0x108;
	_ =	swait.ge @!p0 [sflag:s8], $0x0  }
0x24: {  	s3 =	sadd.s32 $0x88, s3;
	s6 =	simm.s32 @!p1 $0x1082;
	[sflag:s4] =	ssyncset.s32 $0xFFFFF086  }
0x25: {  	[simem:s6], [sflag:s4] =	dma.local [hbm:s3], $0xF7A  }
0x26: {  	[smem:$0x3F95] =	sst s1;
	(tag) =	ssettag s2;
	_ =	strace s9  }
0x27: {  	s1 =	sld [smem:$0x3FA5]  }
0x28: {  	s2 =	sld [smem:$0x3FA6]  }
0x29: {  	s4 =	sld [smem:$0x3FA8]  }
0x2a: {  	p0 =	seq.s32 s5, $0x0;
	s5 =	sld [smem:$0x3FA9]  }
0x2b: {  	s6 =	sld [smem:$0x3FAA]  }
0x2c: {  	s7 =	sld [smem:$0x3FAB]  }
0x2d: {  	s3 =	simm.s32 $0x108;
	s8 =	sld [smem:$0x3FAC]  }
0x2e: {  	s3 =	simm.s32 @!p0 $0x1082;
	s9 =	sld [smem:$0x3FAD]  }
0x2f: {  	lr =	sadd.s32 s0, s3;
	s0 =	sld [smem:$0x3FA4]  }
0x30: {  	s3 =	sld [smem:$0x3FA7]  }
0x31: {  	[smem:$0x3FB0] =	sst s10  }
0x32: {  	s10 =	sld [smem:$0x3FAE];
	_ =	sdelay $0x3  }
0x33: {  	p0 =	seq.s32 s10, $0x1;
	s10 =	sld [smem:$0x3FB0];
	_ =	sdelay $0x3  }
0x34: {  	[smem:$0x3FB0] =	sst s10  }
0x35: {  	s10 =	sld [smem:$0x3FAF];
	_ =	sdelay $0x3  }
0x36: {  	p1 =	seq.s32 s10, $0x1;
	s10 =	sld [smem:$0x3FB0];
	_ =	sdelay $0x3  }
0x37: {  	[smem:$0x3FB0] =	sst s10  }
0x38: {  	s10 =	sld [smem:$0x3FB1]  }
0x39: {  	_ = 	snop;
	(pc) =	sbr.ind lr, $3  }
0x3a: {  	_ = 	snop  }
0x3b: {  	_ = 	snop  }
0x3c: {  	p2 =	seq.s32 s10, $0x1;
	s10 =	sld [smem:$0x3FB0]  }
0x3d: {  	_ =	shalt  }
0x3e: {  	_ =	shalt  }
0x3f: {  	_ =	shalt  }
0x40: {  	_ =	shalt  }
0x41: {  	_ =	shalt  }
0x42: {  	_ =	shalt  }
0x43: {  	_ =	shalt  }
0x44: {  	_ =	shalt  }
0x45: {  	_ =	shalt  }
0x46: {  	_ =	shalt  }
0x47: {  	_ =	shalt  }
0x48: {  	_ =	shalt  }
0x49: {  	_ =	shalt  }
0x4a: {  	_ =	shalt  }
0x4b: {  	_ =	shalt  }
0x4c: {  	_ =	shalt  }
0x4d: {  	_ =	shalt  }
0x4e: {  	_ =	shalt  }
0x4f: {  	_ =	shalt  }
0x50: {  	_ =	shalt  }
0x51: {  	_ =	shalt  }
0x52: {  	_ =	shalt  }
0x53: {  	_ =	shalt  }
0x54: {  	_ =	shalt  }
0x55: {  	_ =	shalt  }
0x56: {  	_ =	shalt  }
0x57: {  	_ =	shalt  }
0x58: {  	_ =	shalt  }
0x59: {  	_ =	shalt  }
0x5a: {  	_ =	shalt  }
0x5b: {  	_ =	shalt  }
0x5c: {  	_ =	shalt  }
0x5d: {  	_ =	shalt  }
0x5e: {  	_ =	shalt  }
0x5f: {  	_ =	shalt  }
0x60: {  	_ =	shalt  }
0x61: {  	_ =	shalt  }
0x62: {  	_ =	shalt  }
0x63: {  	_ =	shalt  }
0x64: {  	_ =	shalt  }
0x65: {  	_ =	shalt  }
0x66: {  	_ =	shalt  }
0x67: {  	_ =	shalt  }
0x68: {  	_ =	shalt  }
0x69: {  	_ =	shalt  }
0x6a: {  	_ =	shalt  }
0x6b: {  	_ =	shalt  }
0x6c: {  	_ =	shalt  }
0x6d: {  	_ =	shalt  }
0x6e: {  	_ =	shalt  }
0x6f: {  	_ =	shalt  }
0x70: {  	_ =	shalt  }
0x71: {  	_ =	shalt  }
0x72: {  	_ =	shalt  }
0x73: {  	_ =	shalt  }
0x74: {  	_ =	shalt  }
0x75: {  	_ =	shalt  }
0x76: {  	_ =	shalt  }
0x77: {  	_ =	shalt  }
0x78: {  	_ =	shalt  }
0x79: {  	_ =	shalt  }
0x7a: {  	_ =	shalt  }
0x7b: {  	_ =	shalt  }
0x7c: {  	_ =	shalt  }
0x7d: {  	_ =	shalt  }
0x7e: {  	_ =	shalt  }
0x7f: {  	_ =	shalt  }
0x80: {  	_ =	shalt  }
0x81: {  	_ =	shalt  }
0x82: {  	_ =	shalt  }
0x83: {  	_ =	shalt  }
0x84: {  	_ =	shalt  }
0x85: {  	_ =	shalt  }
0x86: {  	_ =	shalt  }
0x87: {  	_ =	shalt  }
.Lfunc_end0:
.L_simem_size_0:
called_computation.2_lowered:
.L_overlay_start_0:
0x88: {  	s2 =	sld [smem:$0x3FD9]  }
0x89: {  	s3 =	sld [smem:$0x3FFE];
	_ =	sdelay $0x1  }
0x8a: {  	s1 =	srdreg.scid  }
0x8b: {  	s0 =	sand.u32 $0x1, s1  }
0x8c: {  	s16 =	sshll.u32 s0, $0xA;
	s2 =	sadd.s32 s3, s2  }
0x8d: {  	s2 =	sadd.s32 s2, s16  }
0x8e: {  	[smem:$0x3FBC] =	sst s2  }
0x8f: {  	_ = 	snop  }
0x90: {  	(tm) =	ssettm $0x1  }
0x91: {  	s17 =	sld [smem:$0x3FFB];
	_ =	sdelay $0x3  }
0x92: {  	_ =	strace s17  }
0x93: {  	s2 =	sld [smem:$0x3FFC];
	_ =	sdelay $0x3  }
0x94: {  	_ =	strace s2  }
0x95: {  	s2 =	sld [smem:$0x3FFD];
	_ =	sdelay $0x3  }
0x96: {  	_ =	strace s2  }
0x97: {  	_ =	strace $0x8FFFFFFF  }
0x98: {  	s18 =	sld [smem:$0x3FDB];
	_ =	sdelay $0x1  }
0x99: {  	s19 =	simm.s32 $_scs_section_size  }
0x9a: {  	s4 =	simm.s32 $_size__tile_overlayer_lowered;
	s5 =	simm.s32 $_tile_overlayer_lowered  }
0x9b: {  	s22 =	simm.s32 $0x1BFF;
	s21 =	sshll.u32 s5, $0x1;
	s2 =	sadd.s32 s19, s18  }
0x9c: {  	s6 =	simm.s32 $0x0;
	s20 =	sshll.u32 s4, $0x1;
	s4 =	sadd.s32 s21, s2  }
0x9d: {  	[timem:s6], [sflag:s22] =	dma.local [hbm:s4], s20  }
0x9e: {  	_ =	swait.ge [sflag:s22], s20  }
0x9f: {  	s3 =	ssub.s32 $0x0, s20;
	[sflag:s22] =	ssyncset.done $0x0  }
0xa0: {  	[sflag:s22] =	ssyncadd.s32 s3;
	_ =	sdelay $0x1  }
0xa1: {  	s23 =	simm.s32 $0x1B8B  }
0xa2: {  	_ =	swait.ge [sflag:s23], $0x1  }
0xa3: {  	[sflag:s23] =	ssyncset.done $0x0  }
0xa4: {  	s25 =	simm.s32 $0x1B8E;
	s24 =	sld [smem:$0x3FFE];
	[sflag:s23] =	ssyncadd.s32 $0xFFFFFFFF  }
0xa5: {  	s26 =	simm.s32 $execute0_lowered;
	[smem:$0x3FD2] =	sst s25  }
0xa6: {  	s4 =	sshll.u32 s26, $0x1;
	_ =	strace $0x8000004C;
	[dreg:$0x1] =	wrdreg $0xFFFFFFFF  }
0xa7: {  	s28 =	simm.s32 $_size_execute0_lowered;
	s2 =	sadd.s32 s2, s4;
	[dreg:$0x0] =	wrdreg $0x0  }
0xa8: {  	s4 =	sshll.u32 s28, $0x1;
	[dreg:$0x2] =	wrdreg s2  }
0xa9: {  	[dreg:$0x3] =	wrdreg s4  }
0xaa: {  	[dreg:$0x4] =	wrdreg $0xC0  }
0xab: {  	_ =	task [dreg:s6], $0x5FFFF  }
0xac: {  	[dreg:$0x1] =	wrdreg $0xFFFFFFFF  }
0xad: {  	[dreg:$0x0] =	wrdreg $0x60  }
0xae: {  	[dreg:$0x2] =	wrdreg s24  }
0xaf: {  	[dreg:$0x3] =	wrdreg $0xA2000  }
0xb0: {  	[dreg:$0x4] =	wrdreg $0x9  }
0xb1: {  	_ =	task.clear_ibuf [dreg:s6], $0x5FFFF;
	_ =	strace $0x9000004C  }
0xb2: {  	s29 =	simm.s32 $0x9;
	_ =	strace $0x8000004E  }
0xb3: {  	_ =	swait.ge [sflag:s29], $0x1  }
0xb4: {  	[sflag:s29] =	ssyncadd.s32 $0xFFFFFFFF  }
0xb5: {  	_ =	strace $0x9000004E  }
0xb6: {  	_ =	sfence  }
0xb7: {  	s30 =	sld [smem:$0x0];
	_ =	sdelay $0x2  }
0xb8: {  	s31 =	sshll.u32 s1, $0xD;
	s1 =	sshrl.u32 s1, $0x2  }
0xb9: {  	s3 =	sand.u32 $0x4000, s31;
	s1 =	sadd.s32 s1, s30  }
0xba: {  	s0 =	sor.u32 s3, s0;
	s1 =	sshll.u32 s1, $0x11  }
0xbb: {  	s0 =	sor.u32 s1, s0  }
0xbc: {  	s0 =	sadd.s32 $0x8F2B, s0  }
0xbd: {  	[sflag:s0] =	ssyncadd.remote.s32 $0x1  }
0xbe: {  	_ =	sfence.sel $0xFFFF  }
0xbf: {  	[dreg:$0x0] =	wrdreg $0xFFFFFFFF;
	(pc) =	sbr.abs _section_cstart, $3  }
0xc0: {  	[dreg:$0x1] =	wrdreg $0xFFFFFFFF  }
0xc1: {  	_ =	task.clear_ibuf [dreg:s6], $0x2FFFF;
	_ =	strace $0x9FFFFFFF  }
0xc2: {  	(tm) =	ssettm $0x7FFFFFFF  }
0xc3: {  	_ =	shalt  }
tec
execute0_lowered:
.L_overlay_start_1:
0x0: {  	(tag) =	ssettag $0x1  }
0x1: {  	s0 =	rddreg [dreg:$0x0]  }
0x2: {  	s1 =	rddreg [dreg:$0x1];
	s2 =	srdreg.scid;
	s3 =	simm.s32 $0x0  }
0x3: {  	s8 =	stileid.u32;
	s29 =	simm.s32 $0x9200;
	s30 =	simm.s32 $0x4  }
0x4: {  	s31 =	simm.s32 $0x50;
	s9 =	simm.s32 $0x4080;
	s6 =	smul.u32 $0x14000, s8  }
0x5: {  	s2 =	sand.u32 $0x1, s2;
	[smem:$0x7FF] =	sst s3;
	s14 =	smul.u32 $0x50000, s8  }
0x6: {  	s4 =	sadd.s32 $0x23600, s0;
	s8 =	sshll.u32 s8, $0xC;
	s5 =	smul.u32 $0x140000, s2  }
0x7: {  	_ =	strace $0x8000004D;
	s7 =	sshll.u32 s2, $0xB;
	s2 =	ssub.s32 $0x2, s2  }
0x8: {  	s7 =	sadd.s32 s7, s0;
	s15 =	sshrl.u32 s2, $0x1;
	s16 =	sshrl.u32 s14, $0x2  }
0x9: {  	s5 =	sadd.s32 s6, s5;
	s2 =	ssub.s32 s2, s15;
	s17 =	sadd.s32 s8, s7  }
0xa: {  	s5 =	sshrl.u32 s5, $0x3;
	s6 =	sadd.s32 $0x13600, s17;
	s2 =	smax.u32 s2, $0x1  }
0xb: {  	s0 =	sadd.s32 s5, s0;
	s5 =	sadd.s32 s16, s1;
	[dreg:$0x3] =	wrdreg s6  }
0xc: {  	s10 =	simm.s32 $0x3;
	[dreg:$0x4] =	wrdreg s2;
	s18 =	sadd.s32 $0x1000, s5  }
0xd: {  	s11 =	simm.s32 $0x2;
	s19 =	sadd.s32 $0x2000, s5;
	[dreg:$0x5] =	wrdreg s18  }
0xe: {  	s12 =	simm.s32 $0x4180;
	s20 =	sadd.s32 $0x3000, s5;
	[dreg:$0x6] =	wrdreg s19  }
0xf: {  	s13 =	simm.s32 $0x0;
	s21 =	sadd.s32 $0x4000, s5;
	[dreg:$0x7] =	wrdreg s20  }
0x10: {  	s7 =	simm.s32 $0x6A00;
	s22 =	sadd.s32 $0x5000, s5;
	[dreg:$0x8] =	wrdreg s21  }
0x11: {  	s8 =	simm.s32 $0x1;
	s23 =	sadd.s32 $0x6000, s5;
	[dreg:$0x9] =	wrdreg s22  }
0x12: {  	s2 =	simm.s32 $0x4200;
	s24 =	sadd.s32 $0x7000, s5;
	[dreg:$0xa] =	wrdreg s23  }
0x13: {  	s6 =	simm.s32 $0x4100;
	s25 =	sadd.s32 $0x8000, s5;
	[dreg:$0xb] =	wrdreg s24  }
0x14: {  	s26 =	sadd.s32 $0x9000, s5;
	s17 =	sadd.s32 $0xA000, s5;
	[dreg:$0xc] =	wrdreg s25  }
0x15: {  	s28 =	sadd.s32 $0x13000, s5;
	[dreg:$0xd] =	wrdreg s26;
	s18 =	sadd.s32 $0xB000, s5  }
0x16: {  	s19 =	sadd.s32 $0xC000, s5;
	s20 =	sadd.s32 $0xD000, s5;
	s21 =	sadd.s32 $0xE000, s5  }
0x17: {  	s22 =	sadd.s32 $0xF000, s5;
	s23 =	sadd.s32 $0x10000, s5;
	s24 =	sadd.s32 $0x11000, s5  }
0x18: {  	v0 =	vimm.f32 $0.0e+00;
	s25 =	sadd.s32 $0x4B600, s0;
	s26 =	sadd.s32 $0x12000, s5;
	s0 =	simm.s32 $0x4000  }
.LBB2_1:
0x19: {  	s14 =	simm.s32 $0x0;
	s15 =	simm.s32 $0x200  }
.LBB2_2:
0x1a: {  	p0 =	sne.s32 s15, $0x3E00;
	[tilespmem:s14+$0x9270] =	vst v0  }
0x1b: {  	[tilespmem:s14+$0x9200] =	vst v0  }
0x1c: {  	[tilespmem:s14+$0x9210] =	vst v0  }
.Ltmp0:
0x1d: {  	[tilespmem:s14+$0x9220] =	vst v0;
	(pc) =	sbr.rel @p0 .LBB2_2-.Ltmp0, $4  }
0x1e: {  	[tilespmem:s14+$0x9230] =	vst v0  }
0x1f: {  	[tilespmem:s14+$0x9240] =	vst v0  }
0x20: {  	[tilespmem:s14+$0x9250] =	vst v0  }
0x21: {  	[tilespmem:s14+$0x9260] =	vst v0;
	s14 =	sshra.s32 s15, $0x2;
	s15 =	sadd.s32 $0x200, s15  }
0x22: {  	[tilespmem:s14+$0x9270] =	vst v0  }
0x23: {  	[tilespmem:s14+$0x9200] =	vst v0  }
0x24: {  	[tilespmem:s14+$0x9210] =	vst v0  }
0x25: {  	[tilespmem:s14+$0x9220] =	vst v0  }
0x26: {  	[tilespmem:s14+$0x9230] =	vst v0  }
0x27: {  	[tilespmem:s14+$0x9240] =	vst v0  }
0x28: {  	[tilespmem:s14+$0x9250] =	vst v0  }
0x29: {  	[tilespmem:s14+$0x9260] =	vst v0  }
0x2a: {  	[spmem:s5] =	stream.linear.scatter [tilespmem:s29], [sflag:$0x4], $0x1000, $0x38;
	[tilespmem:$0x1E200] =	vst v63  }
0x2b: {  	_ =	swait.ge [sflag:s30], $0x1000  }
0x2c: {  	[sflag:s30] =	ssyncset.done $0x0  }
0x2d: {  	s15 =	rddreg [dreg:$0x5];
	[sflag:s30] =	ssyncadd.s32 $0xFFFFF000  }
0x2e: {  	[spmem:s15] =	stream.linear.scatter [tilespmem:s29], [sflag:$0x4], $0x1000, $0x38;
	[tilespmem:$0x1E200] =	vst v63  }
0x2f: {  	_ =	swait.ge [sflag:s30], $0x1000  }
0x30: {  	[sflag:s30] =	ssyncset.done $0x0  }
0x31: {  	s16 =	rddreg [dreg:$0x6];
	[sflag:s30] =	ssyncadd.s32 $0xFFFFF000  }
0x32: {  	[spmem:s16] =	stream.linear.scatter [tilespmem:s29], [sflag:$0x4], $0x1000, $0x38;
	[tilespmem:$0x1E200] =	vst v63  }
0x33: {  	_ =	swait.ge [sflag:s30], $0x1000  }
0x34: {  	[sflag:s30] =	ssyncset.done $0x0  }
0x35: {  	s15 =	rddreg [dreg:$0x7];
	[sflag:s30] =	ssyncadd.s32 $0xFFFFF000  }
0x36: {  	[spmem:s15] =	stream.linear.scatter [tilespmem:s29], [sflag:$0x4], $0x1000, $0x38;
	[tilespmem:$0x1E200] =	vst v63  }
0x37: {  	_ =	swait.ge [sflag:s30], $0x1000  }
0x38: {  	[sflag:s30] =	ssyncset.done $0x0  }
0x39: {  	s16 =	rddreg [dreg:$0x8];
	[sflag:s30] =	ssyncadd.s32 $0xFFFFF000  }
0x3a: {  	[spmem:s16] =	stream.linear.scatter [tilespmem:s29], [sflag:$0x4], $0x1000, $0x38;
	[tilespmem:$0x1E200] =	vst v63  }
0x3b: {  	_ =	swait.ge [sflag:s30], $0x1000  }
0x3c: {  	[sflag:s30] =	ssyncset.done $0x0  }
0x3d: {  	s15 =	rddreg [dreg:$0x9];
	[sflag:s30] =	ssyncadd.s32 $0xFFFFF000  }
0x3e: {  	[spmem:s15] =	stream.linear.scatter [tilespmem:s29], [sflag:$0x4], $0x1000, $0x38;
	[tilespmem:$0x1E200] =	vst v63  }
0x3f: {  	_ =	swait.ge [sflag:s30], $0x1000  }
0x40: {  	[sflag:s30] =	ssyncset.done $0x0  }
0x41: {  	s16 =	rddreg [dreg:$0xa];
	[sflag:s30] =	ssyncadd.s32 $0xFFFFF000  }
0x42: {  	[spmem:s16] =	stream.linear.scatter [tilespmem:s29], [sflag:$0x4], $0x1000, $0x38;
	[tilespmem:$0x1E200] =	vst v63  }
0x43: {  	_ =	swait.ge [sflag:s30], $0x1000  }
0x44: {  	[sflag:s30] =	ssyncset.done $0x0  }
0x45: {  	s15 =	rddreg [dreg:$0xb];
	[sflag:s30] =	ssyncadd.s32 $0xFFFFF000  }
0x46: {  	[spmem:s15] =	stream.linear.scatter [tilespmem:s29], [sflag:$0x4], $0x1000, $0x38;
	[tilespmem:$0x1E200] =	vst v63  }
0x47: {  	_ =	swait.ge [sflag:s30], $0x1000  }
0x48: {  	[sflag:s30] =	ssyncset.done $0x0  }
0x49: {  	s16 =	rddreg [dreg:$0xc];
	[sflag:s30] =	ssyncadd.s32 $0xFFFFF000  }
0x4a: {  	[spmem:s16] =	stream.linear.scatter [tilespmem:s29], [sflag:$0x4], $0x1000, $0x38;
	[tilespmem:$0x1E200] =	vst v63  }
0x4b: {  	_ =	swait.ge [sflag:s30], $0x1000  }
0x4c: {  	[sflag:s30] =	ssyncset.done $0x0  }
0x4d: {  	s15 =	rddreg [dreg:$0xd];
	[sflag:s30] =	ssyncadd.s32 $0xFFFFF000  }
0x4e: {  	[spmem:s15] =	stream.linear.scatter [tilespmem:s29], [sflag:$0x4], $0x1000, $0x38;
	[tilespmem:$0x1E200] =	vst v63  }
0x4f: {  	_ =	swait.ge [sflag:s30], $0x1000  }
0x50: {  	[sflag:s30] =	ssyncset.done $0x0  }
0x51: {  	[sflag:s30] =	ssyncadd.s32 $0xFFFFF000  }
0x52: {  	[spmem:s17] =	stream.linear.scatter [tilespmem:s29], [sflag:$0x4], $0x1000, $0x38;
	[tilespmem:$0x1E200] =	vst v63  }
0x53: {  	_ =	swait.ge [sflag:s30], $0x1000  }
0x54: {  	[sflag:s30] =	ssyncset.done $0x0  }
0x55: {  	[sflag:s30] =	ssyncadd.s32 $0xFFFFF000  }
0x56: {  	[spmem:s18] =	stream.linear.scatter [tilespmem:s29], [sflag:$0x4], $0x1000, $0x38;
	[tilespmem:$0x1E200] =	vst v63  }
0x57: {  	_ =	swait.ge [sflag:s30], $0x1000  }
0x58: {  	[sflag:s30] =	ssyncset.done $0x0  }
0x59: {  	[sflag:s30] =	ssyncadd.s32 $0xFFFFF000  }
0x5a: {  	[spmem:s19] =	stream.linear.scatter [tilespmem:s29], [sflag:$0x4], $0x1000, $0x38;
	[tilespmem:$0x1E200] =	vst v63  }
0x5b: {  	_ =	swait.ge [sflag:s30], $0x1000  }
0x5c: {  	[sflag:s30] =	ssyncset.done $0x0  }
0x5d: {  	[sflag:s30] =	ssyncadd.s32 $0xFFFFF000  }
0x5e: {  	[spmem:s20] =	stream.linear.scatter [tilespmem:s29], [sflag:$0x4], $0x1000, $0x38;
	[tilespmem:$0x1E200] =	vst v63  }
0x5f: {  	_ =	swait.ge [sflag:s30], $0x1000  }
0x60: {  	[sflag:s30] =	ssyncset.done $0x0  }
0x61: {  	[sflag:s30] =	ssyncadd.s32 $0xFFFFF000  }
0x62: {  	[spmem:s21] =	stream.linear.scatter [tilespmem:s29], [sflag:$0x4], $0x1000, $0x38;
	[tilespmem:$0x1E200] =	vst v63  }
0x63: {  	_ =	swait.ge [sflag:s30], $0x1000  }
0x64: {  	[sflag:s30] =	ssyncset.done $0x0  }
0x65: {  	[sflag:s30] =	ssyncadd.s32 $0xFFFFF000  }
0x66: {  	[spmem:s22] =	stream.linear.scatter [tilespmem:s29], [sflag:$0x4], $0x1000, $0x38;
	[tilespmem:$0x1E200] =	vst v63  }
0x67: {  	_ =	swait.ge [sflag:s30], $0x1000  }
0x68: {  	[sflag:s30] =	ssyncset.done $0x0  }
0x69: {  	[sflag:s30] =	ssyncadd.s32 $0xFFFFF000  }
0x6a: {  	[spmem:s23] =	stream.linear.scatter [tilespmem:s29], [sflag:$0x4], $0x1000, $0x38;
	[tilespmem:$0x1E200] =	vst v63  }
0x6b: {  	_ =	swait.ge [sflag:s30], $0x1000  }
0x6c: {  	[sflag:s30] =	ssyncset.done $0x0  }
0x6d: {  	[sflag:s30] =	ssyncadd.s32 $0xFFFFF000  }
0x6e: {  	[spmem:s24] =	stream.linear.scatter [tilespmem:s29], [sflag:$0x4], $0x1000, $0x38;
	[tilespmem:$0x1E200] =	vst v63  }
0x6f: {  	_ =	swait.ge [sflag:s30], $0x1000  }
0x70: {  	[sflag:s30] =	ssyncset.done $0x0  }
0x71: {  	[sflag:s30] =	ssyncadd.s32 $0xFFFFF000  }
0x72: {  	[spmem:s26] =	stream.linear.scatter [tilespmem:s29], [sflag:$0x4], $0x1000, $0x38;
	[tilespmem:$0x1E200] =	vst v63  }
0x73: {  	_ =	swait.ge [sflag:s30], $0x1000  }
0x74: {  	[sflag:s30] =	ssyncset.done $0x0  }
0x75: {  	[sflag:s30] =	ssyncadd.s32 $0xFFFFF000  }
0x76: {  	[spmem:s28] =	stream.linear.scatter [tilespmem:s29], [sflag:$0x4], $0x1000, $0x38;
	[tilespmem:$0x1E200] =	vst v63  }
0x77: {  	_ =	swait.ge [sflag:s30], $0x1000  }
0x78: {  	[sflag:s30] =	ssyncset.done $0x0  }
0x79: {  	s16 =	simm.s32 $0x0;
	s15 =	rddreg [dreg:$0x3];
	[sflag:s30] =	ssyncadd.s32 $0xFFFFF000  }
0x7a: {  	[tilespmem:s16], [sflag:$0x4] =	stream.linear.gather [hbm4b:s15+s16], $0x3E80, $0x38;
	[tilespmem:$0x1E200] =	vst v63  }
0x7b: {  	_ =	swait.ge [sflag:s30], $0x3E80  }
0x7c: {  	[sflag:s30] =	ssyncset.done $0x0  }
0x7d: {  	[sflag:s30] =	ssyncadd.s32 $0xFFFFC180  }
0x7e: {  	[bflag:$0x0] =	sbarrier.arrive $0xFFFF  }
0x7f: {  	v1 =	vld [tilespmem:$0x0];
	_ =	sdelay $0x1  }
0x80: {  	v2 =	vld [tilespmem:$0x10];
	_ =	sdelay $0x1  }
0x81: {  	v3 =	vld [tilespmem:$0x20]  }
0x82: {  	v4 =	vshrl.u32 v1, $0xE  }
0x83: {  	v63 =	vld [tilespmem:$0x30];
	v1 =	vand.u32 $0x3FFF, v1;
	[tilespmem:$0x4000] =	vst v4  }
0x84: {  	[tilespmem:$0x4080] =	vst v1;
	v1 =	vshrl.u32 v2, $0xE  }
0x85: {  	[tilespmem:$0x4010] =	vst v1;
	v1 =	vand.u32 $0x3FFF, v2;
	v2 =	vld [tilespmem:$0x40]  }
0x86: {  	[tilespmem:$0x4090] =	vst v1;
	v1 =	vshrl.u32 v3, $0xE  }
0x87: {  	[tilespmem:$0x4020] =	vst v1;
	v1 =	vand.u32 $0x3FFF, v3  }
0x88: {  	[tilespmem:$0x40A0] =	vst v1;
	v1 =	vshrl.u32 v63, $0xE  }
0x89: {  	[tilespmem:$0x4030] =	vst v1;
	v1 =	vand.u32 $0x3FFF, v63  }
0x8a: {  	[tilespmem:$0x40B0] =	vst v1;
	v1 =	vshrl.u32 v2, $0xE  }
0x8b: {  	[tilespmem:$0x4040] =	vst v1;
	v1 =	vand.u32 $0x3FFF, v2  }
0x8c: {  	s16 =	simm.s32 $0x0;
	[tilespmem:$0x40C0] =	vst v1  }
0x8d: {  	[tilespmem:s2], [sflag:$0x1] =	stream.indirect.gather [hbm4b:s4+s31], $0x80, s0, s31, $0xb8;
	[tilespmem:$0x1E200] =	vst v63  }
0x8e: {  	v1 =	vld [tilespmem:s16+$0x80];
	_ =	sdelay $0x4  }
0x8f: {  	v2 =	vshrl.u32 v1, $0xE  }
0x90: {  	v1 =	vand.u32 $0x3FFF, v1;
	[tilespmem:$0x4100] =	vst v2  }
0x91: {  	[tilespmem:$0x4180] =	vst v1  }
0x92: {  	v1 =	vld [tilespmem:s16+$0x90];
	_ =	sdelay $0x4  }
0x93: {  	v2 =	vshrl.u32 v1, $0xE  }
0x94: {  	v1 =	vand.u32 $0x3FFF, v1;
	[tilespmem:$0x4110] =	vst v2  }
0x95: {  	[tilespmem:$0x4190] =	vst v1  }
0x96: {  	v1 =	vld [tilespmem:s16+$0xA0];
	_ =	sdelay $0x4  }
0x97: {  	v2 =	vshrl.u32 v1, $0xE  }
0x98: {  	v1 =	vand.u32 $0x3FFF, v1;
	[tilespmem:$0x4120] =	vst v2  }
0x99: {  	[tilespmem:$0x41A0] =	vst v1  }
0x9a: {  	v1 =	vld [tilespmem:s16+$0xB0];
	_ =	sdelay $0x4  }
0x9b: {  	v2 =	vshrl.u32 v1, $0xE  }
0x9c: {  	v1 =	vand.u32 $0x3FFF, v1;
	[tilespmem:$0x4130] =	vst v2  }
0x9d: {  	[tilespmem:$0x41B0] =	vst v1  }
0x9e: {  	v1 =	vld [tilespmem:s16+$0xC0];
	_ =	sdelay $0x4  }
0x9f: {  	v2 =	vshrl.u32 v1, $0xE  }
0xa0: {  	v1 =	vand.u32 $0x3FFF, v1;
	[tilespmem:$0x4140] =	vst v2  }
0xa1: {  	[tilespmem:$0x41C0] =	vst v1  }
0xa2: {  	[tilespmem:s7], [sflag:$0x2] =	stream.indirect.gather [hbm4b:s4+s31], $0x80, s6, s31, $0xb8;
	[tilespmem:$0x1E200] =	vst v63  }
0xa3: {  	_ =	swait.ge [sflag:s8], $0x2800  }
0xa4: {  	[sflag:s8] =	ssyncset.done $0x0  }
0xa5: {  	[sflag:s8] =	ssyncadd.s32 $0xFFFFD800  }
0xa6: {  	[spmem:s1] =	stream.indirect.scatter.add.f32 [tilespmem:s2], [sflag:$0x3], $0x80, s9, s31, $0xb8;
	[tilespmem:$0x1E200] =	vst v63  }
0xa7: {  	_ =	swait.ge [sflag:s10], $0x2800  }
0xa8: {  	[sflag:s10] =	ssyncset.done $0x0  }
0xa9: {  	[sflag:s10] =	ssyncadd.s32 $0xFFFFD800  }
0xaa: {  	v1 =	vld [tilespmem:s16+$0x100];
	_ =	sdelay $0x4  }
0xab: {  	v2 =	vshrl.u32 v1, $0xE  }
0xac: {  	v1 =	vand.u32 $0x3FFF, v1;
	[tilespmem:$0x4000] =	vst v2  }
0xad: {  	[tilespmem:$0x4080] =	vst v1  }
0xae: {  	v1 =	vld [tilespmem:s16+$0x110];
	_ =	sdelay $0x4  }
0xaf: {  	v2 =	vshrl.u32 v1, $0xE  }
0xb0: {  	v1 =	vand.u32 $0x3FFF, v1;
	[tilespmem:$0x4010] =	vst v2  }
0xb1: {  	[tilespmem:$0x4090] =	vst v1  }
0xb2: {  	v1 =	vld [tilespmem:s16+$0x120];
	_ =	sdelay $0x4  }
0xb3: {  	v2 =	vshrl.u32 v1, $0xE  }
0xb4: {  	v1 =	vand.u32 $0x3FFF, v1;
	[tilespmem:$0x4020] =	vst v2  }
0xb5: {  	[tilespmem:$0x40A0] =	vst v1  }
0xb6: {  	v1 =	vld [tilespmem:s16+$0x130];
	_ =	sdelay $0x4  }
0xb7: {  	v2 =	vshrl.u32 v1, $0xE  }
0xb8: {  	v1 =	vand.u32 $0x3FFF, v1;
	[tilespmem:$0x4030] =	vst v2  }
0xb9: {  	[tilespmem:$0x40B0] =	vst v1  }
0xba: {  	s14 =	simm.s32 $0x400;
	v1 =	vld [tilespmem:s16+$0x140]  }
.LBB2_4:
0xbb: {  	_ =	sdelay $0x3  }
0xbc: {  	p0 =	sne.s32 s14, $0xF400;
	s15 =	smov.u32 s14;
	s14 =	sadd.s32 $0x400, s14;
	v2 =	vshrl.u32 v1, $0xE;
	v1 =	vand.u32 $0x3FFF, v1  }
0xbd: {  	[tilespmem:$0x4040] =	vst v2  }
0xbe: {  	[tilespmem:$0x40C0] =	vst v1  }
0xbf: {  	[tilespmem:s2], [sflag:$0x1] =	stream.indirect.gather [hbm4b:s4+s31], $0x80, s0, s31, $0xb8;
	[tilespmem:$0x1E200] =	vst v63  }
0xc0: {  	_ =	swait.ge [sflag:s11], $0x2800  }
0xc1: {  	[sflag:s11] =	ssyncset.done $0x0  }
0xc2: {  	[sflag:s11] =	ssyncadd.s32 $0xFFFFD800  }
0xc3: {  	[spmem:s1] =	stream.indirect.scatter.add.f32 [tilespmem:s7], [sflag:$0x3], $0x80, s12, s31, $0xb8;
	[tilespmem:$0x1E200] =	vst v63  }
0xc4: {  	_ =	swait.ge [sflag:s10], $0x2800  }
0xc5: {  	[sflag:s10] =	ssyncset.done $0x0  }
0xc6: {  	s15 =	sshra.s32 s15, $0x2;
	[sflag:s10] =	ssyncadd.s32 $0xFFFFD800  }
0xc7: {  	v1 =	vld [tilespmem:s15+$0x80];
	_ =	sdelay $0x4  }
0xc8: {  	v2 =	vshrl.u32 v1, $0xE;
	v1 =	vand.u32 $0x3FFF, v1  }
0xc9: {  	[tilespmem:$0x4100] =	vst v2  }
0xca: {  	[tilespmem:$0x4180] =	vst v1  }
0xcb: {  	v1 =	vld [tilespmem:s15+$0x90];
	_ =	sdelay $0x4  }
0xcc: {  	v2 =	vshrl.u32 v1, $0xE;
	v1 =	vand.u32 $0x3FFF, v1  }
0xcd: {  	[tilespmem:$0x4110] =	vst v2  }
0xce: {  	[tilespmem:$0x4190] =	vst v1  }
0xcf: {  	v1 =	vld [tilespmem:s15+$0xA0];
	_ =	sdelay $0x4  }
0xd0: {  	v2 =	vshrl.u32 v1, $0xE;
	v1 =	vand.u32 $0x3FFF, v1  }
0xd1: {  	[tilespmem:$0x4120] =	vst v2  }
0xd2: {  	[tilespmem:$0x41A0] =	vst v1  }
0xd3: {  	v1 =	vld [tilespmem:s15+$0xB0];
	_ =	sdelay $0x4  }
0xd4: {  	v2 =	vshrl.u32 v1, $0xE;
	v1 =	vand.u32 $0x3FFF, v1  }
0xd5: {  	[tilespmem:$0x4130] =	vst v2  }
0xd6: {  	[tilespmem:$0x41B0] =	vst v1  }
0xd7: {  	v1 =	vld [tilespmem:s15+$0xC0];
	_ =	sdelay $0x4  }
0xd8: {  	v2 =	vshrl.u32 v1, $0xE;
	v1 =	vand.u32 $0x3FFF, v1  }
0xd9: {  	[tilespmem:$0x4140] =	vst v2  }
0xda: {  	[tilespmem:$0x41C0] =	vst v1  }
0xdb: {  	[tilespmem:s7], [sflag:$0x2] =	stream.indirect.gather [hbm4b:s4+s31], $0x80, s6, s31, $0xb8;
	[tilespmem:$0x1E200] =	vst v63  }
0xdc: {  	_ =	swait.ge [sflag:s8], $0x2800  }
0xdd: {  	[sflag:s8] =	ssyncset.done $0x0  }
0xde: {  	[sflag:s8] =	ssyncadd.s32 $0xFFFFD800  }
0xdf: {  	[spmem:s1] =	stream.indirect.scatter.add.f32 [tilespmem:s2], [sflag:$0x3], $0x80, s9, s31, $0xb8;
	[tilespmem:$0x1E200] =	vst v63  }
0xe0: {  	_ =	swait.ge [sflag:s10], $0x2800  }
0xe1: {  	[sflag:s10] =	ssyncset.done $0x0  }
0xe2: {  	[sflag:s10] =	ssyncadd.s32 $0xFFFFD800  }
0xe3: {  	v1 =	vld [tilespmem:s15+$0x100];
	_ =	sdelay $0x4  }
0xe4: {  	v2 =	vshrl.u32 v1, $0xE;
	v1 =	vand.u32 $0x3FFF, v1  }
0xe5: {  	[tilespmem:$0x4000] =	vst v2  }
0xe6: {  	[tilespmem:$0x4080] =	vst v1  }
0xe7: {  	v1 =	vld [tilespmem:s15+$0x110];
	_ =	sdelay $0x4  }
0xe8: {  	v2 =	vshrl.u32 v1, $0xE;
	v1 =	vand.u32 $0x3FFF, v1  }
0xe9: {  	[tilespmem:$0x4010] =	vst v2  }
0xea: {  	[tilespmem:$0x4090] =	vst v1  }
0xeb: {  	v1 =	vld [tilespmem:s15+$0x120];
	_ =	sdelay $0x4  }
0xec: {  	v2 =	vshrl.u32 v1, $0xE;
	v1 =	vand.u32 $0x3FFF, v1  }
0xed: {  	[tilespmem:$0x4020] =	vst v2  }
0xee: {  	[tilespmem:$0x40A0] =	vst v1  }
0xef: {  	v1 =	vld [tilespmem:s15+$0x130];
	_ =	sdelay $0x3  }
.Ltmp1:
0xf0: {  	(pc) =	sbr.rel @p0 .LBB2_4-.Ltmp1, $4  }
0xf1: {  	v2 =	vshrl.u32 v1, $0xE;
	v1 =	vand.u32 $0x3FFF, v1  }
0xf2: {  	[tilespmem:$0x4030] =	vst v2  }
0xf3: {  	[tilespmem:$0x40B0] =	vst v1  }
0xf4: {  	v1 =	vld [tilespmem:s15+$0x140]  }
0xf5: {  	_ =	sdelay $0x3  }
0xf6: {  	v2 =	vshrl.u32 v1, $0xE  }
0xf7: {  	v1 =	vand.u32 $0x3FFF, v1;
	[tilespmem:$0x4040] =	vst v2  }
0xf8: {  	[tilespmem:$0x40C0] =	vst v1  }
0xf9: {  	[tilespmem:s2], [sflag:$0x1] =	stream.indirect.gather [hbm4b:s4+s31], $0x80, s0, s31, $0xb8;
	[tilespmem:$0x1E200] =	vst v63  }
0xfa: {  	_ =	swait.ge [sflag:s11], $0x2800  }
0xfb: {  	[sflag:s11] =	ssyncset.done $0x0  }
0xfc: {  	[sflag:s11] =	ssyncadd.s32 $0xFFFFD800  }
0xfd: {  	[spmem:s1] =	stream.indirect.scatter.add.f32 [tilespmem:s7], [sflag:$0x3], $0x80, s12, s31, $0xb8;
	[tilespmem:$0x1E200] =	vst v63  }
0xfe: {  	_ =	swait.ge [sflag:s10], $0x2800  }
0xff: {  	[sflag:s10] =	ssyncset.done $0x0  }
0x100: {  	[sflag:s10] =	ssyncadd.s32 $0xFFFFD800  }
0x101: {  	_ =	swait.ge [sflag:s8], $0x2800  }
0x102: {  	[sflag:s8] =	ssyncset.done $0x0  }
0x103: {  	[sflag:s8] =	ssyncadd.s32 $0xFFFFD800  }
0x104: {  	[spmem:s1] =	stream.indirect.scatter.add.f32 [tilespmem:s2], [sflag:$0x3], $0x80, s9, s31, $0xb8;
	[tilespmem:$0x1E200] =	vst v63  }
0x105: {  	_ =	swait.ge [sflag:s10], $0x2800  }
0x106: {  	[sflag:s10] =	ssyncset.done $0x0  }
0x107: {  	[sflag:s10] =	ssyncadd.s32 $0xFFFFD800  }
0x108: {  	[bflag:$0x0] =	sbarrier.arrive $0xFFFF  }
0x109: {  	[tilespmem:s29], [sflag:$0x4] =	stream.linear.gather [spmem:s5], $0x1000, $0x38;
	[tilespmem:$0x1E200] =	vst v63  }
0x10a: {  	_ =	swait.ge [sflag:s30], $0x1000  }
0x10b: {  	[sflag:s30] =	ssyncset.done $0x0  }
0x10c: {  	s14 =	sadd.s32 $0x0, s25;
	[sflag:s30] =	ssyncadd.s32 $0xFFFFF000  }
0x10d: {  	[hbm4b:s14+s3] =	stream.linear.scatter [tilespmem:s29], [sflag:$0x4], $0x1000, $0x38;
	[tilespmem:$0x1E200] =	vst v63  }
0x10e: {  	_ =	swait.ge [sflag:s30], $0x1000  }
0x10f: {  	s15 =	smov.u32 s5;
	s14 =	simm.s32 $0x200;
	[sflag:s30] =	ssyncset.done $0x0  }
.LBB2_6:
0x110: {  	p0 =	sne.s32 s14, $0x2600;
	[sflag:s30] =	ssyncadd.s32 $0xFFFFF000;
	s15 =	sadd.s32 $0x1000, s15  }
0x111: {  	[tilespmem:s29], [sflag:$0x4] =	stream.linear.gather [spmem:s15], $0x1000, $0x38;
	[tilespmem:$0x1E200] =	vst v63  }
0x112: {  	s16 =	smov.u32 s14;
	s14 =	sadd.s32 $0x200, s14;
	_ =	swait.ge [sflag:s30], $0x1000  }
.Ltmp2:
0x113: {  	[sflag:s30] =	ssyncset.done $0x0;
	(pc) =	sbr.rel @p0 .LBB2_6-.Ltmp2, $4  }
0x114: {  	s16 =	sadd.s32 s16, s25;
	[sflag:s30] =	ssyncadd.s32 $0xFFFFF000  }
0x115: {  	[hbm4b:s16+s3] =	stream.linear.scatter [tilespmem:s29], [sflag:$0x4], $0x1000, $0x38;
	[tilespmem:$0x1E200] =	vst v63  }
0x116: {  	_ =	swait.ge [sflag:s30], $0x1000  }
0x117: {  	[sflag:s30] =	ssyncset.done $0x0  }
0x118: {  	s13 =	sadd.s32 $0x1, s13;
	s14 =	rddreg [dreg:$0x4]  }
0x119: {  	p0 =	sne.s32 s13, s14  }
.Ltmp3:
0x11a: {  	_ = 	snop;
	(pc) =	sbr.rel @p0 .LBB2_1-.Ltmp3, $2  }
0x11b: {  	_ =	sdelay $0x2  }
0x11c: {  	[sflag:s30] =	ssyncadd.s32 $0xFFFFF000  }
0x11d: {  	_ =	sfence.sel $0x180000  }
0x11e: {  	[bflag:$0x0] =	sbarrier.arrive $0xFFFF  }
0x11f: {  	_ =	strace $0x9000004D  }
0x120: {  	s0 =	stileid.u32;
	[bflag:$0x2] =	sbarrier.arrive $0xFFFF  }
0x121: {  	p0 =	sne.s32 s0, $0x0;
	s0 =	rddreg [dreg:$0x2]  }
0x122: {  	s0 =	sadd.s32 @!p0 $0x100000, s0  }
0x123: {  	[sflag:s0] =	ssyncadd.tile.s32 @!p0 $0x1;
	_ =	shalt  }
.Lfunc_end2:
_tile_overlayer_lowered:
.L_overlay_start_2:
0x124: {  	(tag) =	ssettag $0x2  }
0x125: {  	s0 =	rddreg [dreg:$0x0];
	s2 =	stileid.u32  }
0x126: {  	s1 =	rddreg [dreg:$0x1];
	p0 =	sne.s32 s2, $0x0  }
0x127: {  	s3 =	rddreg [dreg:$0x2];
	[bflag:$0x3] =	sbarrier.arrive $0xFFFF;
	s2 =	simm.s32 @!p0 $0x1C04  }
0x128: {  	[timem:s3], [sflag:s2] =	dma.local @!p0 [hbm:s0], s1  }
0x129: {  	s0 =	simm.s32 @!p0 $0x4  }
0x12a: {  	_ =	swait.ge @!p0 [sflag:s0], s1  }
0x12b: {  	s1 =	ssub.s32 @!p0 $0x0, s1;
	[sflag:s0] =	ssyncset.done @!p0 $0x0  }
0x12c: {  	[sflag:s0] =	ssyncadd.s32 @!p0 s1  }
0x12d: {  	[bflag:$0x3] =	sbarrier.arrive $0xFFFF  }
0x12e: {  	_ =	shalt  }

// kernel: kernel.8.cloned.1.call-start
scs
__scs_entry_jumppad:
0x0: {  	(pc) =	sbr.rel $0x88, $3  }
0x1: {  	(tag) =	ssettag $0x0;
	lr =	simm.s32 $0x1  }
0x2: {  	[smem:$0x3F95] =	sst lr;
	_ =	strace $0xD0000000  }
0x3: {  	_ = 	snop  }
0x4: {  	_ = 	snop  }
0x5: {  	_ = 	snop  }
0x6: {  	_ = 	snop  }
0x7: {  	_ = 	snop  }
__scs_overlays_trampoline_lowered:
0x8: {  	[smem:$0x3FA4] =	sst s0  }
0x9: {  	[smem:$0x3FA5] =	sst s1  }
0xa: {  	[smem:$0x3FA6] =	sst s2  }
0xb: {  	[smem:$0x3FA7] =	sst s3  }
0xc: {  	[smem:$0x3FA8] =	sst s4  }
0xd: {  	[smem:$0x3FA9] =	sst s5  }
0xe: {  	[smem:$0x3FAA] =	sst s6  }
0xf: {  	[smem:$0x3FAB] =	sst s7  }
0x10: {  	[smem:$0x3FAC] =	sst s8  }
0x11: {  	[smem:$0x3FAD] =	sst s9;
	s0 =	simm.s32 @!p0 $0x0  }
0x12: {  	s1 =	sld [smem:$0x3F93];
	s0 =	simm.s32 @p0 $0x1  }
0x13: {  	[smem:$0x3FAE] =	sst s0;
	s0 =	simm.s32 @!p1 $0x0  }
0x14: {  	s2 =	sld [smem:$0x3F92];
	s0 =	simm.s32 @p1 $0x1  }
0x15: {  	[smem:$0x3FAF] =	sst s0;
	s0 =	simm.s32 @!p2 $0x0  }
0x16: {  	s3 =	sld [smem:$0x3FDB];
	s0 =	simm.s32 @p2 $0x1  }
0x17: {  	s4 =	simm.s32 $0x1BF5;
	[smem:$0x3FB1] =	sst s0  }
0x18: {  	s0 =	sld [smem:$0x3F94];
	_ =	swait.ge [sflag:s4], $0x0  }
0x19: {  	s7 =	sld [smem:$0x3F95]  }
0x1a: {  	s8 =	sadd.s32 $0xFFFFE003, lr  }
0x1b: {  	s9 =	sadd.s32 $0xFFFFFEF7, lr;
	s5 =	simm.s32 $0xFFFFFFFF;
	p2 =	slt.u32 s8, $0xFFFFF086  }
0x1c: {  	p1 =	slt.u32 s9, $0xF7A;
	s5 =	simm.s32 @!p2 $0x0  }
0x1d: {  	s5 =	simm.s32 @p1 $0x1;
	p0 =	seq.s32 s7, s2  }
0x1e: {  	s7 =	smul.u32 @!p0 $0xF7A, s2;
	p2 =	seq.s32 @!p0 s5, $0x0  }
0x1f: {  	s9 =	smul.u32 $0xF7A, s1;
	s8 =	simm.s32 @!p0 $0x1BF5;
	p2 =	por !p2, p0  }
0x20: {  	[sflag:s8] =	ssyncset.s32 @!p0 $0xFFFFF086;
	s6 =	sadd.s32 @!p0 s3, s7;
	s7 =	simm.s32 @!p0 $0x108  }
0x21: {  	s3 =	sadd.s32 s3, s9;
	s6 =	sadd.s32 @!p0 $0x88, s6;
	s7 =	simm.s32 @p2 $0x1082  }
0x22: {  	[simem:s7], [sflag:s8] =	dma.local @!p0 [hbm:s6], $0xF7A  }
0x23: {  	s9 =	sor.u32 $0xD0000000, s2;
	s6 =	simm.s32 $0x108;
	_ =	swait.ge @!p0 [sflag:s8], $0x0  }
0x24: {  	s3 =	sadd.s32 $0x88, s3;
	s6 =	simm.s32 @!p1 $0x1082;
	[sflag:s4] =	ssyncset.s32 $0xFFFFF086  }
0x25: {  	[simem:s6], [sflag:s4] =	dma.local [hbm:s3], $0xF7A  }
0x26: {  	[smem:$0x3F95] =	sst s1;
	(tag) =	ssettag s2;
	_ =	strace s9  }
0x27: {  	s1 =	sld [smem:$0x3FA5]  }
0x28: {  	s2 =	sld [smem:$0x3FA6]  }
0x29: {  	s4 =	sld [smem:$0x3FA8]  }
0x2a: {  	p0 =	seq.s32 s5, $0x0;
	s5 =	sld [smem:$0x3FA9]  }
0x2b: {  	s6 =	sld [smem:$0x3FAA]  }
0x2c: {  	s7 =	sld [smem:$0x3FAB]  }
0x2d: {  	s3 =	simm.s32 $0x108;
	s8 =	sld [smem:$0x3FAC]  }
0x2e: {  	s3 =	simm.s32 @!p0 $0x1082;
	s9 =	sld [smem:$0x3FAD]  }
0x2f: {  	lr =	sadd.s32 s0, s3;
	s0 =	sld [smem:$0x3FA4]  }
0x30: {  	s3 =	sld [smem:$0x3FA7]  }
0x31: {  	[smem:$0x3FB0] =	sst s10  }
0x32: {  	s10 =	sld [smem:$0x3FAE];
	_ =	sdelay $0x3  }
0x33: {  	p0 =	seq.s32 s10, $0x1;
	s10 =	sld [smem:$0x3FB0];
	_ =	sdelay $0x3  }
0x34: {  	[smem:$0x3FB0] =	sst s10  }
0x35: {  	s10 =	sld [smem:$0x3FAF];
	_ =	sdelay $0x3  }
0x36: {  	p1 =	seq.s32 s10, $0x1;
	s10 =	sld [smem:$0x3FB0];
	_ =	sdelay $0x3  }
0x37: {  	[smem:$0x3FB0] =	sst s10  }
0x38: {  	s10 =	sld [smem:$0x3FB1]  }
0x39: {  	_ = 	snop;
	(pc) =	sbr.ind lr, $3  }
0x3a: {  	_ = 	snop  }
0x3b: {  	_ = 	snop  }
0x3c: {  	p2 =	seq.s32 s10, $0x1;
	s10 =	sld [smem:$0x3FB0]  }
0x3d: {  	_ =	shalt  }
0x3e: {  	_ =	shalt  }
0x3f: {  	_ =	shalt  }
0x40: {  	_ =	shalt  }
0x41: {  	_ =	shalt  }
0x42: {  	_ =	shalt  }
0x43: {  	_ =	shalt  }
0x44: {  	_ =	shalt  }
0x45: {  	_ =	shalt  }
0x46: {  	_ =	shalt  }
0x47: {  	_ =	shalt  }
0x48: {  	_ =	shalt  }
0x49: {  	_ =	shalt  }
0x4a: {  	_ =	shalt  }
0x4b: {  	_ =	shalt  }
0x4c: {  	_ =	shalt  }
0x4d: {  	_ =	shalt  }
0x4e: {  	_ =	shalt  }
0x4f: {  	_ =	shalt  }
0x50: {  	_ =	shalt  }
0x51: {  	_ =	shalt  }
0x52: {  	_ =	shalt  }
0x53: {  	_ =	shalt  }
0x54: {  	_ =	shalt  }
0x55: {  	_ =	shalt  }
0x56: {  	_ =	shalt  }
0x57: {  	_ =	shalt  }
0x58: {  	_ =	shalt  }
0x59: {  	_ =	shalt  }
0x5a: {  	_ =	shalt  }
0x5b: {  	_ =	shalt  }
0x5c: {  	_ =	shalt  }
0x5d: {  	_ =	shalt  }
0x5e: {  	_ =	shalt  }
0x5f: {  	_ =	shalt  }
0x60: {  	_ =	shalt  }
0x61: {  	_ =	shalt  }
0x62: {  	_ =	shalt  }
0x63: {  	_ =	shalt  }
0x64: {  	_ =	shalt  }
0x65: {  	_ =	shalt  }
0x66: {  	_ =	shalt  }
0x67: {  	_ =	shalt  }
0x68: {  	_ =	shalt  }
0x69: {  	_ =	shalt  }
0x6a: {  	_ =	shalt  }
0x6b: {  	_ =	shalt  }
0x6c: {  	_ =	shalt  }
0x6d: {  	_ =	shalt  }
0x6e: {  	_ =	shalt  }
0x6f: {  	_ =	shalt  }
0x70: {  	_ =	shalt  }
0x71: {  	_ =	shalt  }
0x72: {  	_ =	shalt  }
0x73: {  	_ =	shalt  }
0x74: {  	_ =	shalt  }
0x75: {  	_ =	shalt  }
0x76: {  	_ =	shalt  }
0x77: {  	_ =	shalt  }
0x78: {  	_ =	shalt  }
0x79: {  	_ =	shalt  }
0x7a: {  	_ =	shalt  }
0x7b: {  	_ =	shalt  }
0x7c: {  	_ =	shalt  }
0x7d: {  	_ =	shalt  }
0x7e: {  	_ =	shalt  }
0x7f: {  	_ =	shalt  }
0x80: {  	_ =	shalt  }
0x81: {  	_ =	shalt  }
0x82: {  	_ =	shalt  }
0x83: {  	_ =	shalt  }
0x84: {  	_ =	shalt  }
0x85: {  	_ =	shalt  }
0x86: {  	_ =	shalt  }
0x87: {  	_ =	shalt  }
.Lfunc_end0:
.L_simem_size_0:
called_computation_lowered:
.L_overlay_start_0:
0x88: {  	s2 =	sld [smem:$0x3FD9]  }
0x89: {  	s3 =	sld [smem:$0x3FFE];
	_ =	sdelay $0x1  }
0x8a: {  	s1 =	srdreg.scid  }
0x8b: {  	s0 =	sand.u32 $0x1, s1  }
0x8c: {  	s16 =	sshll.u32 s0, $0xA;
	s2 =	sadd.s32 s3, s2  }
0x8d: {  	s2 =	sadd.s32 s2, s16  }
0x8e: {  	[smem:$0x3FBC] =	sst s2  }
0x8f: {  	_ = 	snop  }
0x90: {  	(tm) =	ssettm $0x1  }
0x91: {  	s17 =	sld [smem:$0x3FFB];
	_ =	sdelay $0x3  }
0x92: {  	_ =	strace s17  }
0x93: {  	s2 =	sld [smem:$0x3FFC];
	_ =	sdelay $0x3  }
0x94: {  	_ =	strace s2  }
0x95: {  	s2 =	sld [smem:$0x3FFD];
	_ =	sdelay $0x3  }
0x96: {  	_ =	strace s2  }
0x97: {  	_ =	strace $0x8FFFFFFF  }
0x98: {  	s18 =	sld [smem:$0x3FDB];
	_ =	sdelay $0x1  }
0x99: {  	s19 =	simm.s32 $_scs_section_size  }
0x9a: {  	s4 =	simm.s32 $_size__tile_overlayer_lowered;
	s5 =	simm.s32 $_tile_overlayer_lowered  }
0x9b: {  	s22 =	simm.s32 $0x1BFF;
	s21 =	sshll.u32 s5, $0x1;
	s2 =	sadd.s32 s19, s18  }
0x9c: {  	s6 =	simm.s32 $0x0;
	s20 =	sshll.u32 s4, $0x1;
	s4 =	sadd.s32 s21, s2  }
0x9d: {  	[timem:s6], [sflag:s22] =	dma.local [hbm:s4], s20  }
0x9e: {  	_ =	swait.ge [sflag:s22], s20  }
0x9f: {  	s3 =	ssub.s32 $0x0, s20;
	[sflag:s22] =	ssyncset.done $0x0  }
0xa0: {  	[sflag:s22] =	ssyncadd.s32 s3;
	_ =	sdelay $0x1  }
0xa1: {  	s23 =	simm.s32 $0x1B8B  }
0xa2: {  	_ =	swait.ge [sflag:s23], $0x1  }
0xa3: {  	[sflag:s23] =	ssyncset.done $0x0  }
0xa4: {  	s25 =	simm.s32 $0x1B8E;
	s24 =	sld [smem:$0x3FFE];
	[sflag:s23] =	ssyncadd.s32 $0xFFFFFFFF  }
0xa5: {  	s26 =	simm.s32 $execute0_lowered;
	[smem:$0x3FD2] =	sst s25  }
0xa6: {  	s4 =	sshll.u32 s26, $0x1;
	_ =	strace $0x80000046;
	[dreg:$0x1] =	wrdreg $0xFFFFFFFF  }
0xa7: {  	s28 =	simm.s32 $_size_execute0_lowered;
	s2 =	sadd.s32 s2, s4;
	[dreg:$0x0] =	wrdreg $0x0  }
0xa8: {  	s4 =	sshll.u32 s28, $0x1;
	[dreg:$0x2] =	wrdreg s2  }
0xa9: {  	[dreg:$0x3] =	wrdreg s4  }
0xaa: {  	[dreg:$0x4] =	wrdreg $0xC0  }
0xab: {  	_ =	task [dreg:s6], $0x5FFFF  }
0xac: {  	[dreg:$0x1] =	wrdreg $0xFFFFFFFF  }
0xad: {  	[dreg:$0x0] =	wrdreg $0x60  }
0xae: {  	[dreg:$0x2] =	wrdreg s24  }
0xaf: {  	[dreg:$0x3] =	wrdreg $0x44000  }
0xb0: {  	[dreg:$0x4] =	wrdreg $0x9  }
0xb1: {  	_ =	task.clear_ibuf [dreg:s6], $0x5FFFF;
	_ =	strace $0x90000046  }
0xb2: {  	s29 =	simm.s32 $0x9;
	_ =	strace $0x80000048  }
0xb3: {  	_ =	swait.ge [sflag:s29], $0x1  }
0xb4: {  	[sflag:s29] =	ssyncadd.s32 $0xFFFFFFFF  }
0xb5: {  	_ =	strace $0x90000048  }
0xb6: {  	_ =	sfence  }
0xb7: {  	s30 =	sld [smem:$0x0];
	_ =	sdelay $0x2  }
0xb8: {  	s31 =	sshll.u32 s1, $0xD;
	s1 =	sshrl.u32 s1, $0x2  }
0xb9: {  	s3 =	sand.u32 $0x4000, s31;
	s1 =	sadd.s32 s1, s30  }
0xba: {  	s0 =	sor.u32 s3, s0;
	s1 =	sshll.u32 s1, $0x11  }
0xbb: {  	s0 =	sor.u32 s1, s0  }
0xbc: {  	s0 =	sadd.s32 $0x8F2B, s0  }
0xbd: {  	[sflag:s0] =	ssyncadd.remote.s32 $0x1  }
0xbe: {  	_ =	sfence.sel $0xFFFF  }
0xbf: {  	[dreg:$0x0] =	wrdreg $0xFFFFFFFF;
	(pc) =	sbr.abs _section_cstart, $3  }
0xc0: {  	[dreg:$0x1] =	wrdreg $0xFFFFFFFF  }
0xc1: {  	_ =	task.clear_ibuf [dreg:s6], $0x2FFFF;
	_ =	strace $0x9FFFFFFF  }
0xc2: {  	(tm) =	ssettm $0x7FFFFFFF  }
0xc3: {  	_ =	shalt  }
tec
execute0_lowered:
.L_overlay_start_1:
0x0: {  	(tag) =	ssettag $0x1  }
0x1: {  	s4 =	rddreg [dreg:$0x0]  }
0x2: {  	s0 =	srdreg.scid;
	s2 =	rddreg [dreg:$0x1]  }
0x3: {  	s1 =	rddreg [dreg:$0x2];
	s3 =	simm.s32 $0x0;
	s11 =	simm.s32 $0x4000  }
0x4: {  	s12 =	simm.s32 $0x4100;
	s13 =	simm.s32 $0x4080;
	s14 =	simm.s32 $0x1  }
0x5: {  	s15 =	simm.s32 $0x2;
	s16 =	simm.s32 $0x80;
	s17 =	simm.s32 $0x400  }
0x6: {  	s18 =	simm.s32 $0x0;
	s5 =	sand.u32 $0x1, s0;
	s0 =	stileid.u32  }
0x7: {  	[smem:$0x7FF] =	sst s3;
	s6 =	smul.u32 $0x2800, s5;
	s7 =	sshrl.u32 s0, $0x3  }
0x8: {  	s8 =	sshll.u32 s0, $0x7;
	s9 =	sshll.u32 s5, $0xB;
	s26 =	smul.u32 $0xA00, s0  }
0x9: {  	_ =	strace $0x80000047;
	s5 =	ssub.s32 $0x2, s5;
	s7 =	smul.u32 $0x1400, s7  }
0xa: {  	s29 =	sshll.u32 s0, $0xC;
	s24 =	sand.u32 $0x380, s8;
	s25 =	sadd.s32 s9, s4  }
0xb: {  	s28 =	sshrl.u32 s5, $0x1;
	s8 =	simm.s32 $0x4180;
	s6 =	sadd.s32 s6, s7  }
0xc: {  	s9 =	simm.s32 $0x3;
	s10 =	ssub.s32 s5, s28;
	s6 =	sor.u32 s24, s6  }
0xd: {  	s30 =	sshrl.u32 s26, $0x2;
	s31 =	sadd.s32 s29, s25;
	s6 =	sshrl.u32 s6, $0x3  }
0xe: {  	s5 =	sadd.s32 $0x2C00, s31;
	s7 =	smax.u32 s10, $0x1;
	s6 =	sadd.s32 s6, s4  }
0xf: {  	v0 =	vimm.f32 $1.000000000e+00;
	v1 =	vimm.f32 $0.0e+00;
	s10 =	simm.s32 $0x50;
	s4 =	sadd.s32 s30, s2;
	s6 =	sadd.s32 $0x12C00, s6  }
.LBB2_1:
0x10: {  	[tilespmem:$0x4100] =	vst v0  }
0x11: {  	[tilespmem:$0x4110] =	vst v0  }
0x12: {  	[tilespmem:$0x4120] =	vst v0  }
0x13: {  	[tilespmem:$0x4130] =	vst v0  }
0x14: {  	[tilespmem:$0x4140] =	vst v0  }
0x15: {  	[tilespmem:$0x4180] =	vst v1  }
0x16: {  	[tilespmem:$0x4190] =	vst v1  }
0x17: {  	[tilespmem:$0x41A0] =	vst v1  }
0x18: {  	[tilespmem:$0x41B0] =	vst v1  }
0x19: {  	[tilespmem:$0x41C0] =	vst v1  }
0x1a: {  	[tilespmem:$0x41D0] =	vst v1  }
0x1b: {  	[tilespmem:$0x41E0] =	vst v1  }
0x1c: {  	[tilespmem:$0x41F0] =	vst v1  }
0x1d: {  	[tilespmem:$0x4200] =	vst v1  }
0x1e: {  	[tilespmem:$0x4210] =	vst v1  }
0x1f: {  	[tilespmem:$0x4220] =	vst v1  }
0x20: {  	[tilespmem:$0x4230] =	vst v1  }
0x21: {  	[tilespmem:$0x4240] =	vst v1  }
0x22: {  	[tilespmem:$0x4250] =	vst v1  }
0x23: {  	[tilespmem:$0x4260] =	vst v1  }
0x24: {  	[tilespmem:$0x4270] =	vst v1  }
0x25: {  	[tilespmem:$0x4280] =	vst v1  }
0x26: {  	[tilespmem:$0x4290] =	vst v1  }
0x27: {  	[tilespmem:$0x42A0] =	vst v1  }
0x28: {  	[tilespmem:$0x42B0] =	vst v1  }
0x29: {  	[tilespmem:$0x42C0] =	vst v1  }
0x2a: {  	[tilespmem:$0x42D0] =	vst v1  }
0x2b: {  	[tilespmem:$0x42E0] =	vst v1  }
0x2c: {  	[tilespmem:$0x42F0] =	vst v1  }
0x2d: {  	[tilespmem:$0x4300] =	vst v1  }
0x2e: {  	[tilespmem:$0x4310] =	vst v1  }
0x2f: {  	[tilespmem:$0x4320] =	vst v1  }
0x30: {  	[tilespmem:$0x4330] =	vst v1  }
0x31: {  	[tilespmem:$0x4340] =	vst v1  }
0x32: {  	[tilespmem:$0x4350] =	vst v1  }
0x33: {  	[tilespmem:$0x4360] =	vst v1  }
0x34: {  	[tilespmem:$0x4370] =	vst v1  }
0x35: {  	[tilespmem:$0x4380] =	vst v1  }
0x36: {  	[tilespmem:$0x4390] =	vst v1  }
0x37: {  	[tilespmem:$0x43A0] =	vst v1  }
0x38: {  	[tilespmem:$0x43B0] =	vst v1  }
0x39: {  	[tilespmem:$0x43C0] =	vst v1  }
0x3a: {  	[tilespmem:$0x43D0] =	vst v1  }
0x3b: {  	[tilespmem:$0x43E0] =	vst v1  }
0x3c: {  	[tilespmem:$0x43F0] =	vst v1  }
0x3d: {  	[spmem:s4] =	stream.linear.scatter [tilespmem:s8], [sflag:$0x3], $0x280, $0x38;
	[tilespmem:$0x4680] =	vst v63  }
0x3e: {  	_ =	swait.ge [sflag:s9], $0x280  }
0x3f: {  	[sflag:s9] =	ssyncset.done $0x0  }
0x40: {  	[sflag:s9] =	ssyncadd.s32 $0xFFFFFD80  }
0x41: {  	[tilespmem:s3], [sflag:$0x3] =	stream.linear.gather [hbm4b:s5+s3], $0x3E80, $0x38;
	[tilespmem:$0x4680] =	vst v63  }
0x42: {  	_ =	swait.ge [sflag:s9], $0x3E80  }
0x43: {  	[sflag:s9] =	ssyncset.done $0x0  }
0x44: {  	[sflag:s9] =	ssyncadd.s32 $0xFFFFC180  }
0x45: {  	[bflag:$0x0] =	sbarrier.arrive $0xFFFF  }
0x46: {  	v2 =	vld [tilespmem:$0x0]  }
0x47: {  	v3 =	vld [tilespmem:$0x10]  }
0x48: {  	v4 =	vld [tilespmem:$0x20]  }
0x49: {  	v5 =	vld [tilespmem:$0x30]  }
0x4a: {  	v6 =	vld [tilespmem:$0x40]  }
0x4b: {  	[tilespmem:$0x4000] =	vst v2  }
0x4c: {  	[tilespmem:$0x4010] =	vst v3  }
0x4d: {  	[tilespmem:$0x4020] =	vst v4  }
0x4e: {  	[tilespmem:$0x4030] =	vst v5  }
0x4f: {  	s19 =	simm.s32 $0x0;
	[tilespmem:$0x4040] =	vst v6  }
0x50: {  	[spmem:s2] =	stream.indirect.scatter.add.f32 [tilespmem:s12], [sflag:$0x1], $0x1, s11, s10, $0xb8;
	[tilespmem:$0x4680] =	vst v63  }
0x51: {  	v2 =	vld [tilespmem:s19+$0x80];
	_ =	sdelay $0x4  }
0x52: {  	[tilespmem:$0x4080] =	vst v2  }
0x53: {  	v2 =	vld [tilespmem:s19+$0x90];
	_ =	sdelay $0x4  }
0x54: {  	[tilespmem:$0x4090] =	vst v2  }
0x55: {  	v2 =	vld [tilespmem:s19+$0xA0];
	_ =	sdelay $0x4  }
0x56: {  	[tilespmem:$0x40A0] =	vst v2  }
0x57: {  	v2 =	vld [tilespmem:s19+$0xB0];
	_ =	sdelay $0x4  }
0x58: {  	[tilespmem:$0x40B0] =	vst v2  }
0x59: {  	v2 =	vld [tilespmem:s19+$0xC0];
	_ =	sdelay $0x4  }
0x5a: {  	[tilespmem:$0x40C0] =	vst v2  }
0x5b: {  	[spmem:s2] =	stream.indirect.scatter.add.f32 [tilespmem:s12], [sflag:$0x2], $0x1, s13, s10, $0xb8;
	[tilespmem:$0x4680] =	vst v63  }
0x5c: {  	_ =	swait.ge [sflag:s14], $0x50  }
0x5d: {  	[sflag:s14] =	ssyncset.done $0x0  }
0x5e: {  	[sflag:s14] =	ssyncadd.s32 $0xFFFFFFB0  }
0x5f: {  	v2 =	vld [tilespmem:s19+$0x100];
	_ =	sdelay $0x4  }
0x60: {  	[tilespmem:$0x4000] =	vst v2  }
0x61: {  	v2 =	vld [tilespmem:s19+$0x110];
	_ =	sdelay $0x4  }
0x62: {  	[tilespmem:$0x4010] =	vst v2  }
0x63: {  	v2 =	vld [tilespmem:s19+$0x120];
	_ =	sdelay $0x4  }
0x64: {  	[tilespmem:$0x4020] =	vst v2  }
0x65: {  	v2 =	vld [tilespmem:s19+$0x130];
	_ =	sdelay $0x4  }
0x66: {  	[tilespmem:$0x4030] =	vst v2  }
0x67: {  	v2 =	vld [tilespmem:s19+$0x140];
	_ =	sdelay $0x4  }
0x68: {  	[tilespmem:$0x4040] =	vst v2  }
0x69: {  	[spmem:s2] =	stream.indirect.scatter.add.f32 [tilespmem:s12], [sflag:$0x1], $0x1, s11, s10, $0xb8;
	[tilespmem:$0x4680] =	vst v63  }
0x6a: {  	_ =	swait.ge [sflag:s15], $0x50  }
0x6b: {  	s22 =	simm.s32 $0x800;
	s19 =	simm.s32 $0x400;
	[sflag:s15] =	ssyncset.done $0x0  }
.LBB2_2:
0x6c: {  	s21 =	sshra.s32 s19, $0x2  }
0x6d: {  	[sflag:s15] =	ssyncadd.s32 $0xFFFFFFB0;
	s19 =	smov.u32 s22;
	s20 =	sadd.s32 $0x400, s22  }
0x6e: {  	p0 =	sne.s32 s22, $0xF400;
	v2 =	vld [tilespmem:s21+$0x80];
	_ =	sdelay $0x4  }
0x6f: {  	[tilespmem:$0x4080] =	vst v2  }
0x70: {  	v2 =	vld [tilespmem:s21+$0x90];
	_ =	sdelay $0x4  }
0x71: {  	[tilespmem:$0x4090] =	vst v2  }
0x72: {  	v2 =	vld [tilespmem:s21+$0xA0];
	_ =	sdelay $0x4  }
0x73: {  	[tilespmem:$0x40A0] =	vst v2  }
0x74: {  	v2 =	vld [tilespmem:s21+$0xB0];
	_ =	sdelay $0x4  }
0x75: {  	[tilespmem:$0x40B0] =	vst v2  }
0x76: {  	v2 =	vld [tilespmem:s21+$0xC0];
	_ =	sdelay $0x4  }
0x77: {  	[tilespmem:$0x40C0] =	vst v2  }
0x78: {  	[spmem:s2] =	stream.indirect.scatter.add.f32 [tilespmem:s12], [sflag:$0x2], $0x1, s13, s10, $0xb8;
	[tilespmem:$0x4680] =	vst v63  }
0x79: {  	_ =	swait.ge [sflag:s14], $0x50  }
0x7a: {  	[sflag:s14] =	ssyncset.done $0x0  }
0x7b: {  	[sflag:s14] =	ssyncadd.s32 $0xFFFFFFB0  }
0x7c: {  	v2 =	vld [tilespmem:s21+$0x100];
	_ =	sdelay $0x4  }
0x7d: {  	[tilespmem:$0x4000] =	vst v2  }
0x7e: {  	v2 =	vld [tilespmem:s21+$0x110];
	_ =	sdelay $0x4  }
0x7f: {  	[tilespmem:$0x4010] =	vst v2  }
0x80: {  	v2 =	vld [tilespmem:s21+$0x120];
	_ =	sdelay $0x4  }
0x81: {  	[tilespmem:$0x4020] =	vst v2  }
0x82: {  	v2 =	vld [tilespmem:s21+$0x130];
	_ =	sdelay $0x4  }
0x83: {  	[tilespmem:$0x4030] =	vst v2  }
0x84: {  	v2 =	vld [tilespmem:s21+$0x140];
	_ =	sdelay $0x3  }
.Ltmp0:
0x85: {  	(pc) =	sbr.rel @p0 .LBB2_2-.Ltmp0, $4  }
0x86: {  	[tilespmem:$0x4040] =	vst v2  }
0x87: {  	[spmem:s2] =	stream.indirect.scatter.add.f32 [tilespmem:s12], [sflag:$0x1], $0x1, s11, s10, $0xb8;
	[tilespmem:$0x4680] =	vst v63  }
0x88: {  	_ =	swait.ge [sflag:s15], $0x50  }
0x89: {  	s22 =	smov.u32 s20;
	[sflag:s15] =	ssyncset.done $0x0  }
0x8a: {  	s19 =	sshra.s32 s19, $0x2;
	[sflag:s15] =	ssyncadd.s32 $0xFFFFFFB0  }
0x8b: {  	v2 =	vld [tilespmem:s19+$0x80];
	_ =	sdelay $0x4  }
0x8c: {  	[tilespmem:$0x4080] =	vst v2  }
0x8d: {  	v2 =	vld [tilespmem:s19+$0x90];
	_ =	sdelay $0x4  }
0x8e: {  	[tilespmem:$0x4090] =	vst v2  }
0x8f: {  	v2 =	vld [tilespmem:s19+$0xA0];
	_ =	sdelay $0x4  }
0x90: {  	[tilespmem:$0x40A0] =	vst v2  }
0x91: {  	v2 =	vld [tilespmem:s19+$0xB0];
	_ =	sdelay $0x4  }
0x92: {  	[tilespmem:$0x40B0] =	vst v2  }
0x93: {  	v2 =	vld [tilespmem:s19+$0xC0];
	_ =	sdelay $0x4  }
0x94: {  	[tilespmem:$0x40C0] =	vst v2  }
0x95: {  	[spmem:s2] =	stream.indirect.scatter.add.f32 [tilespmem:s12], [sflag:$0x2], $0x1, s13, s10, $0xb8;
	[tilespmem:$0x4680] =	vst v63  }
0x96: {  	_ =	swait.ge [sflag:s14], $0x50  }
0x97: {  	[sflag:s14] =	ssyncset.done $0x0  }
0x98: {  	[sflag:s14] =	ssyncadd.s32 $0xFFFFFFB0  }
0x99: {  	v2 =	vld [tilespmem:s19+$0x100];
	_ =	sdelay $0x4  }
0x9a: {  	[tilespmem:$0x4000] =	vst v2  }
0x9b: {  	v2 =	vld [tilespmem:s19+$0x110];
	_ =	sdelay $0x4  }
0x9c: {  	[tilespmem:$0x4010] =	vst v2  }
0x9d: {  	v2 =	vld [tilespmem:s19+$0x120];
	_ =	sdelay $0x4  }
0x9e: {  	[tilespmem:$0x4020] =	vst v2  }
0x9f: {  	v2 =	vld [tilespmem:s19+$0x130];
	_ =	sdelay $0x4  }
0xa0: {  	[tilespmem:$0x4030] =	vst v2  }
0xa1: {  	v2 =	vld [tilespmem:s19+$0x140];
	_ =	sdelay $0x4  }
0xa2: {  	[tilespmem:$0x4040] =	vst v2  }
0xa3: {  	[spmem:s2] =	stream.indirect.scatter.add.f32 [tilespmem:s12], [sflag:$0x1], $0x1, s11, s10, $0xb8;
	[tilespmem:$0x4680] =	vst v63  }
0xa4: {  	_ =	swait.ge [sflag:s15], $0x50  }
0xa5: {  	[sflag:s15] =	ssyncset.done $0x0  }
0xa6: {  	[sflag:s15] =	ssyncadd.s32 $0xFFFFFFB0  }
0xa7: {  	_ =	swait.ge [sflag:s14], $0x50  }
0xa8: {  	[sflag:s14] =	ssyncset.done $0x0  }
0xa9: {  	[sflag:s14] =	ssyncadd.s32 $0xFFFFFFB0  }
0xaa: {  	[bflag:$0x0] =	sbarrier.arrive $0xFFFF  }
0xab: {  	[tilespmem:s8], [sflag:$0x3] =	stream.linear.gather [spmem:s4], $0x280, $0x38;
	[tilespmem:$0x4680] =	vst v63  }
0xac: {  	s18 =	sadd.s32 $0x1, s18;
	_ =	swait.ge [sflag:s9], $0x280  }
0xad: {  	p0 =	sne.s32 s18, s7;
	[sflag:s9] =	ssyncset.done $0x0  }
.Ltmp1:
0xae: {  	[sflag:s9] =	ssyncadd.s32 $0xFFFFFD80;
	(pc) =	sbr.rel @p0 .LBB2_1-.Ltmp1, $4  }
0xaf: {  	[hbm4b:s6+s16] =	stream.strided.scatter [tilespmem:s8], [sflag:$0x3], $0x280, s17, s16, $0x38;
	[tilespmem:$0x4680] =	vst v63  }
0xb0: {  	_ =	swait.ge [sflag:s9], $0x280  }
0xb1: {  	[sflag:s9] =	ssyncset.done $0x0  }
0xb2: {  	[sflag:s9] =	ssyncadd.s32 $0xFFFFFD80  }
0xb3: {  	_ =	sfence.sel $0x180000  }
0xb4: {  	[bflag:$0x0] =	sbarrier.arrive $0xFFFF  }
0xb5: {  	p0 =	sne.s32 s0, $0x0;
	_ =	strace $0x90000047  }
0xb6: {  	s0 =	sadd.s32 @!p0 $0x100000, s1;
	[bflag:$0x2] =	sbarrier.arrive $0xFFFF  }
0xb7: {  	[sflag:s0] =	ssyncadd.tile.s32 @!p0 $0x1;
	_ =	shalt  }
.Lfunc_end2:
_tile_overlayer_lowered:
.L_overlay_start_2:
0xb8: {  	(tag) =	ssettag $0x2  }
0xb9: {  	s0 =	rddreg [dreg:$0x0];
	s2 =	stileid.u32  }
0xba: {  	s1 =	rddreg [dreg:$0x1];
	p0 =	sne.s32 s2, $0x0  }
0xbb: {  	s3 =	rddreg [dreg:$0x2];
	[bflag:$0x3] =	sbarrier.arrive $0xFFFF;
	s2 =	simm.s32 @!p0 $0x1C03  }
0xbc: {  	[timem:s3], [sflag:s2] =	dma.local @!p0 [hbm:s0], s1  }
0xbd: {  	s0 =	simm.s32 @!p0 $0x3  }
0xbe: {  	_ =	swait.ge @!p0 [sflag:s0], s1  }
0xbf: {  	s1 =	ssub.s32 @!p0 $0x0, s1;
	[sflag:s0] =	ssyncset.done @!p0 $0x0  }
0xc0: {  	[sflag:s0] =	ssyncadd.s32 @!p0 s1  }
0xc1: {  	[bflag:$0x3] =	sbarrier.arrive $0xFFFF  }
0xc2: {  	_ =	shalt  }

</sc_bundles>
